<compile_context>
chip_gen: v7x
topology: tpu7x:2x2x1
jax: 0.10.2.dev20260603
libtpu: 0.0.44.dev20260713+nightly
codegen_flags: <defaults>
</compile_context>

<pallas_src>
import functools

import jax
import jax.numpy as jnp
from jax.experimental import pallas as pl
from jax.experimental.pallas import tpu as pltpu
from jax.experimental.pallas import tpu_sc as plsc

NQ = 4
KC = 1024
D = 384
TM = 512
NTOK = 16 * 576
BETA = 0.25

NH = NTOK
NTH = NH // TM

NW = 32
BPW = NH // NW
GCH = 96


def _dist_step(r_ref, q_ref, cb_ref, nrm_ref, rout_ref, idx_ref, ss_ref,
               *, first):
    E = cb_ref[0]
    n = nrm_ref[0]
    if first:
        r = r_ref[...]
    else:
        r = r_ref[...] - q_ref[...]
        rout_ref[...] = r
        part = jnp.full((8, 128), jnp.sum(r * r), jnp.float32)

        @pl.when(pl.program_id(0) == 0)
        def _():
            ss_ref[...] = part

        @pl.when(pl.program_id(0) != 0)
        def _():
            ss_ref[...] += part

    a = jnp.sum(r * r, axis=1, keepdims=True)
    dot = jax.lax.dot_general(
        r, E, (((1,), (1,)), ((), ())),
        precision=jax.lax.Precision.DEFAULT,
        preferred_element_type=jnp.float32,
    )
    dist = (a - 2.0 * dot) + n
    m = jnp.min(dist, axis=1, keepdims=True)
    iota = jax.lax.broadcasted_iota(jnp.int32, dist.shape, 1)
    idx_ref[...] = jnp.min(jnp.where(dist == m, iota, KC), axis=1,
                           keepdims=True)


def _dist0_step(r_ref, cb_ref, nrm_ref, idx_ref):
    _dist_step(r_ref, None, cb_ref, nrm_ref, None, idx_ref, None, first=True)


def _dist_call(r, q, cb_s, nrm_s, first):
    if first:
        idx = pl.pallas_call(
            _dist0_step,
            grid=(NTH,),
            in_specs=[
                pl.BlockSpec((TM, D), lambda t: (t, 0)),
                pl.BlockSpec((1, KC, D), lambda t: (0, 0, 0)),
                pl.BlockSpec((1, 1, KC), lambda t: (0, 0, 0)),
            ],
            out_specs=pl.BlockSpec((TM, 1), lambda t: (t, 0)),
            out_shape=jax.ShapeDtypeStruct((NH, 1), jnp.int32),
        )(r, cb_s, nrm_s)
        return r, idx, None
    return pl.pallas_call(
        functools.partial(_dist_step, first=False),
        grid=(NTH,),
        in_specs=[
            pl.BlockSpec((TM, D), lambda t: (t, 0)),
            pl.BlockSpec((TM, D), lambda t: (t, 0)),
            pl.BlockSpec((1, KC, D), lambda t: (0, 0, 0)),
            pl.BlockSpec((1, 1, KC), lambda t: (0, 0, 0)),
        ],
        out_specs=[
            pl.BlockSpec((TM, D), lambda t: (t, 0)),
            pl.BlockSpec((TM, 1), lambda t: (t, 0)),
            pl.BlockSpec((8, 128), lambda t: (0, 0)),
        ],
        out_shape=[
            jax.ShapeDtypeStruct((NH, D), jnp.float32),
            jax.ShapeDtypeStruct((NH, 1), jnp.int32),
            jax.ShapeDtypeStruct((8, 128), jnp.float32),
        ],
    )(r, q, cb_s, nrm_s)


def _final_step(x_ref, r_ref, q_ref, out_ref, ss_ref):
    r_new = r_ref[...] - q_ref[...]
    out_ref[...] = x_ref[...] - r_new
    part = jnp.full((8, 128), jnp.sum(r_new * r_new), jnp.float32)

    @pl.when(pl.program_id(0) == 0)
    def _():
        ss_ref[...] = part

    @pl.when(pl.program_id(0) != 0)
    def _():
        ss_ref[...] += part


def _final_call(xh, r, q):
    return pl.pallas_call(
        _final_step,
        grid=(NTH,),
        in_specs=[
            pl.BlockSpec((TM, D), lambda t: (t, 0)),
            pl.BlockSpec((TM, D), lambda t: (t, 0)),
            pl.BlockSpec((TM, D), lambda t: (t, 0)),
        ],
        out_specs=[
            pl.BlockSpec((TM, D), lambda t: (t, 0)),
            pl.BlockSpec((8, 128), lambda t: (0, 0)),
        ],
        out_shape=[
            jax.ShapeDtypeStruct((NH, D), jnp.float32),
            jax.ShapeDtypeStruct((8, 128), jnp.float32),
        ],
    )(xh, r, q)


def _sc_gather(table, idx):
    mesh = plsc.VectorSubcoreMesh(core_axis_name="c", subcore_axis_name="s")

    @functools.partial(
        pl.kernel, mesh=mesh,
        out_type=jax.ShapeDtypeStruct((NH, D), jnp.float32),
        scratch_types=[
            pltpu.VMEM((BPW,), jnp.int32),
            pltpu.VMEM((BPW, D), jnp.float32),
            pltpu.SemaphoreType.DMA,
        ],
    )
    def k(table_hbm, idx_hbm, out_hbm, idx_v, rows_v, sem):
        wid = jax.lax.axis_index("s") * 2 + jax.lax.axis_index("c")
        base = wid * BPW
        pltpu.sync_copy(idx_hbm.at[pl.ds(base, BPW)], idx_v)
        cps = [
            pltpu.async_copy(
                table_hbm.at[idx_v.at[pl.ds(j * GCH, GCH)]],
                rows_v.at[pl.ds(j * GCH, GCH)],
                sem,
            )
            for j in range(BPW // GCH)
        ]
        for cp in cps:
            cp.wait()
        pltpu.sync_copy(rows_v, out_hbm.at[pl.ds(base, BPW)])

    return k(table, idx)


def kernel(x, codebooks):
    xf = x.reshape(NTOK, D)
    nrm = jnp.sum(codebooks ** 2, axis=2)[:, None, :]

    zeros = jnp.zeros((NH, D), jnp.float32)
    r = xf
    qprev = zeros
    idxs = []
    sss = []
    for s in range(NQ):
        r, idx_s, ss_prev = _dist_call(
            r, qprev, codebooks[s:s + 1], nrm[s:s + 1], first=(s == 0))
        idxs.append(idx_s)
        sss.append(ss_prev)
        qprev = _sc_gather(codebooks[s], idx_s.reshape(NH))

    out, ss_last = _final_call(xf, r, qprev)
    sss.append(ss_last)

    quantized_out = out.reshape(x.shape)
    all_indices = jnp.concatenate(idxs, axis=1).reshape(
        x.shape[0], x.shape[1], NQ)
    ss_stage = [sss[s + 1][0, 0] for s in range(NQ)]
    vql = (jnp.stack(ss_stage) / jnp.float32(NTOK * D)).reshape(1, NQ)
    qql = BETA * vql
    return quantized_out, all_indices, vql, qql

# --- scband reference (transcript-rebuilt; emitter-appended) ---
"""Pipeline reference for scband-residual-vq-47072841564918 (READ-ONLY COPY).

The authoritative reference and input builder live on the scoring server;
editing this copy changes nothing except your own understanding.
"""

import jax, jax.numpy as jnp
import numpy as np

NUM_Q = 4
K = 1024
DIM = 384
BETA = 0.25


def setup_inputs(seed: int = 0) -> dict:
    key = jax.random.key(seed)
    k1, k2 = jax.random.split(key)
    x = jax.random.normal(k1, (16, 576, DIM), dtype=jnp.float32)
    # learned codebooks for each of the NUM_Q quantizer stages (embed shape [q, c, d])
    codebooks = jax.random.normal(k2, (NUM_Q, K, DIM), dtype=jnp.float32) * 0.02
    return {"x": x, "codebooks": codebooks}


def _vq_layer(residual, embed):
    # standard euclidean-codebook vector quantize, as used by each residual stage
    shp = residual.shape
    flat = residual.reshape(-1, shp[-1])
    dist = (
        jnp.sum(flat ** 2, axis=1, keepdims=True)
        - 2.0 * (flat @ embed.T)
        + jnp.sum(embed ** 2, axis=1)[None, :]
    )
    idx = jnp.argmin(dist, axis=-1)
    quant = jnp.take(embed, idx, axis=0).reshape(shp)
    idx = idx.reshape(shp[:-1])
    # codebook loss (vqloss) and commitment loss (qqloss)
    vqloss = jnp.mean((jax.lax.stop_gradient(residual) - quant) ** 2)
    qqloss = BETA * jnp.mean((residual - jax.lax.stop_gradient(quant)) ** 2)
    # straight-through estimator
    quant = residual + jax.lax.stop_gradient(quant - residual)
    return quant, idx, vqloss, qqloss


def reference(x, codebooks):
    # project_in / project_out are Identity (codebook_dim == dim)
    quantized_out = jnp.zeros_like(x)
    residual = x
    all_indices = []
    all_vqlosses = []
    all_qqlosses = []
    for qi in range(NUM_Q):
        quant, idx, vql, qql = _vq_layer(residual, codebooks[qi])
        residual = residual - jax.lax.stop_gradient(quant)
        quantized_out = quantized_out + quant
        all_indices.append(idx)
        all_vqlosses.append(vql.reshape(1))
        all_qqlosses.append(qql.reshape(1))
    all_indices = jnp.stack(all_indices, axis=-1)
    all_vqlosses = jnp.stack(all_vqlosses, axis=-1)
    all_qqlosses = jnp.stack(all_qqlosses, axis=-1)
    return quantized_out, all_indices, all_vqlosses, all_qqlosses

if __name__ == "__main__":
    import jax
    _d = setup_inputs()
    print(jax.jit(kernel)(*tuple(_d.values())))

</pallas_src>

<mosaic_0001>
#map = affine_map<(d0, d1) -> (0, 0)>
#map1 = affine_map<(d0, d1) -> (0)>
module attributes {stable_mosaic.version = 14 : i64} {
  func.func @k(%arg0: i32, %arg1: i32, %arg2: memref<1024x384xf32, #tpu.memory_space<hbm>>, %arg3: memref<9216xi32, #tpu.memory_space<hbm>>, %arg4: memref<9216x384xf32, #tpu.memory_space<hbm>>, %arg5: memref<288xi32, #tpu.memory_space<vmem>>, %arg6: memref<288x384xf32, #tpu.memory_space<vmem>>, %arg7: memref<!tpu.dma_semaphore, #tpu.memory_space<semaphore_mem>>) attributes {dimension_semantics = [#tpu.dimension_semantics<core_parallel>, #tpu.dimension_semantics<subcore_parallel>], iteration_bounds = array<i64: 2, 16>, scalar_prefetch = 0 : i64, scratch_operands = 3 : i64, tpu.core_type = #tpu.core_type<sc_vector_subcore>, window_params = [{transform_indices = #map}, {transform_indices = #map1}, {transform_indices = #map}]} {
    %mul3A = arith.constant 2 : i32
    %mul3A_0 = arith.muli %arg1, %mul3A : i32
    %add3A = arith.addi %mul3A_0, %arg0 : i32
    %mul3A_1 = arith.constant 288 : i32
    %mul3A_2 = arith.muli %add3A, %mul3A_1 : i32
    "tpu.region"() ({
      %run_scoped3A = tpu.sem_alloc : memref<!tpu.dma_semaphore, #tpu.memory_space<semaphore_mem>>
      %dma_start3A_49 = tpu.memref_slice %arg3[%mul3A_2] : memref<9216xi32, #tpu.memory_space<hbm>> -> memref<288xi32, #tpu.memory_space<hbm>>
      %dma_start3A_50 = tpu.memref_slice %arg3[%mul3A_2] : memref<9216xi32, #tpu.memory_space<hbm>> -> memref<288xi32, #tpu.memory_space<hbm>>
      tpu.enqueue_dma source(%dma_start3A_50 : memref<288xi32, #tpu.memory_space<hbm>>) target(%arg5 : memref<288xi32, #tpu.memory_space<vmem>>) target_semaphore(%run_scoped3A : memref<!tpu.dma_semaphore, #tpu.memory_space<semaphore_mem>>)
      %dma_wait3A_51 = tpu.memref_slice %arg3[%mul3A_2] : memref<9216xi32, #tpu.memory_space<hbm>> -> memref<288xi32, #tpu.memory_space<hbm>>
      %dma_wait3A_52 = tpu.memref_slice %arg3[%mul3A_2] : memref<9216xi32, #tpu.memory_space<hbm>> -> memref<288xi32, #tpu.memory_space<hbm>>
      tpu.wait_dma2 semaphore(%run_scoped3A : memref<!tpu.dma_semaphore, #tpu.memory_space<semaphore_mem>>) src(%dma_wait3A_52 : memref<288xi32, #tpu.memory_space<hbm>>) dst(%arg5 : memref<288xi32, #tpu.memory_space<vmem>>)
      tpu.yield
    }) : () -> ()
    %dma_start3A = arith.constant 0 : i32
    %dma_start3A_3 = arith.constant 0 : i32
    %dma_start3A_4 = tpu.memref_slice %arg6[%dma_start3A, %dma_start3A_3] : memref<288x384xf32, #tpu.memory_space<vmem>> -> memref<96x384xf32, #tpu.memory_space<vmem>>
    %dma_start3A_5 = arith.constant 0 : i32
    %dma_start3A_6 = tpu.memref_slice %arg5[%dma_start3A_5] : memref<288xi32, #tpu.memory_space<vmem>> -> memref<96xi32, #tpu.memory_space<vmem>>
    %dma_start3A_7 = arith.constant 0 : i32
    %dma_start3A_8 = arith.constant 0 : i32
    %dma_start3A_9 = tpu.memref_slice %arg2[%dma_start3A_7, %dma_start3A_8] : memref<1024x384xf32, #tpu.memory_space<hbm>> -> memref<1024x384xf32, #tpu.memory_space<hbm>>
    tpu.enqueue_indirect_dma source(%dma_start3A_9 : memref<1024x384xf32, #tpu.memory_space<hbm>>) target(%dma_start3A_4 : memref<96x384xf32, #tpu.memory_space<vmem>>) offsets(%dma_start3A_6 : memref<96xi32, #tpu.memory_space<vmem>>) semaphore(%arg7 : memref<!tpu.dma_semaphore, #tpu.memory_space<semaphore_mem>>)
    %dma_start3A_10 = arith.constant 96 : i32
    %dma_start3A_11 = arith.constant 0 : i32
    %dma_start3A_12 = tpu.memref_slice %arg6[%dma_start3A_10, %dma_start3A_11] : memref<288x384xf32, #tpu.memory_space<vmem>> -> memref<96x384xf32, #tpu.memory_space<vmem>>
    %dma_start3A_13 = arith.constant 96 : i32
    %dma_start3A_14 = tpu.memref_slice %arg5[%dma_start3A_13] : memref<288xi32, #tpu.memory_space<vmem>> -> memref<96xi32, #tpu.memory_space<vmem>>
    %dma_start3A_15 = arith.constant 0 : i32
    %dma_start3A_16 = arith.constant 0 : i32
    %dma_start3A_17 = tpu.memref_slice %arg2[%dma_start3A_15, %dma_start3A_16] : memref<1024x384xf32, #tpu.memory_space<hbm>> -> memref<1024x384xf32, #tpu.memory_space<hbm>>
    tpu.enqueue_indirect_dma source(%dma_start3A_17 : memref<1024x384xf32, #tpu.memory_space<hbm>>) target(%dma_start3A_12 : memref<96x384xf32, #tpu.memory_space<vmem>>) offsets(%dma_start3A_14 : memref<96xi32, #tpu.memory_space<vmem>>) semaphore(%arg7 : memref<!tpu.dma_semaphore, #tpu.memory_space<semaphore_mem>>)
    %dma_start3A_18 = arith.constant 192 : i32
    %dma_start3A_19 = arith.constant 0 : i32
    %dma_start3A_20 = tpu.memref_slice %arg6[%dma_start3A_18, %dma_start3A_19] : memref<288x384xf32, #tpu.memory_space<vmem>> -> memref<96x384xf32, #tpu.memory_space<vmem>>
    %dma_start3A_21 = arith.constant 192 : i32
    %dma_start3A_22 = tpu.memref_slice %arg5[%dma_start3A_21] : memref<288xi32, #tpu.memory_space<vmem>> -> memref<96xi32, #tpu.memory_space<vmem>>
    %dma_start3A_23 = arith.constant 0 : i32
    %dma_start3A_24 = arith.constant 0 : i32
    %dma_start3A_25 = tpu.memref_slice %arg2[%dma_start3A_23, %dma_start3A_24] : memref<1024x384xf32, #tpu.memory_space<hbm>> -> memref<1024x384xf32, #tpu.memory_space<hbm>>
    tpu.enqueue_indirect_dma source(%dma_start3A_25 : memref<1024x384xf32, #tpu.memory_space<hbm>>) target(%dma_start3A_20 : memref<96x384xf32, #tpu.memory_space<vmem>>) offsets(%dma_start3A_22 : memref<96xi32, #tpu.memory_space<vmem>>) semaphore(%arg7 : memref<!tpu.dma_semaphore, #tpu.memory_space<semaphore_mem>>)
    %dma_wait3A = arith.constant 0 : i32
    %dma_wait3A_26 = arith.constant 0 : i32
    %dma_wait3A_27 = tpu.memref_slice %arg6[%dma_wait3A, %dma_wait3A_26] : memref<288x384xf32, #tpu.memory_space<vmem>> -> memref<96x384xf32, #tpu.memory_space<vmem>>
    %dma_wait3A_28 = arith.constant 0 : i32
    %dma_wait3A_29 = tpu.memref_slice %arg5[%dma_wait3A_28] : memref<288xi32, #tpu.memory_space<vmem>> -> memref<96xi32, #tpu.memory_space<vmem>>
    %dma_wait3A_30 = arith.constant 0 : i32
    %dma_wait3A_31 = arith.constant 0 : i32
    %dma_wait3A_32 = tpu.memref_slice %arg2[%dma_wait3A_30, %dma_wait3A_31] : memref<1024x384xf32, #tpu.memory_space<hbm>> -> memref<1024x384xf32, #tpu.memory_space<hbm>>
    tpu.wait_indirect_dma semaphore(%arg7 : memref<!tpu.dma_semaphore, #tpu.memory_space<semaphore_mem>>) src(%dma_wait3A_32 : memref<1024x384xf32, #tpu.memory_space<hbm>>) dst(%dma_wait3A_27 : memref<96x384xf32, #tpu.memory_space<vmem>>)
    %dma_wait3A_33 = arith.constant 96 : i32
    %dma_wait3A_34 = arith.constant 0 : i32
    %dma_wait3A_35 = tpu.memref_slice %arg6[%dma_wait3A_33, %dma_wait3A_34] : memref<288x384xf32, #tpu.memory_space<vmem>> -> memref<96x384xf32, #tpu.memory_space<vmem>>
    %dma_wait3A_36 = arith.constant 96 : i32
    %dma_wait3A_37 = tpu.memref_slice %arg5[%dma_wait3A_36] : memref<288xi32, #tpu.memory_space<vmem>> -> memref<96xi32, #tpu.memory_space<vmem>>
    %dma_wait3A_38 = arith.constant 0 : i32
    %dma_wait3A_39 = arith.constant 0 : i32
    %dma_wait3A_40 = tpu.memref_slice %arg2[%dma_wait3A_38, %dma_wait3A_39] : memref<1024x384xf32, #tpu.memory_space<hbm>> -> memref<1024x384xf32, #tpu.memory_space<hbm>>
    tpu.wait_indirect_dma semaphore(%arg7 : memref<!tpu.dma_semaphore, #tpu.memory_space<semaphore_mem>>) src(%dma_wait3A_40 : memref<1024x384xf32, #tpu.memory_space<hbm>>) dst(%dma_wait3A_35 : memref<96x384xf32, #tpu.memory_space<vmem>>)
    %dma_wait3A_41 = arith.constant 192 : i32
    %dma_wait3A_42 = arith.constant 0 : i32
    %dma_wait3A_43 = tpu.memref_slice %arg6[%dma_wait3A_41, %dma_wait3A_42] : memref<288x384xf32, #tpu.memory_space<vmem>> -> memref<96x384xf32, #tpu.memory_space<vmem>>
    %dma_wait3A_44 = arith.constant 192 : i32
    %dma_wait3A_45 = tpu.memref_slice %arg5[%dma_wait3A_44] : memref<288xi32, #tpu.memory_space<vmem>> -> memref<96xi32, #tpu.memory_space<vmem>>
    %dma_wait3A_46 = arith.constant 0 : i32
    %dma_wait3A_47 = arith.constant 0 : i32
    %dma_wait3A_48 = tpu.memref_slice %arg2[%dma_wait3A_46, %dma_wait3A_47] : memref<1024x384xf32, #tpu.memory_space<hbm>> -> memref<1024x384xf32, #tpu.memory_space<hbm>>
    tpu.wait_indirect_dma semaphore(%arg7 : memref<!tpu.dma_semaphore, #tpu.memory_space<semaphore_mem>>) src(%dma_wait3A_48 : memref<1024x384xf32, #tpu.memory_space<hbm>>) dst(%dma_wait3A_43 : memref<96x384xf32, #tpu.memory_space<vmem>>)
    "tpu.region"() ({
      %run_scoped3A = tpu.sem_alloc : memref<!tpu.dma_semaphore, #tpu.memory_space<semaphore_mem>>
      %dma_start3A_49 = arith.constant 0 : i32
      %dma_start3A_50 = tpu.memref_slice %arg4[%mul3A_2, %dma_start3A_49] : memref<9216x384xf32, #tpu.memory_space<hbm>> -> memref<288x384xf32, #tpu.memory_space<hbm>>
      %dma_start3A_51 = arith.constant 0 : i32
      %dma_start3A_52 = tpu.memref_slice %arg4[%mul3A_2, %dma_start3A_51] : memref<9216x384xf32, #tpu.memory_space<hbm>> -> memref<288x384xf32, #tpu.memory_space<hbm>>
      tpu.enqueue_dma source(%arg6 : memref<288x384xf32, #tpu.memory_space<vmem>>) target(%dma_start3A_52 : memref<288x384xf32, #tpu.memory_space<hbm>>) target_semaphore(%run_scoped3A : memref<!tpu.dma_semaphore, #tpu.memory_space<semaphore_mem>>)
      %dma_wait3A_53 = arith.constant 0 : i32
      %dma_wait3A_54 = tpu.memref_slice %arg4[%mul3A_2, %dma_wait3A_53] : memref<9216x384xf32, #tpu.memory_space<hbm>> -> memref<288x384xf32, #tpu.memory_space<hbm>>
      %dma_wait3A_55 = arith.constant 0 : i32
      %dma_wait3A_56 = tpu.memref_slice %arg4[%mul3A_2, %dma_wait3A_55] : memref<9216x384xf32, #tpu.memory_space<hbm>> -> memref<288x384xf32, #tpu.memory_space<hbm>>
      tpu.wait_dma2 semaphore(%run_scoped3A : memref<!tpu.dma_semaphore, #tpu.memory_space<semaphore_mem>>) src(%arg6 : memref<288x384xf32, #tpu.memory_space<vmem>>) dst(%dma_wait3A_56 : memref<288x384xf32, #tpu.memory_space<hbm>>)
      tpu.yield
    }) : () -> ()
    return
  }
}

#map = affine_map<(d0, d1) -> (0, 0)>
#map1 = affine_map<(d0, d1) -> (0)>
module attributes {stable_mosaic.version = 14 : i64} {
  func.func @k(%arg0: i32, %arg1: i32, %arg2: memref<1024x384xf32, #tpu.memory_space<hbm>>, %arg3: memref<9216xi32, #tpu.memory_space<hbm>>, %arg4: memref<9216x384xf32, #tpu.memory_space<hbm>>, %arg5: memref<288xi32, #tpu.memory_space<vmem>>, %arg6: memref<288x384xf32, #tpu.memory_space<vmem>>, %arg7: memref<!tpu.dma_semaphore, #tpu.memory_space<semaphore_mem>>) attributes {dimension_semantics = [#tpu.dimension_semantics<core_parallel>, #tpu.dimension_semantics<subcore_parallel>], iteration_bounds = array<i64: 2, 16>, scalar_prefetch = 0 : i64, scratch_operands = 3 : i64, tpu.core_type = #tpu.core_type<sc_vector_subcore>, window_params = [{transform_indices = #map}, {transform_indices = #map1}, {transform_indices = #map}]} {
    %mul3A = arith.constant 2 : i32
    %mul3A_0 = arith.muli %arg1, %mul3A : i32
    %add3A = arith.addi %mul3A_0, %arg0 : i32
    %mul3A_1 = arith.constant 288 : i32
    %mul3A_2 = arith.muli %add3A, %mul3A_1 : i32
    "tpu.region"() ({
      %run_scoped3A = tpu.sem_alloc : memref<!tpu.dma_semaphore, #tpu.memory_space<semaphore_mem>>
      %dma_start3A_49 = tpu.memref_slice %arg3[%mul3A_2] : memref<9216xi32, #tpu.memory_space<hbm>> -> memref<288xi32, #tpu.memory_space<hbm>>
      %dma_start3A_50 = tpu.memref_slice %arg3[%mul3A_2] : memref<9216xi32, #tpu.memory_space<hbm>> -> memref<288xi32, #tpu.memory_space<hbm>>
      tpu.enqueue_dma source(%dma_start3A_50 : memref<288xi32, #tpu.memory_space<hbm>>) target(%arg5 : memref<288xi32, #tpu.memory_space<vmem>>) target_semaphore(%run_scoped3A : memref<!tpu.dma_semaphore, #tpu.memory_space<semaphore_mem>>)
      %dma_wait3A_51 = tpu.memref_slice %arg3[%mul3A_2] : memref<9216xi32, #tpu.memory_space<hbm>> -> memref<288xi32, #tpu.memory_space<hbm>>
      %dma_wait3A_52 = tpu.memref_slice %arg3[%mul3A_2] : memref<9216xi32, #tpu.memory_space<hbm>> -> memref<288xi32, #tpu.memory_space<hbm>>
      tpu.wait_dma2 semaphore(%run_scoped3A : memref<!tpu.dma_semaphore, #tpu.memory_space<semaphore_mem>>) src(%dma_wait3A_52 : memref<288xi32, #tpu.memory_space<hbm>>) dst(%arg5 : memref<288xi32, #tpu.memory_space<vmem>>)
      tpu.yield
    }) : () -> ()
    %dma_start3A = arith.constant 0 : i32
    %dma_start3A_3 = arith.constant 0 : i32
    %dma_start3A_4 = tpu.memref_slice %arg6[%dma_start3A, %dma_start3A_3] : memref<288x384xf32, #tpu.memory_space<vmem>> -> memref<96x384xf32, #tpu.memory_space<vmem>>
    %dma_start3A_5 = arith.constant 0 : i32
    %dma_start3A_6 = tpu.memref_slice %arg5[%dma_start3A_5] : memref<288xi32, #tpu.memory_space<vmem>> -> memref<96xi32, #tpu.memory_space<vmem>>
    %dma_start3A_7 = arith.constant 0 : i32
    %dma_start3A_8 = arith.constant 0 : i32
    %dma_start3A_9 = tpu.memref_slice %arg2[%dma_start3A_7, %dma_start3A_8] : memref<1024x384xf32, #tpu.memory_space<hbm>> -> memref<1024x384xf32, #tpu.memory_space<hbm>>
    tpu.enqueue_indirect_dma source(%dma_start3A_9 : memref<1024x384xf32, #tpu.memory_space<hbm>>) target(%dma_start3A_4 : memref<96x384xf32, #tpu.memory_space<vmem>>) offsets(%dma_start3A_6 : memref<96xi32, #tpu.memory_space<vmem>>) semaphore(%arg7 : memref<!tpu.dma_semaphore, #tpu.memory_space<semaphore_mem>>)
    %dma_start3A_10 = arith.constant 96 : i32
    %dma_start3A_11 = arith.constant 0 : i32
    %dma_start3A_12 = tpu.memref_slice %arg6[%dma_start3A_10, %dma_start3A_11] : memref<288x384xf32, #tpu.memory_space<vmem>> -> memref<96x384xf32, #tpu.memory_space<vmem>>
    %dma_start3A_13 = arith.constant 96 : i32
    %dma_start3A_14 = tpu.memref_slice %arg5[%dma_start3A_13] : memref<288xi32, #tpu.memory_space<vmem>> -> memref<96xi32, #tpu.memory_space<vmem>>
    %dma_start3A_15 = arith.constant 0 : i32
    %dma_start3A_16 = arith.constant 0 : i32
    %dma_start3A_17 = tpu.memref_slice %arg2[%dma_start3A_15, %dma_start3A_16] : memref<1024x384xf32, #tpu.memory_space<hbm>> -> memref<1024x384xf32, #tpu.memory_space<hbm>>
    tpu.enqueue_indirect_dma source(%dma_start3A_17 : memref<1024x384xf32, #tpu.memory_space<hbm>>) target(%dma_start3A_12 : memref<96x384xf32, #tpu.memory_space<vmem>>) offsets(%dma_start3A_14 : memref<96xi32, #tpu.memory_space<vmem>>) semaphore(%arg7 : memref<!tpu.dma_semaphore, #tpu.memory_space<semaphore_mem>>)
    %dma_start3A_18 = arith.constant 192 : i32
    %dma_start3A_19 = arith.constant 0 : i32
    %dma_start3A_20 = tpu.memref_slice %arg6[%dma_start3A_18, %dma_start3A_19] : memref<288x384xf32, #tpu.memory_space<vmem>> -> memref<96x384xf32, #tpu.memory_space<vmem>>
    %dma_start3A_21 = arith.constant 192 : i32
    %dma_start3A_22 = tpu.memref_slice %arg5[%dma_start3A_21] : memref<288xi32, #tpu.memory_space<vmem>> -> memref<96xi32, #tpu.memory_space<vmem>>
    %dma_start3A_23 = arith.constant 0 : i32
    %dma_start3A_24 = arith.constant 0 : i32
    %dma_start3A_25 = tpu.memref_slice %arg2[%dma_start3A_23, %dma_start3A_24] : memref<1024x384xf32, #tpu.memory_space<hbm>> -> memref<1024x384xf32, #tpu.memory_space<hbm>>
    tpu.enqueue_indirect_dma source(%dma_start3A_25 : memref<1024x384xf32, #tpu.memory_space<hbm>>) target(%dma_start3A_20 : memref<96x384xf32, #tpu.memory_space<vmem>>) offsets(%dma_start3A_22 : memref<96xi32, #tpu.memory_space<vmem>>) semaphore(%arg7 : memref<!tpu.dma_semaphore, #tpu.memory_space<semaphore_mem>>)
    %dma_wait3A = arith.constant 0 : i32
    %dma_wait3A_26 = arith.constant 0 : i32
    %dma_wait3A_27 = tpu.memref_slice %arg6[%dma_wait3A, %dma_wait3A_26] : memref<288x384xf32, #tpu.memory_space<vmem>> -> memref<96x384xf32, #tpu.memory_space<vmem>>
    %dma_wait3A_28 = arith.constant 0 : i32
    %dma_wait3A_29 = tpu.memref_slice %arg5[%dma_wait3A_28] : memref<288xi32, #tpu.memory_space<vmem>> -> memref<96xi32, #tpu.memory_space<vmem>>
    %dma_wait3A_30 = arith.constant 0 : i32
    %dma_wait3A_31 = arith.constant 0 : i32
    %dma_wait3A_32 = tpu.memref_slice %arg2[%dma_wait3A_30, %dma_wait3A_31] : memref<1024x384xf32, #tpu.memory_space<hbm>> -> memref<1024x384xf32, #tpu.memory_space<hbm>>
    tpu.wait_indirect_dma semaphore(%arg7 : memref<!tpu.dma_semaphore, #tpu.memory_space<semaphore_mem>>) src(%dma_wait3A_32 : memref<1024x384xf32, #tpu.memory_space<hbm>>) dst(%dma_wait3A_27 : memref<96x384xf32, #tpu.memory_space<vmem>>)
    %dma_wait3A_33 = arith.constant 96 : i32
    %dma_wait3A_34 = arith.constant 0 : i32
    %dma_wait3A_35 = tpu.memref_slice %arg6[%dma_wait3A_33, %dma_wait3A_34] : memref<288x384xf32, #tpu.memory_space<vmem>> -> memref<96x384xf32, #tpu.memory_space<vmem>>
    %dma_wait3A_36 = arith.constant 96 : i32
    %dma_wait3A_37 = tpu.memref_slice %arg5[%dma_wait3A_36] : memref<288xi32, #tpu.memory_space<vmem>> -> memref<96xi32, #tpu.memory_space<vmem>>
    %dma_wait3A_38 = arith.constant 0 : i32
    %dma_wait3A_39 = arith.constant 0 : i32
    %dma_wait3A_40 = tpu.memref_slice %arg2[%dma_wait3A_38, %dma_wait3A_39] : memref<1024x384xf32, #tpu.memory_space<hbm>> -> memref<1024x384xf32, #tpu.memory_space<hbm>>
    tpu.wait_indirect_dma semaphore(%arg7 : memref<!tpu.dma_semaphore, #tpu.memory_space<semaphore_mem>>) src(%dma_wait3A_40 : memref<1024x384xf32, #tpu.memory_space<hbm>>) dst(%dma_wait3A_35 : memref<96x384xf32, #tpu.memory_space<vmem>>)
    %dma_wait3A_41 = arith.constant 192 : i32
    %dma_wait3A_42 = arith.constant 0 : i32
    %dma_wait3A_43 = tpu.memref_slice %arg6[%dma_wait3A_41, %dma_wait3A_42] : memref<288x384xf32, #tpu.memory_space<vmem>> -> memref<96x384xf32, #tpu.memory_space<vmem>>
    %dma_wait3A_44 = arith.constant 192 : i32
    %dma_wait3A_45 = tpu.memref_slice %arg5[%dma_wait3A_44] : memref<288xi32, #tpu.memory_space<vmem>> -> memref<96xi32, #tpu.memory_space<vmem>>
    %dma_wait3A_46 = arith.constant 0 : i32
    %dma_wait3A_47 = arith.constant 0 : i32
    %dma_wait3A_48 = tpu.memref_slice %arg2[%dma_wait3A_46, %dma_wait3A_47] : memref<1024x384xf32, #tpu.memory_space<hbm>> -> memref<1024x384xf32, #tpu.memory_space<hbm>>
    tpu.wait_indirect_dma semaphore(%arg7 : memref<!tpu.dma_semaphore, #tpu.memory_space<semaphore_mem>>) src(%dma_wait3A_48 : memref<1024x384xf32, #tpu.memory_space<hbm>>) dst(%dma_wait3A_43 : memref<96x384xf32, #tpu.memory_space<vmem>>)
    "tpu.region"() ({
      %run_scoped3A = tpu.sem_alloc : memref<!tpu.dma_semaphore, #tpu.memory_space<semaphore_mem>>
      %dma_start3A_49 = arith.constant 0 : i32
      %dma_start3A_50 = tpu.memref_slice %arg4[%mul3A_2, %dma_start3A_49] : memref<9216x384xf32, #tpu.memory_space<hbm>> -> memref<288x384xf32, #tpu.memory_space<hbm>>
      %dma_start3A_51 = arith.constant 0 : i32
      %dma_start3A_52 = tpu.memref_slice %arg4[%mul3A_2, %dma_start3A_51] : memref<9216x384xf32, #tpu.memory_space<hbm>> -> memref<288x384xf32, #tpu.memory_space<hbm>>
      tpu.enqueue_dma source(%arg6 : memref<288x384xf32, #tpu.memory_space<vmem>>) target(%dma_start3A_52 : memref<288x384xf32, #tpu.memory_space<hbm>>) target_semaphore(%run_scoped3A : memref<!tpu.dma_semaphore, #tpu.memory_space<semaphore_mem>>)
      %dma_wait3A_53 = arith.constant 0 : i32
      %dma_wait3A_54 = tpu.memref_slice %arg4[%mul3A_2, %dma_wait3A_53] : memref<9216x384xf32, #tpu.memory_space<hbm>> -> memref<288x384xf32, #tpu.memory_space<hbm>>
      %dma_wait3A_55 = arith.constant 0 : i32
      %dma_wait3A_56 = tpu.memref_slice %arg4[%mul3A_2, %dma_wait3A_55] : memref<9216x384xf32, #tpu.memory_space<hbm>> -> memref<288x384xf32, #tpu.memory_space<hbm>>
      tpu.wait_dma2 semaphore(%run_scoped3A : memref<!tpu.dma_semaphore, #tpu.memory_space<semaphore_mem>>) src(%arg6 : memref<288x384xf32, #tpu.memory_space<vmem>>) dst(%dma_wait3A_56 : memref<288x384xf32, #tpu.memory_space<hbm>>)
      tpu.yield
    }) : () -> ()
    return
  }
}

#map = affine_map<(d0, d1) -> (0, 0)>
#map1 = affine_map<(d0, d1) -> (0)>
module attributes {stable_mosaic.version = 14 : i64} {
  func.func @k(%arg0: i32, %arg1: i32, %arg2: memref<1024x384xf32, #tpu.memory_space<hbm>>, %arg3: memref<9216xi32, #tpu.memory_space<hbm>>, %arg4: memref<9216x384xf32, #tpu.memory_space<hbm>>, %arg5: memref<288xi32, #tpu.memory_space<vmem>>, %arg6: memref<288x384xf32, #tpu.memory_space<vmem>>, %arg7: memref<!tpu.dma_semaphore, #tpu.memory_space<semaphore_mem>>) attributes {dimension_semantics = [#tpu.dimension_semantics<core_parallel>, #tpu.dimension_semantics<subcore_parallel>], iteration_bounds = array<i64: 2, 16>, scalar_prefetch = 0 : i64, scratch_operands = 3 : i64, tpu.core_type = #tpu.core_type<sc_vector_subcore>, window_params = [{transform_indices = #map}, {transform_indices = #map1}, {transform_indices = #map}]} {
    %mul3A = arith.constant 2 : i32
    %mul3A_0 = arith.muli %arg1, %mul3A : i32
    %add3A = arith.addi %mul3A_0, %arg0 : i32
    %mul3A_1 = arith.constant 288 : i32
    %mul3A_2 = arith.muli %add3A, %mul3A_1 : i32
    "tpu.region"() ({
      %run_scoped3A = tpu.sem_alloc : memref<!tpu.dma_semaphore, #tpu.memory_space<semaphore_mem>>
      %dma_start3A_49 = tpu.memref_slice %arg3[%mul3A_2] : memref<9216xi32, #tpu.memory_space<hbm>> -> memref<288xi32, #tpu.memory_space<hbm>>
      %dma_start3A_50 = tpu.memref_slice %arg3[%mul3A_2] : memref<9216xi32, #tpu.memory_space<hbm>> -> memref<288xi32, #tpu.memory_space<hbm>>
      tpu.enqueue_dma source(%dma_start3A_50 : memref<288xi32, #tpu.memory_space<hbm>>) target(%arg5 : memref<288xi32, #tpu.memory_space<vmem>>) target_semaphore(%run_scoped3A : memref<!tpu.dma_semaphore, #tpu.memory_space<semaphore_mem>>)
      %dma_wait3A_51 = tpu.memref_slice %arg3[%mul3A_2] : memref<9216xi32, #tpu.memory_space<hbm>> -> memref<288xi32, #tpu.memory_space<hbm>>
      %dma_wait3A_52 = tpu.memref_slice %arg3[%mul3A_2] : memref<9216xi32, #tpu.memory_space<hbm>> -> memref<288xi32, #tpu.memory_space<hbm>>
      tpu.wait_dma2 semaphore(%run_scoped3A : memref<!tpu.dma_semaphore, #tpu.memory_space<semaphore_mem>>) src(%dma_wait3A_52 : memref<288xi32, #tpu.memory_space<hbm>>) dst(%arg5 : memref<288xi32, #tpu.memory_space<vmem>>)
      tpu.yield
    }) : () -> ()
    %dma_start3A = arith.constant 0 : i32
    %dma_start3A_3 = arith.constant 0 : i32
    %dma_start3A_4 = tpu.memref_slice %arg6[%dma_start3A, %dma_start3A_3] : memref<288x384xf32, #tpu.memory_space<vmem>> -> memref<96x384xf32, #tpu.memory_space<vmem>>
    %dma_start3A_5 = arith.constant 0 : i32
    %dma_start3A_6 = tpu.memref_slice %arg5[%dma_start3A_5] : memref<288xi32, #tpu.memory_space<vmem>> -> memref<96xi32, #tpu.memory_space<vmem>>
    %dma_start3A_7 = arith.constant 0 : i32
    %dma_start3A_8 = arith.constant 0 : i32
    %dma_start3A_9 = tpu.memref_slice %arg2[%dma_start3A_7, %dma_start3A_8] : memref<1024x384xf32, #tpu.memory_space<hbm>> -> memref<1024x384xf32, #tpu.memory_space<hbm>>
    tpu.enqueue_indirect_dma source(%dma_start3A_9 : memref<1024x384xf32, #tpu.memory_space<hbm>>) target(%dma_start3A_4 : memref<96x384xf32, #tpu.memory_space<vmem>>) offsets(%dma_start3A_6 : memref<96xi32, #tpu.memory_space<vmem>>) semaphore(%arg7 : memref<!tpu.dma_semaphore, #tpu.memory_space<semaphore_mem>>)
    %dma_start3A_10 = arith.constant 96 : i32
    %dma_start3A_11 = arith.constant 0 : i32
    %dma_start3A_12 = tpu.memref_slice %arg6[%dma_start3A_10, %dma_start3A_11] : memref<288x384xf32, #tpu.memory_space<vmem>> -> memref<96x384xf32, #tpu.memory_space<vmem>>
    %dma_start3A_13 = arith.constant 96 : i32
    %dma_start3A_14 = tpu.memref_slice %arg5[%dma_start3A_13] : memref<288xi32, #tpu.memory_space<vmem>> -> memref<96xi32, #tpu.memory_space<vmem>>
    %dma_start3A_15 = arith.constant 0 : i32
    %dma_start3A_16 = arith.constant 0 : i32
    %dma_start3A_17 = tpu.memref_slice %arg2[%dma_start3A_15, %dma_start3A_16] : memref<1024x384xf32, #tpu.memory_space<hbm>> -> memref<1024x384xf32, #tpu.memory_space<hbm>>
    tpu.enqueue_indirect_dma source(%dma_start3A_17 : memref<1024x384xf32, #tpu.memory_space<hbm>>) target(%dma_start3A_12 : memref<96x384xf32, #tpu.memory_space<vmem>>) offsets(%dma_start3A_14 : memref<96xi32, #tpu.memory_space<vmem>>) semaphore(%arg7 : memref<!tpu.dma_semaphore, #tpu.memory_space<semaphore_mem>>)
    %dma_start3A_18 = arith.constant 192 : i32
    %dma_start3A_19 = arith.constant 0 : i32
    %dma_start3A_20 = tpu.memref_slice %arg6[%dma_start3A_18, %dma_start3A_19] : memref<288x384xf32, #tpu.memory_space<vmem>> -> memref<96x384xf32, #tpu.memory_space<vmem>>
    %dma_start3A_21 = arith.constant 192 : i32
    %dma_start3A_22 = tpu.memref_slice %arg5[%dma_start3A_21] : memref<288xi32, #tpu.memory_space<vmem>> -> memref<96xi32, #tpu.memory_space<vmem>>
    %dma_start3A_23 = arith.constant 0 : i32
    %dma_start3A_24 = arith.constant 0 : i32
    %dma_start3A_25 = tpu.memref_slice %arg2[%dma_start3A_23, %dma_start3A_24] : memref<1024x384xf32, #tpu.memory_space<hbm>> -> memref<1024x384xf32, #tpu.memory_space<hbm>>
    tpu.enqueue_indirect_dma source(%dma_start3A_25 : memref<1024x384xf32, #tpu.memory_space<hbm>>) target(%dma_start3A_20 : memref<96x384xf32, #tpu.memory_space<vmem>>) offsets(%dma_start3A_22 : memref<96xi32, #tpu.memory_space<vmem>>) semaphore(%arg7 : memref<!tpu.dma_semaphore, #tpu.memory_space<semaphore_mem>>)
    %dma_wait3A = arith.constant 0 : i32
    %dma_wait3A_26 = arith.constant 0 : i32
    %dma_wait3A_27 = tpu.memref_slice %arg6[%dma_wait3A, %dma_wait3A_26] : memref<288x384xf32, #tpu.memory_space<vmem>> -> memref<96x384xf32, #tpu.memory_space<vmem>>
    %dma_wait3A_28 = arith.constant 0 : i32
    %dma_wait3A_29 = tpu.memref_slice %arg5[%dma_wait3A_28] : memref<288xi32, #tpu.memory_space<vmem>> -> memref<96xi32, #tpu.memory_space<vmem>>
    %dma_wait3A_30 = arith.constant 0 : i32
    %dma_wait3A_31 = arith.constant 0 : i32
    %dma_wait3A_32 = tpu.memref_slice %arg2[%dma_wait3A_30, %dma_wait3A_31] : memref<1024x384xf32, #tpu.memory_space<hbm>> -> memref<1024x384xf32, #tpu.memory_space<hbm>>
    tpu.wait_indirect_dma semaphore(%arg7 : memref<!tpu.dma_semaphore, #tpu.memory_space<semaphore_mem>>) src(%dma_wait3A_32 : memref<1024x384xf32, #tpu.memory_space<hbm>>) dst(%dma_wait3A_27 : memref<96x384xf32, #tpu.memory_space<vmem>>)
    %dma_wait3A_33 = arith.constant 96 : i32
    %dma_wait3A_34 = arith.constant 0 : i32
    %dma_wait3A_35 = tpu.memref_slice %arg6[%dma_wait3A_33, %dma_wait3A_34] : memref<288x384xf32, #tpu.memory_space<vmem>> -> memref<96x384xf32, #tpu.memory_space<vmem>>
    %dma_wait3A_36 = arith.constant 96 : i32
    %dma_wait3A_37 = tpu.memref_slice %arg5[%dma_wait3A_36] : memref<288xi32, #tpu.memory_space<vmem>> -> memref<96xi32, #tpu.memory_space<vmem>>
    %dma_wait3A_38 = arith.constant 0 : i32
    %dma_wait3A_39 = arith.constant 0 : i32
    %dma_wait3A_40 = tpu.memref_slice %arg2[%dma_wait3A_38, %dma_wait3A_39] : memref<1024x384xf32, #tpu.memory_space<hbm>> -> memref<1024x384xf32, #tpu.memory_space<hbm>>
    tpu.wait_indirect_dma semaphore(%arg7 : memref<!tpu.dma_semaphore, #tpu.memory_space<semaphore_mem>>) src(%dma_wait3A_40 : memref<1024x384xf32, #tpu.memory_space<hbm>>) dst(%dma_wait3A_35 : memref<96x384xf32, #tpu.memory_space<vmem>>)
    %dma_wait3A_41 = arith.constant 192 : i32
    %dma_wait3A_42 = arith.constant 0 : i32
    %dma_wait3A_43 = tpu.memref_slice %arg6[%dma_wait3A_41, %dma_wait3A_42] : memref<288x384xf32, #tpu.memory_space<vmem>> -> memref<96x384xf32, #tpu.memory_space<vmem>>
    %dma_wait3A_44 = arith.constant 192 : i32
    %dma_wait3A_45 = tpu.memref_slice %arg5[%dma_wait3A_44] : memref<288xi32, #tpu.memory_space<vmem>> -> memref<96xi32, #tpu.memory_space<vmem>>
    %dma_wait3A_46 = arith.constant 0 : i32
    %dma_wait3A_47 = arith.constant 0 : i32
    %dma_wait3A_48 = tpu.memref_slice %arg2[%dma_wait3A_46, %dma_wait3A_47] : memref<1024x384xf32, #tpu.memory_space<hbm>> -> memref<1024x384xf32, #tpu.memory_space<hbm>>
    tpu.wait_indirect_dma semaphore(%arg7 : memref<!tpu.dma_semaphore, #tpu.memory_space<semaphore_mem>>) src(%dma_wait3A_48 : memref<1024x384xf32, #tpu.memory_space<hbm>>) dst(%dma_wait3A_43 : memref<96x384xf32, #tpu.memory_space<vmem>>)
    "tpu.region"() ({
      %run_scoped3A = tpu.sem_alloc : memref<!tpu.dma_semaphore, #tpu.memory_space<semaphore_mem>>
      %dma_start3A_49 = arith.constant 0 : i32
      %dma_start3A_50 = tpu.memref_slice %arg4[%mul3A_2, %dma_start3A_49] : memref<9216x384xf32, #tpu.memory_space<hbm>> -> memref<288x384xf32, #tpu.memory_space<hbm>>
      %dma_start3A_51 = arith.constant 0 : i32
      %dma_start3A_52 = tpu.memref_slice %arg4[%mul3A_2, %dma_start3A_51] : memref<9216x384xf32, #tpu.memory_space<hbm>> -> memref<288x384xf32, #tpu.memory_space<hbm>>
      tpu.enqueue_dma source(%arg6 : memref<288x384xf32, #tpu.memory_space<vmem>>) target(%dma_start3A_52 : memref<288x384xf32, #tpu.memory_space<hbm>>) target_semaphore(%run_scoped3A : memref<!tpu.dma_semaphore, #tpu.memory_space<semaphore_mem>>)
      %dma_wait3A_53 = arith.constant 0 : i32
      %dma_wait3A_54 = tpu.memref_slice %arg4[%mul3A_2, %dma_wait3A_53] : memref<9216x384xf32, #tpu.memory_space<hbm>> -> memref<288x384xf32, #tpu.memory_space<hbm>>
      %dma_wait3A_55 = arith.constant 0 : i32
      %dma_wait3A_56 = tpu.memref_slice %arg4[%mul3A_2, %dma_wait3A_55] : memref<9216x384xf32, #tpu.memory_space<hbm>> -> memref<288x384xf32, #tpu.memory_space<hbm>>
      tpu.wait_dma2 semaphore(%run_scoped3A : memref<!tpu.dma_semaphore, #tpu.memory_space<semaphore_mem>>) src(%arg6 : memref<288x384xf32, #tpu.memory_space<vmem>>) dst(%dma_wait3A_56 : memref<288x384xf32, #tpu.memory_space<hbm>>)
      tpu.yield
    }) : () -> ()
    return
  }
}

#map = affine_map<(d0, d1) -> (0, 0)>
#map1 = affine_map<(d0, d1) -> (0)>
module attributes {stable_mosaic.version = 14 : i64} {
  func.func @k(%arg0: i32, %arg1: i32, %arg2: memref<1024x384xf32, #tpu.memory_space<hbm>>, %arg3: memref<9216xi32, #tpu.memory_space<hbm>>, %arg4: memref<9216x384xf32, #tpu.memory_space<hbm>>, %arg5: memref<288xi32, #tpu.memory_space<vmem>>, %arg6: memref<288x384xf32, #tpu.memory_space<vmem>>, %arg7: memref<!tpu.dma_semaphore, #tpu.memory_space<semaphore_mem>>) attributes {dimension_semantics = [#tpu.dimension_semantics<core_parallel>, #tpu.dimension_semantics<subcore_parallel>], iteration_bounds = array<i64: 2, 16>, scalar_prefetch = 0 : i64, scratch_operands = 3 : i64, tpu.core_type = #tpu.core_type<sc_vector_subcore>, window_params = [{transform_indices = #map}, {transform_indices = #map1}, {transform_indices = #map}]} {
    %mul3A = arith.constant 2 : i32
    %mul3A_0 = arith.muli %arg1, %mul3A : i32
    %add3A = arith.addi %mul3A_0, %arg0 : i32
    %mul3A_1 = arith.constant 288 : i32
    %mul3A_2 = arith.muli %add3A, %mul3A_1 : i32
    "tpu.region"() ({
      %run_scoped3A = tpu.sem_alloc : memref<!tpu.dma_semaphore, #tpu.memory_space<semaphore_mem>>
      %dma_start3A_49 = tpu.memref_slice %arg3[%mul3A_2] : memref<9216xi32, #tpu.memory_space<hbm>> -> memref<288xi32, #tpu.memory_space<hbm>>
      %dma_start3A_50 = tpu.memref_slice %arg3[%mul3A_2] : memref<9216xi32, #tpu.memory_space<hbm>> -> memref<288xi32, #tpu.memory_space<hbm>>
      tpu.enqueue_dma source(%dma_start3A_50 : memref<288xi32, #tpu.memory_space<hbm>>) target(%arg5 : memref<288xi32, #tpu.memory_space<vmem>>) target_semaphore(%run_scoped3A : memref<!tpu.dma_semaphore, #tpu.memory_space<semaphore_mem>>)
      %dma_wait3A_51 = tpu.memref_slice %arg3[%mul3A_2] : memref<9216xi32, #tpu.memory_space<hbm>> -> memref<288xi32, #tpu.memory_space<hbm>>
      %dma_wait3A_52 = tpu.memref_slice %arg3[%mul3A_2] : memref<9216xi32, #tpu.memory_space<hbm>> -> memref<288xi32, #tpu.memory_space<hbm>>
      tpu.wait_dma2 semaphore(%run_scoped3A : memref<!tpu.dma_semaphore, #tpu.memory_space<semaphore_mem>>) src(%dma_wait3A_52 : memref<288xi32, #tpu.memory_space<hbm>>) dst(%arg5 : memref<288xi32, #tpu.memory_space<vmem>>)
      tpu.yield
    }) : () -> ()
    %dma_start3A = arith.constant 0 : i32
    %dma_start3A_3 = arith.constant 0 : i32
    %dma_start3A_4 = tpu.memref_slice %arg6[%dma_start3A, %dma_start3A_3] : memref<288x384xf32, #tpu.memory_space<vmem>> -> memref<96x384xf32, #tpu.memory_space<vmem>>
    %dma_start3A_5 = arith.constant 0 : i32
    %dma_start3A_6 = tpu.memref_slice %arg5[%dma_start3A_5] : memref<288xi32, #tpu.memory_space<vmem>> -> memref<96xi32, #tpu.memory_space<vmem>>
    %dma_start3A_7 = arith.constant 0 : i32
    %dma_start3A_8 = arith.constant 0 : i32
    %dma_start3A_9 = tpu.memref_slice %arg2[%dma_start3A_7, %dma_start3A_8] : memref<1024x384xf32, #tpu.memory_space<hbm>> -> memref<1024x384xf32, #tpu.memory_space<hbm>>
    tpu.enqueue_indirect_dma source(%dma_start3A_9 : memref<1024x384xf32, #tpu.memory_space<hbm>>) target(%dma_start3A_4 : memref<96x384xf32, #tpu.memory_space<vmem>>) offsets(%dma_start3A_6 : memref<96xi32, #tpu.memory_space<vmem>>) semaphore(%arg7 : memref<!tpu.dma_semaphore, #tpu.memory_space<semaphore_mem>>)
    %dma_start3A_10 = arith.constant 96 : i32
    %dma_start3A_11 = arith.constant 0 : i32
    %dma_start3A_12 = tpu.memref_slice %arg6[%dma_start3A_10, %dma_start3A_11] : memref<288x384xf32, #tpu.memory_space<vmem>> -> memref<96x384xf32, #tpu.memory_space<vmem>>
    %dma_start3A_13 = arith.constant 96 : i32
    %dma_start3A_14 = tpu.memref_slice %arg5[%dma_start3A_13] : memref<288xi32, #tpu.memory_space<vmem>> -> memref<96xi32, #tpu.memory_space<vmem>>
    %dma_start3A_15 = arith.constant 0 : i32
    %dma_start3A_16 = arith.constant 0 : i32
    %dma_start3A_17 = tpu.memref_slice %arg2[%dma_start3A_15, %dma_start3A_16] : memref<1024x384xf32, #tpu.memory_space<hbm>> -> memref<1024x384xf32, #tpu.memory_space<hbm>>
    tpu.enqueue_indirect_dma source(%dma_start3A_17 : memref<1024x384xf32, #tpu.memory_space<hbm>>) target(%dma_start3A_12 : memref<96x384xf32, #tpu.memory_space<vmem>>) offsets(%dma_start3A_14 : memref<96xi32, #tpu.memory_space<vmem>>) semaphore(%arg7 : memref<!tpu.dma_semaphore, #tpu.memory_space<semaphore_mem>>)
    %dma_start3A_18 = arith.constant 192 : i32
    %dma_start3A_19 = arith.constant 0 : i32
    %dma_start3A_20 = tpu.memref_slice %arg6[%dma_start3A_18, %dma_start3A_19] : memref<288x384xf32, #tpu.memory_space<vmem>> -> memref<96x384xf32, #tpu.memory_space<vmem>>
    %dma_start3A_21 = arith.constant 192 : i32
    %dma_start3A_22 = tpu.memref_slice %arg5[%dma_start3A_21] : memref<288xi32, #tpu.memory_space<vmem>> -> memref<96xi32, #tpu.memory_space<vmem>>
    %dma_start3A_23 = arith.constant 0 : i32
    %dma_start3A_24 = arith.constant 0 : i32
    %dma_start3A_25 = tpu.memref_slice %arg2[%dma_start3A_23, %dma_start3A_24] : memref<1024x384xf32, #tpu.memory_space<hbm>> -> memref<1024x384xf32, #tpu.memory_space<hbm>>
    tpu.enqueue_indirect_dma source(%dma_start3A_25 : memref<1024x384xf32, #tpu.memory_space<hbm>>) target(%dma_start3A_20 : memref<96x384xf32, #tpu.memory_space<vmem>>) offsets(%dma_start3A_22 : memref<96xi32, #tpu.memory_space<vmem>>) semaphore(%arg7 : memref<!tpu.dma_semaphore, #tpu.memory_space<semaphore_mem>>)
    %dma_wait3A = arith.constant 0 : i32
    %dma_wait3A_26 = arith.constant 0 : i32
    %dma_wait3A_27 = tpu.memref_slice %arg6[%dma_wait3A, %dma_wait3A_26] : memref<288x384xf32, #tpu.memory_space<vmem>> -> memref<96x384xf32, #tpu.memory_space<vmem>>
    %dma_wait3A_28 = arith.constant 0 : i32
    %dma_wait3A_29 = tpu.memref_slice %arg5[%dma_wait3A_28] : memref<288xi32, #tpu.memory_space<vmem>> -> memref<96xi32, #tpu.memory_space<vmem>>
    %dma_wait3A_30 = arith.constant 0 : i32
    %dma_wait3A_31 = arith.constant 0 : i32
    %dma_wait3A_32 = tpu.memref_slice %arg2[%dma_wait3A_30, %dma_wait3A_31] : memref<1024x384xf32, #tpu.memory_space<hbm>> -> memref<1024x384xf32, #tpu.memory_space<hbm>>
    tpu.wait_indirect_dma semaphore(%arg7 : memref<!tpu.dma_semaphore, #tpu.memory_space<semaphore_mem>>) src(%dma_wait3A_32 : memref<1024x384xf32, #tpu.memory_space<hbm>>) dst(%dma_wait3A_27 : memref<96x384xf32, #tpu.memory_space<vmem>>)
    %dma_wait3A_33 = arith.constant 96 : i32
    %dma_wait3A_34 = arith.constant 0 : i32
    %dma_wait3A_35 = tpu.memref_slice %arg6[%dma_wait3A_33, %dma_wait3A_34] : memref<288x384xf32, #tpu.memory_space<vmem>> -> memref<96x384xf32, #tpu.memory_space<vmem>>
    %dma_wait3A_36 = arith.constant 96 : i32
    %dma_wait3A_37 = tpu.memref_slice %arg5[%dma_wait3A_36] : memref<288xi32, #tpu.memory_space<vmem>> -> memref<96xi32, #tpu.memory_space<vmem>>
    %dma_wait3A_38 = arith.constant 0 : i32
    %dma_wait3A_39 = arith.constant 0 : i32
    %dma_wait3A_40 = tpu.memref_slice %arg2[%dma_wait3A_38, %dma_wait3A_39] : memref<1024x384xf32, #tpu.memory_space<hbm>> -> memref<1024x384xf32, #tpu.memory_space<hbm>>
    tpu.wait_indirect_dma semaphore(%arg7 : memref<!tpu.dma_semaphore, #tpu.memory_space<semaphore_mem>>) src(%dma_wait3A_40 : memref<1024x384xf32, #tpu.memory_space<hbm>>) dst(%dma_wait3A_35 : memref<96x384xf32, #tpu.memory_space<vmem>>)
    %dma_wait3A_41 = arith.constant 192 : i32
    %dma_wait3A_42 = arith.constant 0 : i32
    %dma_wait3A_43 = tpu.memref_slice %arg6[%dma_wait3A_41, %dma_wait3A_42] : memref<288x384xf32, #tpu.memory_space<vmem>> -> memref<96x384xf32, #tpu.memory_space<vmem>>
    %dma_wait3A_44 = arith.constant 192 : i32
    %dma_wait3A_45 = tpu.memref_slice %arg5[%dma_wait3A_44] : memref<288xi32, #tpu.memory_space<vmem>> -> memref<96xi32, #tpu.memory_space<vmem>>
    %dma_wait3A_46 = arith.constant 0 : i32
    %dma_wait3A_47 = arith.constant 0 : i32
    %dma_wait3A_48 = tpu.memref_slice %arg2[%dma_wait3A_46, %dma_wait3A_47] : memref<1024x384xf32, #tpu.memory_space<hbm>> -> memref<1024x384xf32, #tpu.memory_space<hbm>>
    tpu.wait_indirect_dma semaphore(%arg7 : memref<!tpu.dma_semaphore, #tpu.memory_space<semaphore_mem>>) src(%dma_wait3A_48 : memref<1024x384xf32, #tpu.memory_space<hbm>>) dst(%dma_wait3A_43 : memref<96x384xf32, #tpu.memory_space<vmem>>)
    "tpu.region"() ({
      %run_scoped3A = tpu.sem_alloc : memref<!tpu.dma_semaphore, #tpu.memory_space<semaphore_mem>>
      %dma_start3A_49 = arith.constant 0 : i32
      %dma_start3A_50 = tpu.memref_slice %arg4[%mul3A_2, %dma_start3A_49] : memref<9216x384xf32, #tpu.memory_space<hbm>> -> memref<288x384xf32, #tpu.memory_space<hbm>>
      %dma_start3A_51 = arith.constant 0 : i32
      %dma_start3A_52 = tpu.memref_slice %arg4[%mul3A_2, %dma_start3A_51] : memref<9216x384xf32, #tpu.memory_space<hbm>> -> memref<288x384xf32, #tpu.memory_space<hbm>>
      tpu.enqueue_dma source(%arg6 : memref<288x384xf32, #tpu.memory_space<vmem>>) target(%dma_start3A_52 : memref<288x384xf32, #tpu.memory_space<hbm>>) target_semaphore(%run_scoped3A : memref<!tpu.dma_semaphore, #tpu.memory_space<semaphore_mem>>)
      %dma_wait3A_53 = arith.constant 0 : i32
      %dma_wait3A_54 = tpu.memref_slice %arg4[%mul3A_2, %dma_wait3A_53] : memref<9216x384xf32, #tpu.memory_space<hbm>> -> memref<288x384xf32, #tpu.memory_space<hbm>>
      %dma_wait3A_55 = arith.constant 0 : i32
      %dma_wait3A_56 = tpu.memref_slice %arg4[%mul3A_2, %dma_wait3A_55] : memref<9216x384xf32, #tpu.memory_space<hbm>> -> memref<288x384xf32, #tpu.memory_space<hbm>>
      tpu.wait_dma2 semaphore(%run_scoped3A : memref<!tpu.dma_semaphore, #tpu.memory_space<semaphore_mem>>) src(%arg6 : memref<288x384xf32, #tpu.memory_space<vmem>>) dst(%dma_wait3A_56 : memref<288x384xf32, #tpu.memory_space<hbm>>)
      tpu.yield
    }) : () -> ()
    return
  }
}

module attributes {stable_mosaic.version = 14 : i64} {
  func.func @_dist0_step(%arg0: i32, %arg1: memref<512x384xf32, #tpu.memory_space<vmem>>, %arg2: memref<1x1024x384xf32, #tpu.memory_space<vmem>>, %arg3: memref<1x1x1024xf32, #tpu.memory_space<vmem>>, %arg4: memref<512x1xi32, #tpu.memory_space<vmem>>) attributes {dimension_semantics = [#tpu.dimension_semantics<arbitrary>], iteration_bounds = array<i64: 18>, scalar_prefetch = 0 : i64, scratch_operands = 0 : i64, tpu.core_type = #tpu.core_type<tc>, window_params = [{transform_indices = @transform_0, window_bounds = array<i64: 512, 384>}, {pipeline_mode = #tpu.pipeline_mode<synchronous>, transform_indices = @transform_1, window_bounds = array<i64: 1, 1024, 384>}, {pipeline_mode = #tpu.pipeline_mode<synchronous>, transform_indices = @transform_2, window_bounds = array<i64: 1, 1, 1024>}, {transform_indices = @transform_3, window_bounds = array<i64: 512, 1>}]} {
    %get3A = arith.constant 0 : index
    %get3A_0 = arith.constant 0 : index
    %get3A_1 = arith.constant 0 : index
    %get3A_2 = vector.load %arg2[%get3A, %get3A_0, %get3A_1] : memref<1x1024x384xf32, #tpu.memory_space<vmem>>, vector<1x1024x384xf32>
    %get3A_3 = vector.shape_cast %get3A_2 : vector<1x1024x384xf32> to vector<1024x384xf32>
    %get3A_4 = arith.constant 0 : index
    %get3A_5 = arith.constant 0 : index
    %get3A_6 = arith.constant 0 : index
    %get3A_7 = vector.load %arg3[%get3A_4, %get3A_5, %get3A_6] : memref<1x1x1024xf32, #tpu.memory_space<vmem>>, vector<1x1x1024xf32>
    %get3A_8 = vector.shape_cast %get3A_7 : vector<1x1x1024xf32> to vector<1x1024xf32>
    %get3A_9 = arith.constant 0 : index
    %get3A_10 = arith.constant 0 : index
    %get3A_11 = vector.load %arg1[%get3A_9, %get3A_10] : memref<512x384xf32, #tpu.memory_space<vmem>>, vector<512x384xf32>
    %mul3A = arith.mulf %get3A_11, %get3A_11 : vector<512x384xf32>
    %reduce_sum3A = arith.constant dense<0.000000e+00> : vector<512xf32>
    %reduce_sum3A_12 = vector.multi_reduction <add>, %mul3A, %reduce_sum3A [1] : vector<512x384xf32> to vector<512xf32>
    %broadcast_in_dim3A = vector.shape_cast %reduce_sum3A_12 : vector<512xf32> to vector<512x1xf32>
    %dot_general3A = arith.constant dense<0.000000e+00> : vector<512x1024xf32>
    %dot_general3A_13 = tpu.matmul %get3A_11, %get3A_3, %dot_general3A {dimension_numbers = #tpu.dot_dimension_numbers<[1], [1], [0], [0], [0, 0, 1, 0], [], []>, transpose_lhs_hint = false} : vector<512x384xf32>, vector<1024x384xf32>, vector<512x1024xf32> -> vector<512x1024xf32>
    %mul3A_14 = arith.constant 2.000000e+00 : f32
    %mul3A_15 = vector.broadcast %mul3A_14 : f32 to vector<512x1024xf32>
    %mul3A_16 = arith.mulf %mul3A_15, %dot_general3A_13 : vector<512x1024xf32>
    %sub3A = vector.broadcast %broadcast_in_dim3A : vector<512x1xf32> to vector<512x1024xf32>
    %sub3A_17 = arith.subf %sub3A, %mul3A_16 : vector<512x1024xf32>
    %add3A = vector.broadcast %get3A_8 : vector<1x1024xf32> to vector<512x1024xf32>
    %add3A_18 = arith.addf %sub3A_17, %add3A : vector<512x1024xf32>
    %reduce_min3A = arith.constant dense<0x7F800000> : vector<512xf32>
    %reduce_min3A_19 = vector.multi_reduction <minimumf>, %add3A_18, %reduce_min3A [1] : vector<512x1024xf32> to vector<512xf32>
    %broadcast_in_dim3A_20 = vector.shape_cast %reduce_min3A_19 : vector<512xf32> to vector<512x1xf32>
    %iota3A = tpu.iota {dimensions = array<i32: 1>} : vector<512x1024xi32>
    %eq3A = vector.broadcast %broadcast_in_dim3A_20 : vector<512x1xf32> to vector<512x1024xf32>
    %eq3A_21 = arith.cmpf oeq, %add3A_18, %eq3A : vector<512x1024xf32>
    %jit3A = arith.constant 1024 : i32
    %broadcast_in_dim3A_22 = vector.broadcast %jit3A : i32 to vector<512x1024xi32>
    %select_n3A = arith.select %eq3A_21, %iota3A, %broadcast_in_dim3A_22 : vector<512x1024xi1>, vector<512x1024xi32>
    %reduce_min3A_23 = arith.constant dense<2147483647> : vector<512xi32>
    %reduce_min3A_24 = vector.multi_reduction <minsi>, %select_n3A, %reduce_min3A_23 [1] : vector<512x1024xi32> to vector<512xi32>
    %broadcast_in_dim3A_25 = vector.shape_cast %reduce_min3A_24 : vector<512xi32> to vector<512x1xi32>
    %swap3A = arith.constant 0 : index
    %swap3A_26 = arith.constant 0 : index
    %swap3A_27 = vector.load %arg4[%swap3A, %swap3A_26] : memref<512x1xi32, #tpu.memory_space<vmem>>, vector<512x1xi32>
    tpu.vector_store %arg4[%swap3A, %swap3A_26], %broadcast_in_dim3A_25 {strides = array<i32>} : memref<512x1xi32, #tpu.memory_space<vmem>>, vector<512x1xi32>,
    return
  }
  func.func @transform_0(%arg0: i32) -> (i32, i32) {
    %c0_i32 = arith.constant 0 : i32
    %c0_i32_0 = arith.constant 0 : i32
    return %arg0, %c0_i32 : i32, i32
  }
  func.func @transform_1(%arg0: i32) -> (i32, i32, i32) {
    %c0_i32 = arith.constant 0 : i32
    %c0_i32_0 = arith.constant 0 : i32
    %c0_i32_1 = arith.constant 0 : i32
    %c0_i32_2 = arith.constant 0 : i32
    return %c0_i32, %c0_i32_0, %c0_i32_1 : i32, i32, i32
  }
  func.func @transform_2(%arg0: i32) -> (i32, i32, i32) {
    %c0_i32 = arith.constant 0 : i32
    %c0_i32_0 = arith.constant 0 : i32
    %c0_i32_1 = arith.constant 0 : i32
    %c0_i32_2 = arith.constant 0 : i32
    return %c0_i32, %c0_i32_0, %c0_i32_1 : i32, i32, i32
  }
  func.func @transform_3(%arg0: i32) -> (i32, i32) {
    %c0_i32 = arith.constant 0 : i32
    %c0_i32_0 = arith.constant 0 : i32
    return %arg0, %c0_i32 : i32, i32
  }
}

module attributes {stable_mosaic.version = 14 : i64} {
  func.func @_dist_step(%arg0: i32, %arg1: memref<512x384xf32, #tpu.memory_space<vmem>>, %arg2: memref<512x384xf32, #tpu.memory_space<vmem>>, %arg3: memref<1x1024x384xf32, #tpu.memory_space<vmem>>, %arg4: memref<1x1x1024xf32, #tpu.memory_space<vmem>>, %arg5: memref<512x384xf32, #tpu.memory_space<vmem>>, %arg6: memref<512x1xi32, #tpu.memory_space<vmem>>, %arg7: memref<8x128xf32, #tpu.memory_space<vmem>>) attributes {dimension_semantics = [#tpu.dimension_semantics<arbitrary>], iteration_bounds = array<i64: 18>, scalar_prefetch = 0 : i64, scratch_operands = 0 : i64, tpu.core_type = #tpu.core_type<tc>, window_params = [{transform_indices = @transform_0, window_bounds = array<i64: 512, 384>}, {transform_indices = @transform_1, window_bounds = array<i64: 512, 384>}, {pipeline_mode = #tpu.pipeline_mode<synchronous>, transform_indices = @transform_2, window_bounds = array<i64: 1, 1024, 384>}, {pipeline_mode = #tpu.pipeline_mode<synchronous>, transform_indices = @transform_3, window_bounds = array<i64: 1, 1, 1024>}, {transform_indices = @transform_4, window_bounds = array<i64: 512, 384>}, {transform_indices = @transform_5, window_bounds = array<i64: 512, 1>}, {pipeline_mode = #tpu.pipeline_mode<synchronous>, transform_indices = @transform_6, window_bounds = array<i64: 8, 128>}]} {
    %get3A = arith.constant 0 : index
    %get3A_0 = arith.constant 0 : index
    %get3A_1 = arith.constant 0 : index
    %get3A_2 = vector.load %arg3[%get3A, %get3A_0, %get3A_1] : memref<1x1024x384xf32, #tpu.memory_space<vmem>>, vector<1x1024x384xf32>
    %get3A_3 = vector.shape_cast %get3A_2 : vector<1x1024x384xf32> to vector<1024x384xf32>
    %get3A_4 = arith.constant 0 : index
    %get3A_5 = arith.constant 0 : index
    %get3A_6 = arith.constant 0 : index
    %get3A_7 = vector.load %arg4[%get3A_4, %get3A_5, %get3A_6] : memref<1x1x1024xf32, #tpu.memory_space<vmem>>, vector<1x1x1024xf32>
    %get3A_8 = vector.shape_cast %get3A_7 : vector<1x1x1024xf32> to vector<1x1024xf32>
    %get3A_9 = arith.constant 0 : index
    %get3A_10 = arith.constant 0 : index
    %get3A_11 = vector.load %arg1[%get3A_9, %get3A_10] : memref<512x384xf32, #tpu.memory_space<vmem>>, vector<512x384xf32>
    %get3A_12 = arith.constant 0 : index
    %get3A_13 = arith.constant 0 : index
    %get3A_14 = vector.load %arg2[%get3A_12, %get3A_13] : memref<512x384xf32, #tpu.memory_space<vmem>>, vector<512x384xf32>
    %sub3A = arith.subf %get3A_11, %get3A_14 : vector<512x384xf32>
    %swap3A = arith.constant 0 : index
    %swap3A_15 = arith.constant 0 : index
    %swap3A_16 = vector.load %arg5[%swap3A, %swap3A_15] : memref<512x384xf32, #tpu.memory_space<vmem>>, vector<512x384xf32>
    tpu.vector_store %arg5[%swap3A, %swap3A_15], %sub3A {strides = array<i32>} : memref<512x384xf32, #tpu.memory_space<vmem>>, vector<512x384xf32>,
    %mul3A = arith.mulf %sub3A, %sub3A : vector<512x384xf32>
    %reduce_sum3A = vector.shape_cast %mul3A : vector<512x384xf32> to vector<1x512x384xf32>
    %reduce_sum3A_17 = arith.constant dense<0.000000e+00> : vector<1xf32>
    %reduce_sum3A_18 = vector.multi_reduction <add>, %reduce_sum3A, %reduce_sum3A_17 [1, 2] : vector<1x512x384xf32> to vector<1xf32>
    %reduce_sum3A_19 = vector.shape_cast %reduce_sum3A_18 : vector<1xf32> to vector<1x1x1xf32>
    %reduce_sum3A_20 = vector.extract %reduce_sum3A_19[0, 0, 0] : f32 from vector<1x1x1xf32>
    %broadcast_in_dim3A = vector.broadcast %reduce_sum3A_20 : f32 to vector<8x128xf32>
    %eq3A = arith.constant 0 : i32
    %eq3A_21 = arith.cmpi eq, %arg0, %eq3A : i32
    %convert_element_type3A = arith.extui %eq3A_21 : i1 to i32
    %cond3A = arith.constant 0 : i32
    %cond3A_22 = arith.cmpi ne, %convert_element_type3A, %cond3A : i32
    scf.if %cond3A_22 {
      %swap3A_49 = arith.constant 0 : index
      %swap3A_50 = arith.constant 0 : index
      %swap3A_51 = vector.load %arg7[%swap3A_49, %swap3A_50] : memref<8x128xf32, #tpu.memory_space<vmem>>, vector<8x128xf32>
      tpu.vector_store %arg7[%swap3A_49, %swap3A_50], %broadcast_in_dim3A {strides = array<i32>} : memref<8x128xf32, #tpu.memory_space<vmem>>, vector<8x128xf32>,
    } else {
    }
    %ne3A = arith.constant 0 : i32
    %ne3A_23 = arith.cmpi ne, %arg0, %ne3A : i32
    %convert_element_type3A_24 = arith.extui %ne3A_23 : i1 to i32
    %cond3A_25 = arith.constant 0 : i32
    %cond3A_26 = arith.cmpi ne, %convert_element_type3A_24, %cond3A_25 : i32
    scf.if %cond3A_26 {
      %get3A_49 = arith.constant 0 : index
      %get3A_50 = arith.constant 0 : index
      %get3A_51 = vector.load %arg7[%get3A_49, %get3A_50] : memref<8x128xf32, #tpu.memory_space<vmem>>, vector<8x128xf32>
      %add3A_52 = arith.addf %get3A_51, %broadcast_in_dim3A : vector<8x128xf32>
      %swap3A_53 = arith.constant 0 : index
      %swap3A_54 = arith.constant 0 : index
      %swap3A_55 = vector.load %arg7[%swap3A_53, %swap3A_54] : memref<8x128xf32, #tpu.memory_space<vmem>>, vector<8x128xf32>
      tpu.vector_store %arg7[%swap3A_53, %swap3A_54], %add3A_52 {strides = array<i32>} : memref<8x128xf32, #tpu.memory_space<vmem>>, vector<8x128xf32>,
    } else {
    }
    %mul3A_27 = arith.mulf %sub3A, %sub3A : vector<512x384xf32>
    %reduce_sum3A_28 = arith.constant dense<0.000000e+00> : vector<512xf32>
    %reduce_sum3A_29 = vector.multi_reduction <add>, %mul3A_27, %reduce_sum3A_28 [1] : vector<512x384xf32> to vector<512xf32>
    %broadcast_in_dim3A_30 = vector.shape_cast %reduce_sum3A_29 : vector<512xf32> to vector<512x1xf32>
    %dot_general3A = arith.constant dense<0.000000e+00> : vector<512x1024xf32>
    %dot_general3A_31 = tpu.matmul %sub3A, %get3A_3, %dot_general3A {dimension_numbers = #tpu.dot_dimension_numbers<[1], [1], [0], [0], [0, 0, 1, 0], [], []>, transpose_lhs_hint = false} : vector<512x384xf32>, vector<1024x384xf32>, vector<512x1024xf32> -> vector<512x1024xf32>
    %mul3A_32 = arith.constant 2.000000e+00 : f32
    %mul3A_33 = vector.broadcast %mul3A_32 : f32 to vector<512x1024xf32>
    %mul3A_34 = arith.mulf %mul3A_33, %dot_general3A_31 : vector<512x1024xf32>
    %sub3A_35 = vector.broadcast %broadcast_in_dim3A_30 : vector<512x1xf32> to vector<512x1024xf32>
    %sub3A_36 = arith.subf %sub3A_35, %mul3A_34 : vector<512x1024xf32>
    %add3A = vector.broadcast %get3A_8 : vector<1x1024xf32> to vector<512x1024xf32>
    %add3A_37 = arith.addf %sub3A_36, %add3A : vector<512x1024xf32>
    %reduce_min3A = arith.constant dense<0x7F800000> : vector<512xf32>
    %reduce_min3A_38 = vector.multi_reduction <minimumf>, %add3A_37, %reduce_min3A [1] : vector<512x1024xf32> to vector<512xf32>
    %broadcast_in_dim3A_39 = vector.shape_cast %reduce_min3A_38 : vector<512xf32> to vector<512x1xf32>
    %iota3A = tpu.iota {dimensions = array<i32: 1>} : vector<512x1024xi32>
    %eq3A_40 = vector.broadcast %broadcast_in_dim3A_39 : vector<512x1xf32> to vector<512x1024xf32>
    %eq3A_41 = arith.cmpf oeq, %add3A_37, %eq3A_40 : vector<512x1024xf32>
    %jit3A = arith.constant 1024 : i32
    %broadcast_in_dim3A_42 = vector.broadcast %jit3A : i32 to vector<512x1024xi32>
    %select_n3A = arith.select %eq3A_41, %iota3A, %broadcast_in_dim3A_42 : vector<512x1024xi1>, vector<512x1024xi32>
    %reduce_min3A_43 = arith.constant dense<2147483647> : vector<512xi32>
    %reduce_min3A_44 = vector.multi_reduction <minsi>, %select_n3A, %reduce_min3A_43 [1] : vector<512x1024xi32> to vector<512xi32>
    %broadcast_in_dim3A_45 = vector.shape_cast %reduce_min3A_44 : vector<512xi32> to vector<512x1xi32>
    %swap3A_46 = arith.constant 0 : index
    %swap3A_47 = arith.constant 0 : index
    %swap3A_48 = vector.load %arg6[%swap3A_46, %swap3A_47] : memref<512x1xi32, #tpu.memory_space<vmem>>, vector<512x1xi32>
    tpu.vector_store %arg6[%swap3A_46, %swap3A_47], %broadcast_in_dim3A_45 {strides = array<i32>} : memref<512x1xi32, #tpu.memory_space<vmem>>, vector<512x1xi32>,
    return
  }
  func.func @transform_0(%arg0: i32) -> (i32, i32) {
    %c0_i32 = arith.constant 0 : i32
    %c0_i32_0 = arith.constant 0 : i32
    return %arg0, %c0_i32 : i32, i32
  }
  func.func @transform_1(%arg0: i32) -> (i32, i32) {
    %c0_i32 = arith.constant 0 : i32
    %c0_i32_0 = arith.constant 0 : i32
    return %arg0, %c0_i32 : i32, i32
  }
  func.func @transform_2(%arg0: i32) -> (i32, i32, i32) {
    %c0_i32 = arith.constant 0 : i32
    %c0_i32_0 = arith.constant 0 : i32
    %c0_i32_1 = arith.constant 0 : i32
    %c0_i32_2 = arith.constant 0 : i32
    return %c0_i32, %c0_i32_0, %c0_i32_1 : i32, i32, i32
  }
  func.func @transform_3(%arg0: i32) -> (i32, i32, i32) {
    %c0_i32 = arith.constant 0 : i32
    %c0_i32_0 = arith.constant 0 : i32
    %c0_i32_1 = arith.constant 0 : i32
    %c0_i32_2 = arith.constant 0 : i32
    return %c0_i32, %c0_i32_0, %c0_i32_1 : i32, i32, i32
  }
  func.func @transform_4(%arg0: i32) -> (i32, i32) {
    %c0_i32 = arith.constant 0 : i32
    %c0_i32_0 = arith.constant 0 : i32
    return %arg0, %c0_i32 : i32, i32
  }
  func.func @transform_5(%arg0: i32) -> (i32, i32) {
    %c0_i32 = arith.constant 0 : i32
    %c0_i32_0 = arith.constant 0 : i32
    return %arg0, %c0_i32 : i32, i32
  }
  func.func @transform_6(%arg0: i32) -> (i32, i32) {
    %c0_i32 = arith.constant 0 : i32
    %c0_i32_0 = arith.constant 0 : i32
    %c0_i32_1 = arith.constant 0 : i32
    return %c0_i32, %c0_i32_0 : i32, i32
  }
}

module attributes {stable_mosaic.version = 14 : i64} {
  func.func @_final_step(%arg0: i32, %arg1: memref<512x384xf32, #tpu.memory_space<vmem>>, %arg2: memref<512x384xf32, #tpu.memory_space<vmem>>, %arg3: memref<512x384xf32, #tpu.memory_space<vmem>>, %arg4: memref<512x384xf32, #tpu.memory_space<vmem>>, %arg5: memref<8x128xf32, #tpu.memory_space<vmem>>) attributes {dimension_semantics = [#tpu.dimension_semantics<arbitrary>], iteration_bounds = array<i64: 18>, scalar_prefetch = 0 : i64, scratch_operands = 0 : i64, tpu.core_type = #tpu.core_type<tc>, window_params = [{transform_indices = @transform_0, window_bounds = array<i64: 512, 384>}, {transform_indices = @transform_1, window_bounds = array<i64: 512, 384>}, {transform_indices = @transform_2, window_bounds = array<i64: 512, 384>}, {transform_indices = @transform_3, window_bounds = array<i64: 512, 384>}, {pipeline_mode = #tpu.pipeline_mode<synchronous>, transform_indices = @transform_4, window_bounds = array<i64: 8, 128>}]} {
    %get3A = arith.constant 0 : index
    %get3A_0 = arith.constant 0 : index
    %get3A_1 = vector.load %arg2[%get3A, %get3A_0] : memref<512x384xf32, #tpu.memory_space<vmem>>, vector<512x384xf32>
    %get3A_2 = arith.constant 0 : index
    %get3A_3 = arith.constant 0 : index
    %get3A_4 = vector.load %arg3[%get3A_2, %get3A_3] : memref<512x384xf32, #tpu.memory_space<vmem>>, vector<512x384xf32>
    %sub3A = arith.subf %get3A_1, %get3A_4 : vector<512x384xf32>
    %get3A_5 = arith.constant 0 : index
    %get3A_6 = arith.constant 0 : index
    %get3A_7 = vector.load %arg1[%get3A_5, %get3A_6] : memref<512x384xf32, #tpu.memory_space<vmem>>, vector<512x384xf32>
    %sub3A_8 = arith.subf %get3A_7, %sub3A : vector<512x384xf32>
    %swap3A = arith.constant 0 : index
    %swap3A_9 = arith.constant 0 : index
    %swap3A_10 = vector.load %arg4[%swap3A, %swap3A_9] : memref<512x384xf32, #tpu.memory_space<vmem>>, vector<512x384xf32>
    tpu.vector_store %arg4[%swap3A, %swap3A_9], %sub3A_8 {strides = array<i32>} : memref<512x384xf32, #tpu.memory_space<vmem>>, vector<512x384xf32>,
    %mul3A = arith.mulf %sub3A, %sub3A : vector<512x384xf32>
    %reduce_sum3A = vector.shape_cast %mul3A : vector<512x384xf32> to vector<1x512x384xf32>
    %reduce_sum3A_11 = arith.constant dense<0.000000e+00> : vector<1xf32>
    %reduce_sum3A_12 = vector.multi_reduction <add>, %reduce_sum3A, %reduce_sum3A_11 [1, 2] : vector<1x512x384xf32> to vector<1xf32>
    %reduce_sum3A_13 = vector.shape_cast %reduce_sum3A_12 : vector<1xf32> to vector<1x1x1xf32>
    %reduce_sum3A_14 = vector.extract %reduce_sum3A_13[0, 0, 0] : f32 from vector<1x1x1xf32>
    %broadcast_in_dim3A = vector.broadcast %reduce_sum3A_14 : f32 to vector<8x128xf32>
    %eq3A = arith.constant 0 : i32
    %eq3A_15 = arith.cmpi eq, %arg0, %eq3A : i32
    %convert_element_type3A = arith.extui %eq3A_15 : i1 to i32
    %cond3A = arith.constant 0 : i32
    %cond3A_16 = arith.cmpi ne, %convert_element_type3A, %cond3A : i32
    scf.if %cond3A_16 {
      %swap3A_21 = arith.constant 0 : index
      %swap3A_22 = arith.constant 0 : index
      %swap3A_23 = vector.load %arg5[%swap3A_21, %swap3A_22] : memref<8x128xf32, #tpu.memory_space<vmem>>, vector<8x128xf32>
      tpu.vector_store %arg5[%swap3A_21, %swap3A_22], %broadcast_in_dim3A {strides = array<i32>} : memref<8x128xf32, #tpu.memory_space<vmem>>, vector<8x128xf32>,
    } else {
    }
    %ne3A = arith.constant 0 : i32
    %ne3A_17 = arith.cmpi ne, %arg0, %ne3A : i32
    %convert_element_type3A_18 = arith.extui %ne3A_17 : i1 to i32
    %cond3A_19 = arith.constant 0 : i32
    %cond3A_20 = arith.cmpi ne, %convert_element_type3A_18, %cond3A_19 : i32
    scf.if %cond3A_20 {
      %get3A_21 = arith.constant 0 : index
      %get3A_22 = arith.constant 0 : index
      %get3A_23 = vector.load %arg5[%get3A_21, %get3A_22] : memref<8x128xf32, #tpu.memory_space<vmem>>, vector<8x128xf32>
      %add3A = arith.addf %get3A_23, %broadcast_in_dim3A : vector<8x128xf32>
      %swap3A_24 = arith.constant 0 : index
      %swap3A_25 = arith.constant 0 : index
      %swap3A_26 = vector.load %arg5[%swap3A_24, %swap3A_25] : memref<8x128xf32, #tpu.memory_space<vmem>>, vector<8x128xf32>
      tpu.vector_store %arg5[%swap3A_24, %swap3A_25], %add3A {strides = array<i32>} : memref<8x128xf32, #tpu.memory_space<vmem>>, vector<8x128xf32>,
    } else {
    }
    return
  }
  func.func @transform_0(%arg0: i32) -> (i32, i32) {
    %c0_i32 = arith.constant 0 : i32
    %c0_i32_0 = arith.constant 0 : i32
    return %arg0, %c0_i32 : i32, i32
  }
  func.func @transform_1(%arg0: i32) -> (i32, i32) {
    %c0_i32 = arith.constant 0 : i32
    %c0_i32_0 = arith.constant 0 : i32
    return %arg0, %c0_i32 : i32, i32
  }
  func.func @transform_2(%arg0: i32) -> (i32, i32) {
    %c0_i32 = arith.constant 0 : i32
    %c0_i32_0 = arith.constant 0 : i32
    return %arg0, %c0_i32 : i32, i32
  }
  func.func @transform_3(%arg0: i32) -> (i32, i32) {
    %c0_i32 = arith.constant 0 : i32
    %c0_i32_0 = arith.constant 0 : i32
    return %arg0, %c0_i32 : i32, i32
  }
  func.func @transform_4(%arg0: i32) -> (i32, i32) {
    %c0_i32 = arith.constant 0 : i32
    %c0_i32_0 = arith.constant 0 : i32
    %c0_i32_1 = arith.constant 0 : i32
    return %c0_i32, %c0_i32_0 : i32, i32
  }
}

</mosaic_0001>

<sc_bundles>
// kernel: kernel.11.cloned.1.call-start
scs
__scs_entry_jumppad:
0x0: {  	(pc) =	sbr.rel $0x88, $3  }
0x1: {  	(tag) =	ssettag $0x0;
	lr =	simm.s32 $0x1  }
0x2: {  	[smem:$0x3F9F] =	sst lr;
	_ =	strace $0xD0000000  }
0x3: {  	_ = 	snop  }
0x4: {  	_ = 	snop  }
0x5: {  	_ = 	snop  }
0x6: {  	_ = 	snop  }
0x7: {  	_ = 	snop  }
__scs_overlays_trampoline_lowered:
0x8: {  	[smem:$0x3FAE] =	sst s0  }
0x9: {  	[smem:$0x3FAF] =	sst s1  }
0xa: {  	[smem:$0x3FB0] =	sst s2  }
0xb: {  	[smem:$0x3FB1] =	sst s3  }
0xc: {  	[smem:$0x3FB2] =	sst s4  }
0xd: {  	[smem:$0x3FB3] =	sst s5  }
0xe: {  	[smem:$0x3FB4] =	sst s6  }
0xf: {  	[smem:$0x3FB5] =	sst s7  }
0x10: {  	[smem:$0x3FB6] =	sst s8  }
0x11: {  	[smem:$0x3FB7] =	sst s9;
	s0 =	simm.s32 @!p0 $0x0  }
0x12: {  	s1 =	sld [smem:$0x3F9D];
	s0 =	simm.s32 @p0 $0x1  }
0x13: {  	[smem:$0x3FB8] =	sst s0;
	s0 =	simm.s32 @!p1 $0x0  }
0x14: {  	s2 =	sld [smem:$0x3F9C];
	s0 =	simm.s32 @p1 $0x1  }
0x15: {  	[smem:$0x3FB9] =	sst s0;
	s0 =	simm.s32 @!p2 $0x0  }
0x16: {  	s3 =	sld [smem:$0x3FDB];
	s0 =	simm.s32 @p2 $0x1  }
0x17: {  	s4 =	simm.s32 $0x1BF5;
	[smem:$0x3FBB] =	sst s0  }
0x18: {  	s0 =	sld [smem:$0x3F9E];
	_ =	swait.ge [sflag:s4], $0x0  }
0x19: {  	s7 =	sld [smem:$0x3F9F]  }
0x1a: {  	s8 =	sadd.s32 $0xFFFFE003, lr  }
0x1b: {  	s9 =	sadd.s32 $0xFFFFFEF7, lr;
	s5 =	simm.s32 $0xFFFFFFFF;
	p2 =	slt.u32 s8, $0xFFFFF086  }
0x1c: {  	p1 =	slt.u32 s9, $0xF7A;
	s5 =	simm.s32 @!p2 $0x0  }
0x1d: {  	s5 =	simm.s32 @p1 $0x1;
	p0 =	seq.s32 s7, s2  }
0x1e: {  	s7 =	smul.u32 @!p0 $0xF7A, s2;
	p2 =	seq.s32 @!p0 s5, $0x0  }
0x1f: {  	s9 =	smul.u32 $0xF7A, s1;
	s8 =	simm.s32 @!p0 $0x1BF5;
	p2 =	por !p2, p0  }
0x20: {  	[sflag:s8] =	ssyncset.s32 @!p0 $0xFFFFF086;
	s6 =	sadd.s32 @!p0 s3, s7;
	s7 =	simm.s32 @!p0 $0x108  }
0x21: {  	s3 =	sadd.s32 s3, s9;
	s6 =	sadd.s32 @!p0 $0x88, s6;
	s7 =	simm.s32 @p2 $0x1082  }
0x22: {  	[simem:s7], [sflag:s8] =	dma.local @!p0 [hbm:s6], $0xF7A  }
0x23: {  	s9 =	sor.u32 $0xD0000000, s2;
	s6 =	simm.s32 $0x108;
	_ =	swait.ge @!p0 [sflag:s8], $0x0  }
0x24: {  	s3 =	sadd.s32 $0x88, s3;
	s6 =	simm.s32 @!p1 $0x1082;
	[sflag:s4] =	ssyncset.s32 $0xFFFFF086  }
0x25: {  	[simem:s6], [sflag:s4] =	dma.local [hbm:s3], $0xF7A  }
0x26: {  	[smem:$0x3F9F] =	sst s1;
	(tag) =	ssettag s2;
	_ =	strace s9  }
0x27: {  	s1 =	sld [smem:$0x3FAF]  }
0x28: {  	s2 =	sld [smem:$0x3FB0]  }
0x29: {  	s4 =	sld [smem:$0x3FB2]  }
0x2a: {  	p0 =	seq.s32 s5, $0x0;
	s5 =	sld [smem:$0x3FB3]  }
0x2b: {  	s6 =	sld [smem:$0x3FB4]  }
0x2c: {  	s7 =	sld [smem:$0x3FB5]  }
0x2d: {  	s3 =	simm.s32 $0x108;
	s8 =	sld [smem:$0x3FB6]  }
0x2e: {  	s3 =	simm.s32 @!p0 $0x1082;
	s9 =	sld [smem:$0x3FB7]  }
0x2f: {  	lr =	sadd.s32 s0, s3;
	s0 =	sld [smem:$0x3FAE]  }
0x30: {  	s3 =	sld [smem:$0x3FB1]  }
0x31: {  	[smem:$0x3FBA] =	sst s10  }
0x32: {  	s10 =	sld [smem:$0x3FB8];
	_ =	sdelay $0x3  }
0x33: {  	p0 =	seq.s32 s10, $0x1;
	s10 =	sld [smem:$0x3FBA];
	_ =	sdelay $0x3  }
0x34: {  	[smem:$0x3FBA] =	sst s10  }
0x35: {  	s10 =	sld [smem:$0x3FB9];
	_ =	sdelay $0x3  }
0x36: {  	p1 =	seq.s32 s10, $0x1;
	s10 =	sld [smem:$0x3FBA];
	_ =	sdelay $0x3  }
0x37: {  	[smem:$0x3FBA] =	sst s10  }
0x38: {  	s10 =	sld [smem:$0x3FBB]  }
0x39: {  	_ = 	snop;
	(pc) =	sbr.ind lr, $3  }
0x3a: {  	_ = 	snop  }
0x3b: {  	_ = 	snop  }
0x3c: {  	p2 =	seq.s32 s10, $0x1;
	s10 =	sld [smem:$0x3FBA]  }
0x3d: {  	_ =	shalt  }
0x3e: {  	_ =	shalt  }
0x3f: {  	_ =	shalt  }
0x40: {  	_ =	shalt  }
0x41: {  	_ =	shalt  }
0x42: {  	_ =	shalt  }
0x43: {  	_ =	shalt  }
0x44: {  	_ =	shalt  }
0x45: {  	_ =	shalt  }
0x46: {  	_ =	shalt  }
0x47: {  	_ =	shalt  }
0x48: {  	_ =	shalt  }
0x49: {  	_ =	shalt  }
0x4a: {  	_ =	shalt  }
0x4b: {  	_ =	shalt  }
0x4c: {  	_ =	shalt  }
0x4d: {  	_ =	shalt  }
0x4e: {  	_ =	shalt  }
0x4f: {  	_ =	shalt  }
0x50: {  	_ =	shalt  }
0x51: {  	_ =	shalt  }
0x52: {  	_ =	shalt  }
0x53: {  	_ =	shalt  }
0x54: {  	_ =	shalt  }
0x55: {  	_ =	shalt  }
0x56: {  	_ =	shalt  }
0x57: {  	_ =	shalt  }
0x58: {  	_ =	shalt  }
0x59: {  	_ =	shalt  }
0x5a: {  	_ =	shalt  }
0x5b: {  	_ =	shalt  }
0x5c: {  	_ =	shalt  }
0x5d: {  	_ =	shalt  }
0x5e: {  	_ =	shalt  }
0x5f: {  	_ =	shalt  }
0x60: {  	_ =	shalt  }
0x61: {  	_ =	shalt  }
0x62: {  	_ =	shalt  }
0x63: {  	_ =	shalt  }
0x64: {  	_ =	shalt  }
0x65: {  	_ =	shalt  }
0x66: {  	_ =	shalt  }
0x67: {  	_ =	shalt  }
0x68: {  	_ =	shalt  }
0x69: {  	_ =	shalt  }
0x6a: {  	_ =	shalt  }
0x6b: {  	_ =	shalt  }
0x6c: {  	_ =	shalt  }
0x6d: {  	_ =	shalt  }
0x6e: {  	_ =	shalt  }
0x6f: {  	_ =	shalt  }
0x70: {  	_ =	shalt  }
0x71: {  	_ =	shalt  }
0x72: {  	_ =	shalt  }
0x73: {  	_ =	shalt  }
0x74: {  	_ =	shalt  }
0x75: {  	_ =	shalt  }
0x76: {  	_ =	shalt  }
0x77: {  	_ =	shalt  }
0x78: {  	_ =	shalt  }
0x79: {  	_ =	shalt  }
0x7a: {  	_ =	shalt  }
0x7b: {  	_ =	shalt  }
0x7c: {  	_ =	shalt  }
0x7d: {  	_ =	shalt  }
0x7e: {  	_ =	shalt  }
0x7f: {  	_ =	shalt  }
0x80: {  	_ =	shalt  }
0x81: {  	_ =	shalt  }
0x82: {  	_ =	shalt  }
0x83: {  	_ =	shalt  }
0x84: {  	_ =	shalt  }
0x85: {  	_ =	shalt  }
0x86: {  	_ =	shalt  }
0x87: {  	_ =	shalt  }
.Lfunc_end0:
.L_simem_size_0:
called_computation_lowered:
.L_overlay_start_0:
0x88: {  	s2 =	sld [smem:$0x3FD9]  }
0x89: {  	s3 =	sld [smem:$0x3FFE];
	_ =	sdelay $0x1  }
0x8a: {  	s1 =	srdreg.scid  }
0x8b: {  	s0 =	sand.u32 $0x1, s1  }
0x8c: {  	s14 =	sshll.u32 s0, $0xA;
	s2 =	sadd.s32 s3, s2  }
0x8d: {  	s2 =	sadd.s32 s2, s14  }
0x8e: {  	[smem:$0x3FC6] =	sst s2  }
0x8f: {  	_ = 	snop  }
0x90: {  	s2 =	sld [smem:$0x3FD0];
	_ =	sdelay $0x2  }
0x91: {  	s15 =	simm.s32 $0xA;
	s4 =	simm.s32 $0x10  }
0x92: {  	[smem:s4], [sflag:s15] =	dma.local [hbm:s2], $0x1  }
0x93: {  	_ =	swait.eq [sflag:s15], $0x1  }
0x94: {  	[sflag:s15] =	ssyncset.done $0x0  }
0x95: {  	s16 =	sld [smem:$0x10];
	[sflag:s15] =	ssyncadd.s32 $0xFFFFFFFF  }
0x96: {  	s17 =	sld [smem:$0x11];
	(tm) =	ssettm $0x1  }
0x97: {  	s18 =	sld [smem:$0x3FFB];
	_ =	sdelay $0x3  }
0x98: {  	_ =	strace s18  }
0x99: {  	s4 =	sld [smem:$0x3FFC];
	_ =	sdelay $0x3  }
0x9a: {  	_ =	strace s4  }
0x9b: {  	s4 =	sld [smem:$0x3FFD];
	_ =	sdelay $0x3  }
0x9c: {  	_ =	strace s4  }
0x9d: {  	_ =	strace $0x8FFFFFFF  }
0x9e: {  	s19 =	sld [smem:$0x3FDB];
	_ =	sdelay $0x1  }
0x9f: {  	s5 =	simm.s32 $_scs_section_size  }
0xa0: {  	s6 =	simm.s32 $_size__tile_overlayer_lowered;
	s7 =	simm.s32 $_tile_overlayer_lowered  }
0xa1: {  	s22 =	simm.s32 $0x1BFF;
	s21 =	sshll.u32 s7, $0x1;
	s4 =	sadd.s32 s5, s19  }
0xa2: {  	s8 =	simm.s32 $0x0;
	s20 =	sshll.u32 s6, $0x1;
	s6 =	sadd.s32 s21, s4  }
0xa3: {  	[timem:s8], [sflag:s22] =	dma.local [hbm:s6], s20  }
0xa4: {  	_ =	swait.ge [sflag:s22], s20  }
0xa5: {  	s5 =	ssub.s32 $0x0, s20;
	[sflag:s22] =	ssyncset.done $0x0  }
0xa6: {  	[sflag:s22] =	ssyncadd.s32 s5;
	_ =	sdelay $0x1  }
0xa7: {  	s23 =	simm.s32 $0x1B8B  }
0xa8: {  	_ =	swait.ge [sflag:s23], $0x1  }
0xa9: {  	[sflag:s23] =	ssyncset.done $0x0  }
0xaa: {  	s25 =	simm.s32 $0x1B8E;
	s24 =	sld [smem:$0x3FFE];
	[sflag:s23] =	ssyncadd.s32 $0xFFFFFFFF  }
0xab: {  	s26 =	simm.s32 $execute0_lowered;
	[smem:$0x3FD2] =	sst s25  }
0xac: {  	s6 =	sshll.u32 s26, $0x1;
	_ =	strace $0x80000046;
	[dreg:$0x1] =	wrdreg $0xFFFFFFFF  }
0xad: {  	s28 =	simm.s32 $_size_execute0_lowered;
	s4 =	sadd.s32 s4, s6;
	[dreg:$0x0] =	wrdreg $0x0  }
0xae: {  	s6 =	sshll.u32 s28, $0x1;
	[dreg:$0x2] =	wrdreg s4  }
0xaf: {  	[dreg:$0x3] =	wrdreg s6  }
0xb0: {  	[dreg:$0x4] =	wrdreg $0xC0  }
0xb1: {  	_ =	task [dreg:s8], $0x5FFFF  }
0xb2: {  	[dreg:$0x1] =	wrdreg $0xFFFFFFFF  }
0xb3: {  	[dreg:$0x0] =	wrdreg $0x60  }
0xb4: {  	[dreg:$0x2] =	wrdreg s24  }
0xb5: {  	[dreg:$0x3] =	wrdreg s17  }
0xb6: {  	[dreg:$0x4] =	wrdreg s16  }
0xb7: {  	[dreg:$0x5] =	wrdreg $0x9  }
0xb8: {  	_ =	task.clear_ibuf [dreg:s8], $0x6FFFF;
	_ =	strace $0x90000046  }
0xb9: {  	s29 =	simm.s32 $0x9;
	_ =	strace $0x80000048  }
0xba: {  	_ =	swait.ge [sflag:s29], $0x1  }
0xbb: {  	[sflag:s29] =	ssyncadd.s32 $0xFFFFFFFF  }
0xbc: {  	_ =	strace $0x90000048  }
0xbd: {  	_ =	sfence  }
0xbe: {  	s30 =	sld [smem:$0x0];
	_ =	sdelay $0x2  }
0xbf: {  	s31 =	sshll.u32 s1, $0xD;
	s1 =	sshrl.u32 s1, $0x2  }
0xc0: {  	s3 =	sand.u32 $0x4000, s31;
	s1 =	sadd.s32 s1, s30  }
0xc1: {  	s0 =	sor.u32 s3, s0;
	s1 =	sshll.u32 s1, $0x11  }
0xc2: {  	s0 =	sor.u32 s1, s0  }
0xc3: {  	s0 =	sadd.s32 $0x8F2B, s0  }
0xc4: {  	[sflag:s0] =	ssyncadd.remote.s32 $0x1  }
0xc5: {  	_ =	sfence.sel $0xFFFF  }
0xc6: {  	[dreg:$0x0] =	wrdreg $0xFFFFFFFF;
	(pc) =	sbr.abs _section_cstart, $3  }
0xc7: {  	[dreg:$0x1] =	wrdreg $0xFFFFFFFF  }
0xc8: {  	_ =	task.clear_ibuf [dreg:s8], $0x2FFFF;
	_ =	strace $0x9FFFFFFF  }
0xc9: {  	(tm) =	ssettm $0x7FFFFFFF  }
tec
execute0_lowered:
.L_overlay_start_1:
0x0: {  	(tag) =	ssettag $0x1  }
0x1: {  	s1 =	rddreg [dreg:$0x0]  }
0x2: {  	s2 =	srdreg.scid;
	s3 =	rddreg [dreg:$0x1]  }
0x3: {  	s5 =	rddreg [dreg:$0x2];
	s4 =	sand.u32 $0x1, s2;
	s2 =	simm.s32 $0x0  }
0x4: {  	s24 =	simm.s32 $0x980;
	[smem:$0x7FF] =	sst s2  }
0x5: {  	s25 =	simm.s32 $0xD80;
	_ =	strace $0x80000047;
	[dreg:$0x6] =	wrdreg s24  }
0x6: {  	s0 =	stileid.u32;
	s26 =	simm.s32 $0x1580;
	[dreg:$0x7] =	wrdreg s25  }
0x7: {  	s22 =	sshll.u32 s0, $0x1;
	s0 =	simm.s32 $0x1980;
	[dreg:$0x8] =	wrdreg s26  }
0x8: {  	s8 =	simm.s32 $0x3180;
	[dreg:$0x9] =	wrdreg s0  }
0x9: {  	s9 =	simm.s32 $0x3980;
	[dreg:$0xd] =	wrdreg s8  }
0xa: {  	s10 =	simm.s32 $0x3D80;
	[dreg:$0xe] =	wrdreg s9  }
0xb: {  	s11 =	simm.s32 $0x4580;
	[dreg:$0xf] =	wrdreg s10  }
0xc: {  	s12 =	simm.s32 $0x4980;
	[dreg:$0x10] =	wrdreg s11  }
0xd: {  	s13 =	simm.s32 $0x5180;
	[dreg:$0x11] =	wrdreg s12  }
0xe: {  	s14 =	simm.s32 $0x5580;
	[dreg:$0x12] =	wrdreg s13  }
0xf: {  	s15 =	simm.s32 $0x5D80;
	[dreg:$0x13] =	wrdreg s14  }
0x10: {  	s16 =	simm.s32 $0x6180;
	[dreg:$0x14] =	wrdreg s15  }
0x11: {  	s17 =	simm.s32 $0x6980;
	[dreg:$0x15] =	wrdreg s16  }
0x12: {  	s18 =	simm.s32 $0x6D80;
	[dreg:$0x16] =	wrdreg s17  }
0x13: {  	s19 =	simm.s32 $0x7580;
	[dreg:$0x17] =	wrdreg s18  }
0x14: {  	s20 =	simm.s32 $0x7980;
	[dreg:$0x18] =	wrdreg s19  }
0x15: {  	s21 =	simm.s32 $0x8180;
	[dreg:$0x19] =	wrdreg s20  }
0x16: {  	s6 =	sor.u32 s4, s22;
	s22 =	simm.s32 $0x8580;
	[dreg:$0x1a] =	wrdreg s21  }
0x17: {  	[dreg:$0x1b] =	wrdreg s22;
	s24 =	simm.s32 $0x9180  }
0x18: {  	s25 =	simm.s32 $0x9980;
	[dreg:$0x1d] =	wrdreg s24  }
0x19: {  	s26 =	simm.s32 $0x9D80;
	[dreg:$0x1e] =	wrdreg s25  }
0x1a: {  	s0 =	simm.s32 $0xA580;
	[dreg:$0x1f] =	wrdreg s26  }
0x1b: {  	s8 =	simm.s32 $0xBD80;
	[smem:$0x7E8] =	sst s0  }
0x1c: {  	s9 =	simm.s32 $0xC180;
	[smem:$0x7EC] =	sst s8  }
0x1d: {  	s10 =	simm.s32 $0xC980;
	[smem:$0x7ED] =	sst s9  }
0x1e: {  	s11 =	simm.s32 $0xCD80;
	[smem:$0x7EE] =	sst s10  }
0x1f: {  	s12 =	simm.s32 $0xD580;
	[smem:$0x7EF] =	sst s11  }
0x20: {  	s13 =	simm.s32 $0xD980;
	[smem:$0x7F0] =	sst s12  }
0x21: {  	s14 =	simm.s32 $0xE180;
	[smem:$0x7F1] =	sst s13  }
0x22: {  	s15 =	simm.s32 $0xE580;
	[smem:$0x7F2] =	sst s14  }
0x23: {  	s28 =	simm.s32 $0x19980;
	s16 =	simm.s32 $0xED80;
	[smem:$0x7F3] =	sst s15  }
0x24: {  	s29 =	simm.s32 $0x1A180;
	s17 =	simm.s32 $0xF180;
	[smem:$0x7F4] =	sst s16  }
0x25: {  	s30 =	simm.s32 $0x1A580;
	s18 =	simm.s32 $0xF980;
	[smem:$0x7F5] =	sst s17  }
0x26: {  	s31 =	simm.s32 $0x1AD80;
	s19 =	simm.s32 $0xFD80;
	[smem:$0x7F6] =	sst s18  }
0x27: {  	s4 =	ssub.s32 $0x2, s4;
	s20 =	simm.s32 $0x10580;
	[smem:$0x7F7] =	sst s19  }
0x28: {  	s7 =	smul.u32 $0x24, s6;
	s21 =	simm.s32 $0x10980;
	[smem:$0x7F8] =	sst s20  }
0x29: {  	s6 =	smul.u32 $0x3600, s6;
	s22 =	sshrl.u32 s4, $0x1;
	[smem:$0x7F9] =	sst s21  }
0x2a: {  	s24 =	simm.s32 $0x11580;
	s25 =	simm.s32 $0x11D80;
	s26 =	simm.s32 $0x12180  }
0x2b: {  	s9 =	simm.s32 $0x12D80;
	s10 =	simm.s32 $0x13580;
	s11 =	simm.s32 $0x13980  }
0x2c: {  	s12 =	simm.s32 $0x14180;
	s13 =	simm.s32 $0x14580;
	[smem:$0x7FB] =	sst s24  }
0x2d: {  	s14 =	simm.s32 $0x14D80;
	s15 =	simm.s32 $0x15180;
	[smem:$0x7FC] =	sst s25  }
0x2e: {  	s16 =	simm.s32 $0x15980;
	s3 =	sadd.s32 s3, s7;
	[smem:$0x7FD] =	sst s26  }
0x2f: {  	s17 =	simm.s32 $0x15D80;
	s23 =	sadd.s32 s5, s6;
	[dreg:$0x4] =	wrdreg s3  }
0x30: {  	s18 =	simm.s32 $0x16580;
	s5 =	simm.s32 $0x2180;
	[dreg:$0x5] =	wrdreg s23  }
0x31: {  	s19 =	simm.s32 $0x16980;
	s6 =	simm.s32 $0x2580;
	[dreg:$0xa] =	wrdreg s5  }
0x32: {  	s20 =	simm.s32 $0x17180;
	s7 =	simm.s32 $0x2D80;
	[dreg:$0xb] =	wrdreg s6  }
0x33: {  	s21 =	simm.s32 $0x17580;
	[dreg:$0xc] =	wrdreg s7;
	s23 =	simm.s32 $0x8D80  }
0x34: {  	s24 =	simm.s32 $0x18980;
	s5 =	simm.s32 $0xA980;
	[dreg:$0x1c] =	wrdreg s23  }
0x35: {  	s25 =	simm.s32 $0x18D80;
	s6 =	simm.s32 $0xB180;
	[smem:$0x7E9] =	sst s5  }
0x36: {  	s26 =	simm.s32 $0x19580;
	s7 =	simm.s32 $0xB580;
	[smem:$0x7EA] =	sst s6  }
0x37: {  	s3 =	sadd.s32 $0x3000, s1;
	[smem:$0x7EB] =	sst s7;
	s23 =	simm.s32 $0x11180  }
0x38: {  	v2 =	vlaneseq.u32;
	s6 =	ssub.s32 s4, s22;
	s4 =	sadd.s32 $0x3100, s1;
	s7 =	simm.s32 $0x180  }
0x39: {  	vm0 =	vmmov $0xffff;
	vm1 =	vmmov $0xff;
	v1 =	vshrl.u32 v2, $0x3;
	s22 =	simm.s32 $0x17D80;
	s1 =	simm.s32 $0x1;
	[smem:$0x7FA] =	sst s23  }
0x3a: {  	v0 =	vand.u32 $0x7, v2;
	v2 =	vor.u32 $0x8, v2;
	v1 =	vmul.u32 $0x8, v1;
	s5 =	smax.u32 s6, $0x1;
	s6 =	simm.s32 $0x2;
	s23 =	simm.s32 $0x18180  }
.LBB2_1:
0x3b: {  	s0 =	rddreg [dreg:$0x4]  }
0x3c: {  	[tilespmem:s2], [sflag:$0x2] =	stream.linear.gather [hbm4b:s0+s2], $0x120, $0x38;
	[tilespmem:$0x1B180] =	vst v63  }
0x3d: {  	_ =	swait.ge [sflag:s6], $0x120  }
0x3e: {  	[sflag:s6] =	ssyncset.done $0x0  }
0x3f: {  	[sflag:s6] =	ssyncadd.s32 $0xFFFFFEE0  }
0x40: {  	v3 =	vld [tilespmem:$0x0];
	_ =	sdelay $0x4  }
0x41: {  	v4 =	vshrl.u32 v3, $0x3  }
0x42: {  	v4 =	vmul.u32 $0x18, v4  }
0x43: {  	v3 =	vand.u32 $0x7, v3  }
0x44: {  	v3 =	vor.u32 v3, v4  }
0x45: {  	v4 =	vperm.xlane v3, v0;
	_ =	sdelay $0x1  }
0x46: {  	v4 =	vadd.s32 v1, v4;
	_ =	sdelay $0x1  }
0x47: {  	v3 =	vperm.xlane v3, v2;
	_ =	sdelay $0x1  }
0x48: {  	v3 =	vadd.s32 v1, v3  }
0x49: {  	[tilespmem:s7], [sflag:$0x1] =	stream.indirect_vreg.gather [hbm4b:s3+s2], $0x80, v4, vm0, $0xb8;
	[tilespmem:$0x1B180] =	vst v63  }
0x4a: {  	s0 =	rddreg [dreg:$0x6]  }
0x4b: {  	[tilespmem:s0], [sflag:$0x1] =	stream.indirect_vreg.gather [hbm4b:s4+s2], $0x80, v4, vm1, $0xb8;
	[tilespmem:$0x1B180] =	vst v63  }
0x4c: {  	s8 =	rddreg [dreg:$0x7]  }
0x4d: {  	[tilespmem:s8], [sflag:$0x1] =	stream.indirect_vreg.gather [hbm4b:s3+s2], $0x80, v3, vm0, $0xb8;
	[tilespmem:$0x1B180] =	vst v63  }
0x4e: {  	s0 =	rddreg [dreg:$0x8]  }
0x4f: {  	[tilespmem:s0], [sflag:$0x1] =	stream.indirect_vreg.gather [hbm4b:s4+s2], $0x80, v3, vm1, $0xb8;
	[tilespmem:$0x1B180] =	vst v63  }
0x50: {  	v3 =	vld [tilespmem:$0x10];
	_ =	sdelay $0x4  }
0x51: {  	v47 =	vshrl.u32 v3, $0x3  }
0x52: {  	v4 =	vmul.u32 $0x18, v47  }
0x53: {  	v3 =	vand.u32 $0x7, v3  }
0x54: {  	v3 =	vor.u32 v3, v4  }
0x55: {  	v4 =	vperm.xlane v3, v0;
	_ =	sdelay $0x1  }
0x56: {  	v4 =	vadd.s32 v1, v4;
	_ =	sdelay $0x1  }
0x57: {  	v3 =	vperm.xlane v3, v2;
	_ =	sdelay $0x1  }
0x58: {  	s0 =	rddreg [dreg:$0x9];
	v3 =	vadd.s32 v1, v3  }
0x59: {  	[tilespmem:s0], [sflag:$0x1] =	stream.indirect_vreg.gather [hbm4b:s3+s2], $0x80, v4, vm0, $0xb8;
	[tilespmem:$0x1B180] =	vst v63  }
0x5a: {  	s8 =	rddreg [dreg:$0xa]  }
0x5b: {  	[tilespmem:s8], [sflag:$0x1] =	stream.indirect_vreg.gather [hbm4b:s4+s2], $0x80, v4, vm1, $0xb8;
	[tilespmem:$0x1B180] =	vst v63  }
0x5c: {  	s0 =	rddreg [dreg:$0xb]  }
0x5d: {  	[tilespmem:s0], [sflag:$0x1] =	stream.indirect_vreg.gather [hbm4b:s3+s2], $0x80, v3, vm0, $0xb8;
	[tilespmem:$0x1B180] =	vst v63  }
0x5e: {  	s8 =	rddreg [dreg:$0xc]  }
0x5f: {  	[tilespmem:s8], [sflag:$0x1] =	stream.indirect_vreg.gather [hbm4b:s4+s2], $0x80, v3, vm1, $0xb8;
	[tilespmem:$0x1B180] =	vst v63  }
0x60: {  	v3 =	vld [tilespmem:$0x20];
	_ =	sdelay $0x4  }
0x61: {  	v48 =	vshrl.u32 v3, $0x3  }
0x62: {  	v4 =	vmul.u32 $0x18, v48  }
0x63: {  	v3 =	vand.u32 $0x7, v3  }
0x64: {  	v3 =	vor.u32 v3, v4  }
0x65: {  	v4 =	vperm.xlane v3, v0;
	_ =	sdelay $0x1  }
0x66: {  	v4 =	vadd.s32 v1, v4;
	_ =	sdelay $0x1  }
0x67: {  	v3 =	vperm.xlane v3, v2;
	_ =	sdelay $0x1  }
0x68: {  	s0 =	rddreg [dreg:$0xd];
	v3 =	vadd.s32 v1, v3  }
0x69: {  	[tilespmem:s0], [sflag:$0x1] =	stream.indirect_vreg.gather [hbm4b:s3+s2], $0x80, v4, vm0, $0xb8;
	[tilespmem:$0x1B180] =	vst v63  }
0x6a: {  	s8 =	rddreg [dreg:$0xe]  }
0x6b: {  	[tilespmem:s8], [sflag:$0x1] =	stream.indirect_vreg.gather [hbm4b:s4+s2], $0x80, v4, vm1, $0xb8;
	[tilespmem:$0x1B180] =	vst v63  }
0x6c: {  	s0 =	rddreg [dreg:$0xf]  }
0x6d: {  	[tilespmem:s0], [sflag:$0x1] =	stream.indirect_vreg.gather [hbm4b:s3+s2], $0x80, v3, vm0, $0xb8;
	[tilespmem:$0x1B180] =	vst v63  }
0x6e: {  	s8 =	rddreg [dreg:$0x10]  }
0x6f: {  	[tilespmem:s8], [sflag:$0x1] =	stream.indirect_vreg.gather [hbm4b:s4+s2], $0x80, v3, vm1, $0xb8;
	[tilespmem:$0x1B180] =	vst v63  }
0x70: {  	v3 =	vld [tilespmem:$0x30];
	_ =	sdelay $0x4  }
0x71: {  	v49 =	vshrl.u32 v3, $0x3  }
0x72: {  	v4 =	vmul.u32 $0x18, v49  }
0x73: {  	v3 =	vand.u32 $0x7, v3  }
0x74: {  	v3 =	vor.u32 v3, v4  }
0x75: {  	v4 =	vperm.xlane v3, v0;
	_ =	sdelay $0x1  }
0x76: {  	v4 =	vadd.s32 v1, v4;
	_ =	sdelay $0x1  }
0x77: {  	v3 =	vperm.xlane v3, v2;
	_ =	sdelay $0x1  }
0x78: {  	s0 =	rddreg [dreg:$0x11];
	v3 =	vadd.s32 v1, v3  }
0x79: {  	[tilespmem:s0], [sflag:$0x1] =	stream.indirect_vreg.gather [hbm4b:s3+s2], $0x80, v4, vm0, $0xb8;
	[tilespmem:$0x1B180] =	vst v63  }
0x7a: {  	s8 =	rddreg [dreg:$0x12]  }
0x7b: {  	[tilespmem:s8], [sflag:$0x1] =	stream.indirect_vreg.gather [hbm4b:s4+s2], $0x80, v4, vm1, $0xb8;
	[tilespmem:$0x1B180] =	vst v63  }
0x7c: {  	s0 =	rddreg [dreg:$0x13]  }
0x7d: {  	[tilespmem:s0], [sflag:$0x1] =	stream.indirect_vreg.gather [hbm4b:s3+s2], $0x80, v3, vm0, $0xb8;
	[tilespmem:$0x1B180] =	vst v63  }
0x7e: {  	s8 =	rddreg [dreg:$0x14]  }
0x7f: {  	[tilespmem:s8], [sflag:$0x1] =	stream.indirect_vreg.gather [hbm4b:s4+s2], $0x80, v3, vm1, $0xb8;
	[tilespmem:$0x1B180] =	vst v63  }
0x80: {  	v3 =	vld [tilespmem:$0x40];
	_ =	sdelay $0x4  }
0x81: {  	v50 =	vshrl.u32 v3, $0x3  }
0x82: {  	v4 =	vmul.u32 $0x18, v50  }
0x83: {  	v3 =	vand.u32 $0x7, v3  }
0x84: {  	v3 =	vor.u32 v3, v4  }
0x85: {  	v4 =	vperm.xlane v3, v0;
	_ =	sdelay $0x1  }
0x86: {  	v4 =	vadd.s32 v1, v4;
	_ =	sdelay $0x1  }
0x87: {  	v3 =	vperm.xlane v3, v2;
	_ =	sdelay $0x1  }
0x88: {  	s0 =	rddreg [dreg:$0x15];
	v3 =	vadd.s32 v1, v3  }
0x89: {  	[tilespmem:s0], [sflag:$0x1] =	stream.indirect_vreg.gather [hbm4b:s3+s2], $0x80, v4, vm0, $0xb8;
	[tilespmem:$0x1B180] =	vst v63  }
0x8a: {  	s8 =	rddreg [dreg:$0x16]  }
0x8b: {  	[tilespmem:s8], [sflag:$0x1] =	stream.indirect_vreg.gather [hbm4b:s4+s2], $0x80, v4, vm1, $0xb8;
	[tilespmem:$0x1B180] =	vst v63  }
0x8c: {  	s0 =	rddreg [dreg:$0x17]  }
0x8d: {  	[tilespmem:s0], [sflag:$0x1] =	stream.indirect_vreg.gather [hbm4b:s3+s2], $0x80, v3, vm0, $0xb8;
	[tilespmem:$0x1B180] =	vst v63  }
0x8e: {  	s8 =	rddreg [dreg:$0x18]  }
0x8f: {  	[tilespmem:s8], [sflag:$0x1] =	stream.indirect_vreg.gather [hbm4b:s4+s2], $0x80, v3, vm1, $0xb8;
	[tilespmem:$0x1B180] =	vst v63  }
0x90: {  	v3 =	vld [tilespmem:$0x50];
	_ =	sdelay $0x4  }
0x91: {  	v51 =	vshrl.u32 v3, $0x3  }
0x92: {  	v4 =	vmul.u32 $0x18, v51  }
0x93: {  	v3 =	vand.u32 $0x7, v3  }
0x94: {  	v3 =	vor.u32 v3, v4  }
0x95: {  	v4 =	vperm.xlane v3, v0;
	_ =	sdelay $0x1  }
0x96: {  	v4 =	vadd.s32 v1, v4;
	_ =	sdelay $0x1  }
0x97: {  	v3 =	vperm.xlane v3, v2;
	_ =	sdelay $0x1  }
0x98: {  	s0 =	rddreg [dreg:$0x19];
	v3 =	vadd.s32 v1, v3  }
0x99: {  	[tilespmem:s0], [sflag:$0x1] =	stream.indirect_vreg.gather [hbm4b:s3+s2], $0x80, v4, vm0, $0xb8;
	[tilespmem:$0x1B180] =	vst v63  }
0x9a: {  	s8 =	rddreg [dreg:$0x1a]  }
0x9b: {  	[tilespmem:s8], [sflag:$0x1] =	stream.indirect_vreg.gather [hbm4b:s4+s2], $0x80, v4, vm1, $0xb8;
	[tilespmem:$0x1B180] =	vst v63  }
0x9c: {  	s0 =	rddreg [dreg:$0x1b]  }
0x9d: {  	[tilespmem:s0], [sflag:$0x1] =	stream.indirect_vreg.gather [hbm4b:s3+s2], $0x80, v3, vm0, $0xb8;
	[tilespmem:$0x1B180] =	vst v63  }
0x9e: {  	s8 =	rddreg [dreg:$0x1c]  }
0x9f: {  	[tilespmem:s8], [sflag:$0x1] =	stream.indirect_vreg.gather [hbm4b:s4+s2], $0x80, v3, vm1, $0xb8;
	[tilespmem:$0x1B180] =	vst v63  }
0xa0: {  	v3 =	vld [tilespmem:$0x60];
	_ =	sdelay $0x4  }
0xa1: {  	v52 =	vshrl.u32 v3, $0x3  }
0xa2: {  	v4 =	vmul.u32 $0x18, v52  }
0xa3: {  	v3 =	vand.u32 $0x7, v3  }
0xa4: {  	v3 =	vor.u32 v3, v4  }
0xa5: {  	v4 =	vperm.xlane v3, v0;
	_ =	sdelay $0x1  }
0xa6: {  	v4 =	vadd.s32 v1, v4;
	_ =	sdelay $0x1  }
0xa7: {  	v3 =	vperm.xlane v3, v2  }
0xa8: {  	s0 =	rddreg [dreg:$0x1d]  }
0xa9: {  	s8 =	rddreg [dreg:$0x1e];
	v3 =	vadd.s32 v1, v3  }
0xaa: {  	[tilespmem:s0], [sflag:$0x1] =	stream.indirect_vreg.gather [hbm4b:s3+s2], $0x80, v4, vm0, $0xb8;
	[tilespmem:$0x1B180] =	vst v63  }
0xab: {  	s0 =	rddreg [dreg:$0x1f]  }
0xac: {  	[tilespmem:s8], [sflag:$0x1] =	stream.indirect_vreg.gather [hbm4b:s4+s2], $0x80, v4, vm1, $0xb8;
	[tilespmem:$0x1B180] =	vst v63  }
0xad: {  	s8 =	sld [smem:$0x7E8]  }
0xae: {  	[tilespmem:s0], [sflag:$0x1] =	stream.indirect_vreg.gather [hbm4b:s3+s2], $0x80, v3, vm0, $0xb8;
	[tilespmem:$0x1B180] =	vst v63  }
0xaf: {  	_ = 	snop  }
0xb0: {  	[tilespmem:s8], [sflag:$0x1] =	stream.indirect_vreg.gather [hbm4b:s4+s2], $0x80, v3, vm1, $0xb8;
	[tilespmem:$0x1B180] =	vst v63  }
0xb1: {  	v3 =	vld [tilespmem:$0x70];
	_ =	sdelay $0x4  }
0xb2: {  	v53 =	vshrl.u32 v3, $0x3  }
0xb3: {  	v4 =	vmul.u32 $0x18, v53  }
0xb4: {  	v3 =	vand.u32 $0x7, v3  }
0xb5: {  	v3 =	vor.u32 v3, v4  }
0xb6: {  	v4 =	vperm.xlane v3, v0;
	_ =	sdelay $0x1  }
0xb7: {  	v4 =	vadd.s32 v1, v4;
	_ =	sdelay $0x1  }
0xb8: {  	s0 =	sld [smem:$0x7E9];
	v3 =	vperm.xlane v3, v2;
	_ =	sdelay $0x1  }
0xb9: {  	s8 =	sld [smem:$0x7EA];
	v3 =	vadd.s32 v1, v3  }
0xba: {  	[tilespmem:s0], [sflag:$0x1] =	stream.indirect_vreg.gather [hbm4b:s3+s2], $0x80, v4, vm0, $0xb8;
	[tilespmem:$0x1B180] =	vst v63  }
0xbb: {  	s0 =	sld [smem:$0x7EB]  }
0xbc: {  	[tilespmem:s8], [sflag:$0x1] =	stream.indirect_vreg.gather [hbm4b:s4+s2], $0x80, v4, vm1, $0xb8;
	[tilespmem:$0x1B180] =	vst v63  }
0xbd: {  	s8 =	sld [smem:$0x7EC]  }
0xbe: {  	[tilespmem:s0], [sflag:$0x1] =	stream.indirect_vreg.gather [hbm4b:s3+s2], $0x80, v3, vm0, $0xb8;
	[tilespmem:$0x1B180] =	vst v63  }
0xbf: {  	_ = 	snop  }
0xc0: {  	[tilespmem:s8], [sflag:$0x1] =	stream.indirect_vreg.gather [hbm4b:s4+s2], $0x80, v3, vm1, $0xb8;
	[tilespmem:$0x1B180] =	vst v63  }
0xc1: {  	v3 =	vld [tilespmem:$0x80];
	_ =	sdelay $0x4  }
0xc2: {  	v54 =	vshrl.u32 v3, $0x3  }
0xc3: {  	v4 =	vmul.u32 $0x18, v54  }
0xc4: {  	v3 =	vand.u32 $0x7, v3  }
0xc5: {  	v3 =	vor.u32 v3, v4  }
0xc6: {  	v4 =	vperm.xlane v3, v0;
	_ =	sdelay $0x1  }
0xc7: {  	v4 =	vadd.s32 v1, v4;
	_ =	sdelay $0x1  }
0xc8: {  	s0 =	sld [smem:$0x7ED];
	v3 =	vperm.xlane v3, v2;
	_ =	sdelay $0x1  }
0xc9: {  	s8 =	sld [smem:$0x7EE];
	v3 =	vadd.s32 v1, v3  }
0xca: {  	[tilespmem:s0], [sflag:$0x1] =	stream.indirect_vreg.gather [hbm4b:s3+s2], $0x80, v4, vm0, $0xb8;
	[tilespmem:$0x1B180] =	vst v63  }
0xcb: {  	s0 =	sld [smem:$0x7EF]  }
0xcc: {  	[tilespmem:s8], [sflag:$0x1] =	stream.indirect_vreg.gather [hbm4b:s4+s2], $0x80, v4, vm1, $0xb8;
	[tilespmem:$0x1B180] =	vst v63  }
0xcd: {  	s8 =	sld [smem:$0x7F0]  }
0xce: {  	[tilespmem:s0], [sflag:$0x1] =	stream.indirect_vreg.gather [hbm4b:s3+s2], $0x80, v3, vm0, $0xb8;
	[tilespmem:$0x1B180] =	vst v63  }
0xcf: {  	_ = 	snop  }
0xd0: {  	[tilespmem:s8], [sflag:$0x1] =	stream.indirect_vreg.gather [hbm4b:s4+s2], $0x80, v3, vm1, $0xb8;
	[tilespmem:$0x1B180] =	vst v63  }
0xd1: {  	v3 =	vld [tilespmem:$0x90];
	_ =	sdelay $0x4  }
0xd2: {  	v55 =	vshrl.u32 v3, $0x3  }
0xd3: {  	v4 =	vmul.u32 $0x18, v55  }
0xd4: {  	v3 =	vand.u32 $0x7, v3  }
0xd5: {  	v3 =	vor.u32 v3, v4  }
0xd6: {  	v4 =	vperm.xlane v3, v0;
	_ =	sdelay $0x1  }
0xd7: {  	v4 =	vadd.s32 v1, v4;
	_ =	sdelay $0x1  }
0xd8: {  	s0 =	sld [smem:$0x7F1];
	v3 =	vperm.xlane v3, v2;
	_ =	sdelay $0x1  }
0xd9: {  	s8 =	sld [smem:$0x7F2];
	v3 =	vadd.s32 v1, v3  }
0xda: {  	[tilespmem:s0], [sflag:$0x1] =	stream.indirect_vreg.gather [hbm4b:s3+s2], $0x80, v4, vm0, $0xb8;
	[tilespmem:$0x1B180] =	vst v63  }
0xdb: {  	s0 =	sld [smem:$0x7F3]  }
0xdc: {  	[tilespmem:s8], [sflag:$0x1] =	stream.indirect_vreg.gather [hbm4b:s4+s2], $0x80, v4, vm1, $0xb8;
	[tilespmem:$0x1B180] =	vst v63  }
0xdd: {  	s8 =	sld [smem:$0x7F4]  }
0xde: {  	[tilespmem:s0], [sflag:$0x1] =	stream.indirect_vreg.gather [hbm4b:s3+s2], $0x80, v3, vm0, $0xb8;
	[tilespmem:$0x1B180] =	vst v63  }
0xdf: {  	_ = 	snop  }
0xe0: {  	[tilespmem:s8], [sflag:$0x1] =	stream.indirect_vreg.gather [hbm4b:s4+s2], $0x80, v3, vm1, $0xb8;
	[tilespmem:$0x1B180] =	vst v63  }
0xe1: {  	v3 =	vld [tilespmem:$0xA0];
	_ =	sdelay $0x4  }
0xe2: {  	v56 =	vshrl.u32 v3, $0x3  }
0xe3: {  	v4 =	vmul.u32 $0x18, v56  }
0xe4: {  	v3 =	vand.u32 $0x7, v3  }
0xe5: {  	v3 =	vor.u32 v3, v4  }
0xe6: {  	v4 =	vperm.xlane v3, v0;
	_ =	sdelay $0x1  }
0xe7: {  	v4 =	vadd.s32 v1, v4;
	_ =	sdelay $0x1  }
0xe8: {  	s0 =	sld [smem:$0x7F5];
	v3 =	vperm.xlane v3, v2;
	_ =	sdelay $0x1  }
0xe9: {  	s8 =	sld [smem:$0x7F6];
	v3 =	vadd.s32 v1, v3  }
0xea: {  	[tilespmem:s0], [sflag:$0x1] =	stream.indirect_vreg.gather [hbm4b:s3+s2], $0x80, v4, vm0, $0xb8;
	[tilespmem:$0x1B180] =	vst v63  }
0xeb: {  	s0 =	sld [smem:$0x7F7]  }
0xec: {  	[tilespmem:s8], [sflag:$0x1] =	stream.indirect_vreg.gather [hbm4b:s4+s2], $0x80, v4, vm1, $0xb8;
	[tilespmem:$0x1B180] =	vst v63  }
0xed: {  	s8 =	sld [smem:$0x7F8]  }
0xee: {  	[tilespmem:s0], [sflag:$0x1] =	stream.indirect_vreg.gather [hbm4b:s3+s2], $0x80, v3, vm0, $0xb8;
	[tilespmem:$0x1B180] =	vst v63  }
0xef: {  	_ = 	snop  }
0xf0: {  	[tilespmem:s8], [sflag:$0x1] =	stream.indirect_vreg.gather [hbm4b:s4+s2], $0x80, v3, vm1, $0xb8;
	[tilespmem:$0x1B180] =	vst v63  }
0xf1: {  	v3 =	vld [tilespmem:$0xB0];
	_ =	sdelay $0x4  }
0xf2: {  	v57 =	vshrl.u32 v3, $0x3  }
0xf3: {  	v4 =	vmul.u32 $0x18, v57  }
0xf4: {  	v3 =	vand.u32 $0x7, v3  }
0xf5: {  	v3 =	vor.u32 v3, v4  }
0xf6: {  	v4 =	vperm.xlane v3, v0;
	_ =	sdelay $0x1  }
0xf7: {  	v4 =	vadd.s32 v1, v4;
	_ =	sdelay $0x1  }
0xf8: {  	s0 =	sld [smem:$0x7F9];
	v3 =	vperm.xlane v3, v2;
	_ =	sdelay $0x1  }
0xf9: {  	s8 =	sld [smem:$0x7FA];
	v3 =	vadd.s32 v1, v3  }
0xfa: {  	[tilespmem:s0], [sflag:$0x1] =	stream.indirect_vreg.gather [hbm4b:s3+s2], $0x80, v4, vm0, $0xb8;
	[tilespmem:$0x1B180] =	vst v63  }
0xfb: {  	s0 =	sld [smem:$0x7FB]  }
0xfc: {  	[tilespmem:s8], [sflag:$0x1] =	stream.indirect_vreg.gather [hbm4b:s4+s2], $0x80, v4, vm1, $0xb8;
	[tilespmem:$0x1B180] =	vst v63  }
0xfd: {  	s8 =	sld [smem:$0x7FC]  }
0xfe: {  	[tilespmem:s0], [sflag:$0x1] =	stream.indirect_vreg.gather [hbm4b:s3+s2], $0x80, v3, vm0, $0xb8;
	[tilespmem:$0x1B180] =	vst v63  }
0xff: {  	_ = 	snop  }
0x100: {  	[tilespmem:s8], [sflag:$0x1] =	stream.indirect_vreg.gather [hbm4b:s4+s2], $0x80, v3, vm1, $0xb8;
	[tilespmem:$0x1B180] =	vst v63  }
0x101: {  	v3 =	vld [tilespmem:$0xC0];
	_ =	sdelay $0x4  }
0x102: {  	v58 =	vshrl.u32 v3, $0x3  }
0x103: {  	v4 =	vmul.u32 $0x18, v58  }
0x104: {  	v3 =	vand.u32 $0x7, v3  }
0x105: {  	v3 =	vor.u32 v3, v4  }
0x106: {  	v4 =	vperm.xlane v3, v0;
	_ =	sdelay $0x1  }
0x107: {  	v4 =	vadd.s32 v1, v4;
	_ =	sdelay $0x1  }
0x108: {  	s8 =	sld [smem:$0x7FD];
	v3 =	vperm.xlane v3, v2;
	_ =	sdelay $0x1  }
0x109: {  	v3 =	vadd.s32 v1, v3  }
0x10a: {  	[tilespmem:s8], [sflag:$0x1] =	stream.indirect_vreg.gather [hbm4b:s3+s2], $0x80, v4, vm0, $0xb8;
	[tilespmem:$0x1B180] =	vst v63  }
0x10b: {  	s8 =	simm.s32 $0x12980  }
0x10c: {  	[tilespmem:s8], [sflag:$0x1] =	stream.indirect_vreg.gather [hbm4b:s4+s2], $0x80, v4, vm1, $0xb8;
	[tilespmem:$0x1B180] =	vst v63  }
0x10d: {  	_ = 	snop  }
0x10e: {  	[tilespmem:s9], [sflag:$0x1] =	stream.indirect_vreg.gather [hbm4b:s3+s2], $0x80, v3, vm0, $0xb8;
	[tilespmem:$0x1B180] =	vst v63  }
0x10f: {  	_ = 	snop  }
0x110: {  	[tilespmem:s10], [sflag:$0x1] =	stream.indirect_vreg.gather [hbm4b:s4+s2], $0x80, v3, vm1, $0xb8;
	[tilespmem:$0x1B180] =	vst v63  }
0x111: {  	v3 =	vld [tilespmem:$0xD0];
	_ =	sdelay $0x4  }
0x112: {  	v59 =	vshrl.u32 v3, $0x3  }
0x113: {  	v4 =	vmul.u32 $0x18, v59  }
0x114: {  	v3 =	vand.u32 $0x7, v3  }
0x115: {  	v3 =	vor.u32 v3, v4  }
0x116: {  	v4 =	vperm.xlane v3, v0;
	_ =	sdelay $0x1  }
0x117: {  	v4 =	vadd.s32 v1, v4;
	_ =	sdelay $0x1  }
0x118: {  	v3 =	vperm.xlane v3, v2;
	_ =	sdelay $0x1  }
0x119: {  	v3 =	vadd.s32 v1, v3  }
0x11a: {  	[tilespmem:s11], [sflag:$0x1] =	stream.indirect_vreg.gather [hbm4b:s3+s2], $0x80, v4, vm0, $0xb8;
	[tilespmem:$0x1B180] =	vst v63  }
0x11b: {  	_ = 	snop  }
0x11c: {  	[tilespmem:s12], [sflag:$0x1] =	stream.indirect_vreg.gather [hbm4b:s4+s2], $0x80, v4, vm1, $0xb8;
	[tilespmem:$0x1B180] =	vst v63  }
0x11d: {  	_ = 	snop  }
0x11e: {  	[tilespmem:s13], [sflag:$0x1] =	stream.indirect_vreg.gather [hbm4b:s3+s2], $0x80, v3, vm0, $0xb8;
	[tilespmem:$0x1B180] =	vst v63  }
0x11f: {  	_ = 	snop  }
0x120: {  	[tilespmem:s14], [sflag:$0x1] =	stream.indirect_vreg.gather [hbm4b:s4+s2], $0x80, v3, vm1, $0xb8;
	[tilespmem:$0x1B180] =	vst v63  }
0x121: {  	v3 =	vld [tilespmem:$0xE0];
	_ =	sdelay $0x4  }
0x122: {  	v60 =	vshrl.u32 v3, $0x3  }
0x123: {  	v4 =	vmul.u32 $0x18, v60  }
0x124: {  	v3 =	vand.u32 $0x7, v3  }
0x125: {  	v3 =	vor.u32 v3, v4  }
0x126: {  	v4 =	vperm.xlane v3, v0;
	_ =	sdelay $0x1  }
0x127: {  	v4 =	vadd.s32 v1, v4;
	_ =	sdelay $0x1  }
0x128: {  	v3 =	vperm.xlane v3, v2;
	_ =	sdelay $0x1  }
0x129: {  	v3 =	vadd.s32 v1, v3  }
0x12a: {  	[tilespmem:s15], [sflag:$0x1] =	stream.indirect_vreg.gather [hbm4b:s3+s2], $0x80, v4, vm0, $0xb8;
	[tilespmem:$0x1B180] =	vst v63  }
0x12b: {  	_ = 	snop  }
0x12c: {  	[tilespmem:s16], [sflag:$0x1] =	stream.indirect_vreg.gather [hbm4b:s4+s2], $0x80, v4, vm1, $0xb8;
	[tilespmem:$0x1B180] =	vst v63  }
0x12d: {  	_ = 	snop  }
0x12e: {  	[tilespmem:s17], [sflag:$0x1] =	stream.indirect_vreg.gather [hbm4b:s3+s2], $0x80, v3, vm0, $0xb8;
	[tilespmem:$0x1B180] =	vst v63  }
0x12f: {  	_ = 	snop  }
0x130: {  	[tilespmem:s18], [sflag:$0x1] =	stream.indirect_vreg.gather [hbm4b:s4+s2], $0x80, v3, vm1, $0xb8;
	[tilespmem:$0x1B180] =	vst v63  }
0x131: {  	v3 =	vld [tilespmem:$0xF0];
	_ =	sdelay $0x4  }
0x132: {  	v61 =	vshrl.u32 v3, $0x3  }
0x133: {  	v4 =	vmul.u32 $0x18, v61  }
0x134: {  	v3 =	vand.u32 $0x7, v3  }
0x135: {  	v3 =	vor.u32 v3, v4  }
0x136: {  	v4 =	vperm.xlane v3, v0;
	_ =	sdelay $0x1  }
0x137: {  	v4 =	vadd.s32 v1, v4;
	_ =	sdelay $0x1  }
0x138: {  	v3 =	vperm.xlane v3, v2;
	_ =	sdelay $0x1  }
0x139: {  	v3 =	vadd.s32 v1, v3  }
0x13a: {  	[tilespmem:s19], [sflag:$0x1] =	stream.indirect_vreg.gather [hbm4b:s3+s2], $0x80, v4, vm0, $0xb8;
	[tilespmem:$0x1B180] =	vst v63  }
0x13b: {  	_ = 	snop  }
0x13c: {  	[tilespmem:s20], [sflag:$0x1] =	stream.indirect_vreg.gather [hbm4b:s4+s2], $0x80, v4, vm1, $0xb8;
	[tilespmem:$0x1B180] =	vst v63  }
0x13d: {  	_ = 	snop  }
0x13e: {  	[tilespmem:s21], [sflag:$0x1] =	stream.indirect_vreg.gather [hbm4b:s3+s2], $0x80, v3, vm0, $0xb8;
	[tilespmem:$0x1B180] =	vst v63  }
0x13f: {  	_ = 	snop  }
0x140: {  	[tilespmem:s22], [sflag:$0x1] =	stream.indirect_vreg.gather [hbm4b:s4+s2], $0x80, v3, vm1, $0xb8;
	[tilespmem:$0x1B180] =	vst v63  }
0x141: {  	v3 =	vld [tilespmem:$0x100];
	_ =	sdelay $0x4  }
0x142: {  	v62 =	vshrl.u32 v3, $0x3  }
0x143: {  	v4 =	vmul.u32 $0x18, v62  }
0x144: {  	v3 =	vand.u32 $0x7, v3  }
0x145: {  	v3 =	vor.u32 v3, v4  }
0x146: {  	v4 =	vperm.xlane v3, v0;
	_ =	sdelay $0x1  }
0x147: {  	v4 =	vadd.s32 v1, v4;
	_ =	sdelay $0x1  }
0x148: {  	v3 =	vperm.xlane v3, v2;
	_ =	sdelay $0x1  }
0x149: {  	v3 =	vadd.s32 v1, v3  }
0x14a: {  	[tilespmem:s23], [sflag:$0x1] =	stream.indirect_vreg.gather [hbm4b:s3+s2], $0x80, v4, vm0, $0xb8;
	[tilespmem:$0x1B180] =	vst v63  }
0x14b: {  	_ = 	snop  }
0x14c: {  	[tilespmem:s24], [sflag:$0x1] =	stream.indirect_vreg.gather [hbm4b:s4+s2], $0x80, v4, vm1, $0xb8;
	[tilespmem:$0x1B180] =	vst v63  }
0x14d: {  	_ = 	snop  }
0x14e: {  	[tilespmem:s25], [sflag:$0x1] =	stream.indirect_vreg.gather [hbm4b:s3+s2], $0x80, v3, vm0, $0xb8;
	[tilespmem:$0x1B180] =	vst v63  }
0x14f: {  	_ = 	snop  }
0x150: {  	[tilespmem:s26], [sflag:$0x1] =	stream.indirect_vreg.gather [hbm4b:s4+s2], $0x80, v3, vm1, $0xb8;
	[tilespmem:$0x1B180] =	vst v63  }
0x151: {  	v3 =	vld [tilespmem:$0x110];
	_ =	sdelay $0x4  }
0x152: {  	v63 =	vshrl.u32 v3, $0x3  }
0x153: {  	v4 =	vmul.u32 $0x18, v63  }
0x154: {  	v3 =	vand.u32 $0x7, v3  }
0x155: {  	v3 =	vor.u32 v3, v4  }
0x156: {  	v4 =	vperm.xlane v3, v0;
	_ =	sdelay $0x1  }
0x157: {  	v4 =	vadd.s32 v1, v4;
	_ =	sdelay $0x1  }
0x158: {  	v3 =	vperm.xlane v3, v2;
	_ =	sdelay $0x1  }
0x159: {  	v3 =	vadd.s32 v1, v3  }
0x15a: {  	[tilespmem:s28], [sflag:$0x1] =	stream.indirect_vreg.gather [hbm4b:s3+s2], $0x80, v4, vm0, $0xb8;
	[tilespmem:$0x1B180] =	vst v63  }
0x15b: {  	_ = 	snop  }
0x15c: {  	[tilespmem:s29], [sflag:$0x1] =	stream.indirect_vreg.gather [hbm4b:s4+s2], $0x80, v4, vm1, $0xb8;
	[tilespmem:$0x1B180] =	vst v63  }
0x15d: {  	_ = 	snop  }
0x15e: {  	[tilespmem:s30], [sflag:$0x1] =	stream.indirect_vreg.gather [hbm4b:s3+s2], $0x80, v3, vm0, $0xb8;
	[tilespmem:$0x1B180] =	vst v63  }
0x15f: {  	_ = 	snop  }
0x160: {  	[tilespmem:s31], [sflag:$0x1] =	stream.indirect_vreg.gather [hbm4b:s4+s2], $0x80, v3, vm1, $0xb8;
	[tilespmem:$0x1B180] =	vst v63  }
0x161: {  	_ =	swait.ge [sflag:s1], $0x9000  }
0x162: {  	[sflag:s1] =	ssyncset.done $0x0  }
0x163: {  	[sflag:s1] =	ssyncadd.s32 $0xFFFF7000  }
0x164: {  	_ =	swait.ge [sflag:s1], $0x9000  }
0x165: {  	[sflag:s1] =	ssyncset.done $0x0  }
0x166: {  	[sflag:s1] =	ssyncadd.s32 $0xFFFF7000  }
0x167: {  	_ =	swait.ge [sflag:s1], $0x9000  }
0x168: {  	p0 =	sne.s32 s5, $0x1;
	[sflag:s1] =	ssyncset.done $0x0  }
.Ltmp0:
0x169: {  	s8 =	rddreg [dreg:$0x5];
	[sflag:s1] =	ssyncadd.s32 $0xFFFF7000;
	(pc) =	sbr.rel @p0 .LBB2_1-.Ltmp0, $4  }
0x16a: {  	[hbm4b:s8+s2] =	stream.linear.scatter [tilespmem:s7], [sflag:$0x2], $0x1B000, $0x38;
	[tilespmem:$0x1B180] =	vst v63  }
0x16b: {  	_ =	swait.ge [sflag:s6], $0x1B000  }
0x16c: {  	[sflag:s6] =	ssyncset.done $0x0  }
0x16d: {  	s5 =	sadd.s32 $0xFFFFFFFF, s5;
	[sflag:s6] =	ssyncadd.s32 $0xFFFE5000  }
0x16e: {  	_ =	sfence.sel $0x180000  }
0x16f: {  	[bflag:$0x0] =	sbarrier.arrive $0xFFFF  }
0x170: {  	_ =	strace $0x90000047  }
0x171: {  	s0 =	stileid.u32;
	[bflag:$0x2] =	sbarrier.arrive $0xFFFF  }
0x172: {  	p0 =	sne.s32 s0, $0x0;
	s0 =	rddreg [dreg:$0x3]  }
0x173: {  	s0 =	sadd.s32 @!p0 $0x100000, s0  }
0x174: {  	[sflag:s0] =	ssyncadd.tile.s32 @!p0 $0x1;
	_ =	shalt  }
.Lfunc_end2:
_tile_overlayer_lowered:
.L_overlay_start_2:
0x175: {  	(tag) =	ssettag $0x2  }
0x176: {  	s0 =	rddreg [dreg:$0x0];
	s2 =	stileid.u32  }
0x177: {  	s1 =	rddreg [dreg:$0x1];
	p0 =	sne.s32 s2, $0x0  }
0x178: {  	s3 =	rddreg [dreg:$0x2];
	[bflag:$0x3] =	sbarrier.arrive $0xFFFF;
	s2 =	simm.s32 @!p0 $0x1C02  }
0x179: {  	[timem:s3], [sflag:s2] =	dma.local @!p0 [hbm:s0], s1  }
0x17a: {  	s0 =	simm.s32 @!p0 $0x2  }
0x17b: {  	_ =	swait.ge @!p0 [sflag:s0], s1  }
0x17c: {  	s1 =	ssub.s32 @!p0 $0x0, s1;
	[sflag:s0] =	ssyncset.done @!p0 $0x0  }
0x17d: {  	[sflag:s0] =	ssyncadd.s32 @!p0 s1  }
0x17e: {  	[bflag:$0x3] =	sbarrier.arrive $0xFFFF  }
0x17f: {  	_ =	shalt  }

// kernel: kernel.14.cloned.1.call-start
scs
__scs_entry_jumppad:
0x0: {  	(pc) =	sbr.rel $0x88, $3  }
0x1: {  	(tag) =	ssettag $0x0;
	lr =	simm.s32 $0x1  }
0x2: {  	[smem:$0x3F9F] =	sst lr;
	_ =	strace $0xD0000000  }
0x3: {  	_ = 	snop  }
0x4: {  	_ = 	snop  }
0x5: {  	_ = 	snop  }
0x6: {  	_ = 	snop  }
0x7: {  	_ = 	snop  }
__scs_overlays_trampoline_lowered:
0x8: {  	[smem:$0x3FAE] =	sst s0  }
0x9: {  	[smem:$0x3FAF] =	sst s1  }
0xa: {  	[smem:$0x3FB0] =	sst s2  }
0xb: {  	[smem:$0x3FB1] =	sst s3  }
0xc: {  	[smem:$0x3FB2] =	sst s4  }
0xd: {  	[smem:$0x3FB3] =	sst s5  }
0xe: {  	[smem:$0x3FB4] =	sst s6  }
0xf: {  	[smem:$0x3FB5] =	sst s7  }
0x10: {  	[smem:$0x3FB6] =	sst s8  }
0x11: {  	[smem:$0x3FB7] =	sst s9;
	s0 =	simm.s32 @!p0 $0x0  }
0x12: {  	s1 =	sld [smem:$0x3F9D];
	s0 =	simm.s32 @p0 $0x1  }
0x13: {  	[smem:$0x3FB8] =	sst s0;
	s0 =	simm.s32 @!p1 $0x0  }
0x14: {  	s2 =	sld [smem:$0x3F9C];
	s0 =	simm.s32 @p1 $0x1  }
0x15: {  	[smem:$0x3FB9] =	sst s0;
	s0 =	simm.s32 @!p2 $0x0  }
0x16: {  	s3 =	sld [smem:$0x3FDB];
	s0 =	simm.s32 @p2 $0x1  }
0x17: {  	s4 =	simm.s32 $0x1BF5;
	[smem:$0x3FBB] =	sst s0  }
0x18: {  	s0 =	sld [smem:$0x3F9E];
	_ =	swait.ge [sflag:s4], $0x0  }
0x19: {  	s7 =	sld [smem:$0x3F9F]  }
0x1a: {  	s8 =	sadd.s32 $0xFFFFE003, lr  }
0x1b: {  	s9 =	sadd.s32 $0xFFFFFEF7, lr;
	s5 =	simm.s32 $0xFFFFFFFF;
	p2 =	slt.u32 s8, $0xFFFFF086  }
0x1c: {  	p1 =	slt.u32 s9, $0xF7A;
	s5 =	simm.s32 @!p2 $0x0  }
0x1d: {  	s5 =	simm.s32 @p1 $0x1;
	p0 =	seq.s32 s7, s2  }
0x1e: {  	s7 =	smul.u32 @!p0 $0xF7A, s2;
	p2 =	seq.s32 @!p0 s5, $0x0  }
0x1f: {  	s9 =	smul.u32 $0xF7A, s1;
	s8 =	simm.s32 @!p0 $0x1BF5;
	p2 =	por !p2, p0  }
0x20: {  	[sflag:s8] =	ssyncset.s32 @!p0 $0xFFFFF086;
	s6 =	sadd.s32 @!p0 s3, s7;
	s7 =	simm.s32 @!p0 $0x108  }
0x21: {  	s3 =	sadd.s32 s3, s9;
	s6 =	sadd.s32 @!p0 $0x88, s6;
	s7 =	simm.s32 @p2 $0x1082  }
0x22: {  	[simem:s7], [sflag:s8] =	dma.local @!p0 [hbm:s6], $0xF7A  }
0x23: {  	s9 =	sor.u32 $0xD0000000, s2;
	s6 =	simm.s32 $0x108;
	_ =	swait.ge @!p0 [sflag:s8], $0x0  }
0x24: {  	s3 =	sadd.s32 $0x88, s3;
	s6 =	simm.s32 @!p1 $0x1082;
	[sflag:s4] =	ssyncset.s32 $0xFFFFF086  }
0x25: {  	[simem:s6], [sflag:s4] =	dma.local [hbm:s3], $0xF7A  }
0x26: {  	[smem:$0x3F9F] =	sst s1;
	(tag) =	ssettag s2;
	_ =	strace s9  }
0x27: {  	s1 =	sld [smem:$0x3FAF]  }
0x28: {  	s2 =	sld [smem:$0x3FB0]  }
0x29: {  	s4 =	sld [smem:$0x3FB2]  }
0x2a: {  	p0 =	seq.s32 s5, $0x0;
	s5 =	sld [smem:$0x3FB3]  }
0x2b: {  	s6 =	sld [smem:$0x3FB4]  }
0x2c: {  	s7 =	sld [smem:$0x3FB5]  }
0x2d: {  	s3 =	simm.s32 $0x108;
	s8 =	sld [smem:$0x3FB6]  }
0x2e: {  	s3 =	simm.s32 @!p0 $0x1082;
	s9 =	sld [smem:$0x3FB7]  }
0x2f: {  	lr =	sadd.s32 s0, s3;
	s0 =	sld [smem:$0x3FAE]  }
0x30: {  	s3 =	sld [smem:$0x3FB1]  }
0x31: {  	[smem:$0x3FBA] =	sst s10  }
0x32: {  	s10 =	sld [smem:$0x3FB8];
	_ =	sdelay $0x3  }
0x33: {  	p0 =	seq.s32 s10, $0x1;
	s10 =	sld [smem:$0x3FBA];
	_ =	sdelay $0x3  }
0x34: {  	[smem:$0x3FBA] =	sst s10  }
0x35: {  	s10 =	sld [smem:$0x3FB9];
	_ =	sdelay $0x3  }
0x36: {  	p1 =	seq.s32 s10, $0x1;
	s10 =	sld [smem:$0x3FBA];
	_ =	sdelay $0x3  }
0x37: {  	[smem:$0x3FBA] =	sst s10  }
0x38: {  	s10 =	sld [smem:$0x3FBB]  }
0x39: {  	_ = 	snop;
	(pc) =	sbr.ind lr, $3  }
0x3a: {  	_ = 	snop  }
0x3b: {  	_ = 	snop  }
0x3c: {  	p2 =	seq.s32 s10, $0x1;
	s10 =	sld [smem:$0x3FBA]  }
0x3d: {  	_ =	shalt  }
0x3e: {  	_ =	shalt  }
0x3f: {  	_ =	shalt  }
0x40: {  	_ =	shalt  }
0x41: {  	_ =	shalt  }
0x42: {  	_ =	shalt  }
0x43: {  	_ =	shalt  }
0x44: {  	_ =	shalt  }
0x45: {  	_ =	shalt  }
0x46: {  	_ =	shalt  }
0x47: {  	_ =	shalt  }
0x48: {  	_ =	shalt  }
0x49: {  	_ =	shalt  }
0x4a: {  	_ =	shalt  }
0x4b: {  	_ =	shalt  }
0x4c: {  	_ =	shalt  }
0x4d: {  	_ =	shalt  }
0x4e: {  	_ =	shalt  }
0x4f: {  	_ =	shalt  }
0x50: {  	_ =	shalt  }
0x51: {  	_ =	shalt  }
0x52: {  	_ =	shalt  }
0x53: {  	_ =	shalt  }
0x54: {  	_ =	shalt  }
0x55: {  	_ =	shalt  }
0x56: {  	_ =	shalt  }
0x57: {  	_ =	shalt  }
0x58: {  	_ =	shalt  }
0x59: {  	_ =	shalt  }
0x5a: {  	_ =	shalt  }
0x5b: {  	_ =	shalt  }
0x5c: {  	_ =	shalt  }
0x5d: {  	_ =	shalt  }
0x5e: {  	_ =	shalt  }
0x5f: {  	_ =	shalt  }
0x60: {  	_ =	shalt  }
0x61: {  	_ =	shalt  }
0x62: {  	_ =	shalt  }
0x63: {  	_ =	shalt  }
0x64: {  	_ =	shalt  }
0x65: {  	_ =	shalt  }
0x66: {  	_ =	shalt  }
0x67: {  	_ =	shalt  }
0x68: {  	_ =	shalt  }
0x69: {  	_ =	shalt  }
0x6a: {  	_ =	shalt  }
0x6b: {  	_ =	shalt  }
0x6c: {  	_ =	shalt  }
0x6d: {  	_ =	shalt  }
0x6e: {  	_ =	shalt  }
0x6f: {  	_ =	shalt  }
0x70: {  	_ =	shalt  }
0x71: {  	_ =	shalt  }
0x72: {  	_ =	shalt  }
0x73: {  	_ =	shalt  }
0x74: {  	_ =	shalt  }
0x75: {  	_ =	shalt  }
0x76: {  	_ =	shalt  }
0x77: {  	_ =	shalt  }
0x78: {  	_ =	shalt  }
0x79: {  	_ =	shalt  }
0x7a: {  	_ =	shalt  }
0x7b: {  	_ =	shalt  }
0x7c: {  	_ =	shalt  }
0x7d: {  	_ =	shalt  }
0x7e: {  	_ =	shalt  }
0x7f: {  	_ =	shalt  }
0x80: {  	_ =	shalt  }
0x81: {  	_ =	shalt  }
0x82: {  	_ =	shalt  }
0x83: {  	_ =	shalt  }
0x84: {  	_ =	shalt  }
0x85: {  	_ =	shalt  }
0x86: {  	_ =	shalt  }
0x87: {  	_ =	shalt  }
.Lfunc_end0:
.L_simem_size_0:
called_computation.1_lowered:
.L_overlay_start_0:
0x88: {  	s2 =	sld [smem:$0x3FD9]  }
0x89: {  	s3 =	sld [smem:$0x3FFE];
	_ =	sdelay $0x1  }
0x8a: {  	s1 =	srdreg.scid  }
0x8b: {  	s0 =	sand.u32 $0x1, s1  }
0x8c: {  	s14 =	sshll.u32 s0, $0xA;
	s2 =	sadd.s32 s3, s2  }
0x8d: {  	s2 =	sadd.s32 s2, s14  }
0x8e: {  	[smem:$0x3FC6] =	sst s2  }
0x8f: {  	_ = 	snop  }
0x90: {  	s2 =	sld [smem:$0x3FD0];
	_ =	sdelay $0x2  }
0x91: {  	s15 =	simm.s32 $0xA;
	s4 =	simm.s32 $0x10  }
0x92: {  	[smem:s4], [sflag:s15] =	dma.local [hbm:s2], $0x1  }
0x93: {  	_ =	swait.eq [sflag:s15], $0x1  }
0x94: {  	[sflag:s15] =	ssyncset.done $0x0  }
0x95: {  	[sflag:s15] =	ssyncadd.s32 $0xFFFFFFFF  }
0x96: {  	s16 =	sld [smem:$0x11];
	(tm) =	ssettm $0x1  }
0x97: {  	s17 =	sld [smem:$0x3FFB];
	_ =	sdelay $0x3  }
0x98: {  	_ =	strace s17  }
0x99: {  	s3 =	sld [smem:$0x3FFC];
	_ =	sdelay $0x3  }
0x9a: {  	_ =	strace s3  }
0x9b: {  	s3 =	sld [smem:$0x3FFD];
	_ =	sdelay $0x3  }
0x9c: {  	_ =	strace s3  }
0x9d: {  	_ =	strace $0x8FFFFFFF  }
0x9e: {  	s18 =	sld [smem:$0x3FDB];
	_ =	sdelay $0x1  }
0x9f: {  	s19 =	simm.s32 $_scs_section_size  }
0xa0: {  	s5 =	simm.s32 $_size__tile_overlayer_lowered;
	s6 =	simm.s32 $_tile_overlayer_lowered  }
0xa1: {  	s22 =	simm.s32 $0x1BFF;
	s21 =	sshll.u32 s6, $0x1;
	s3 =	sadd.s32 s19, s18  }
0xa2: {  	s7 =	simm.s32 $0x0;
	s20 =	sshll.u32 s5, $0x1;
	s5 =	sadd.s32 s21, s3  }
0xa3: {  	[timem:s7], [sflag:s22] =	dma.local [hbm:s5], s20  }
0xa4: {  	_ =	swait.ge [sflag:s22], s20  }
0xa5: {  	s4 =	ssub.s32 $0x0, s20;
	[sflag:s22] =	ssyncset.done $0x0  }
0xa6: {  	[sflag:s22] =	ssyncadd.s32 s4;
	_ =	sdelay $0x1  }
0xa7: {  	s23 =	simm.s32 $0x1B8B  }
0xa8: {  	_ =	swait.ge [sflag:s23], $0x1  }
0xa9: {  	[sflag:s23] =	ssyncset.done $0x0  }
0xaa: {  	s25 =	simm.s32 $0x1B8E;
	s24 =	sld [smem:$0x3FFE];
	[sflag:s23] =	ssyncadd.s32 $0xFFFFFFFF  }
0xab: {  	s26 =	simm.s32 $execute0_lowered;
	[smem:$0x3FD2] =	sst s25  }
0xac: {  	s5 =	sshll.u32 s26, $0x1;
	_ =	strace $0x80000049;
	[dreg:$0x1] =	wrdreg $0xFFFFFFFF  }
0xad: {  	s28 =	simm.s32 $_size_execute0_lowered;
	s3 =	sadd.s32 s3, s5;
	[dreg:$0x0] =	wrdreg $0x0  }
0xae: {  	s5 =	sshll.u32 s28, $0x1;
	[dreg:$0x2] =	wrdreg s3  }
0xaf: {  	[dreg:$0x3] =	wrdreg s5  }
0xb0: {  	[dreg:$0x4] =	wrdreg $0xC0  }
0xb1: {  	_ =	task [dreg:s7], $0x5FFFF  }
0xb2: {  	[dreg:$0x1] =	wrdreg $0xFFFFFFFF  }
0xb3: {  	[dreg:$0x0] =	wrdreg $0x60  }
0xb4: {  	[dreg:$0x2] =	wrdreg s24  }
0xb5: {  	[dreg:$0x3] =	wrdreg s16  }
0xb6: {  	[dreg:$0x4] =	wrdreg $0x9  }
0xb7: {  	_ =	task.clear_ibuf [dreg:s7], $0x5FFFF;
	_ =	strace $0x90000049  }
0xb8: {  	s29 =	simm.s32 $0x9;
	_ =	strace $0x8000004B  }
0xb9: {  	_ =	swait.ge [sflag:s29], $0x1  }
0xba: {  	[sflag:s29] =	ssyncadd.s32 $0xFFFFFFFF  }
0xbb: {  	_ =	strace $0x9000004B  }
0xbc: {  	_ =	sfence  }
0xbd: {  	s30 =	sld [smem:$0x0];
	_ =	sdelay $0x2  }
0xbe: {  	s31 =	sshll.u32 s1, $0xD;
	s1 =	sshrl.u32 s1, $0x2  }
0xbf: {  	s3 =	sand.u32 $0x4000, s31;
	s1 =	sadd.s32 s1, s30  }
0xc0: {  	s0 =	sor.u32 s3, s0;
	s1 =	sshll.u32 s1, $0x11  }
0xc1: {  	s0 =	sor.u32 s1, s0  }
0xc2: {  	s0 =	sadd.s32 $0x8F2B, s0  }
0xc3: {  	[sflag:s0] =	ssyncadd.remote.s32 $0x1  }
0xc4: {  	_ =	sfence.sel $0xFFFF  }
0xc5: {  	[dreg:$0x0] =	wrdreg $0xFFFFFFFF;
	(pc) =	sbr.abs _section_cstart, $3  }
0xc6: {  	[dreg:$0x1] =	wrdreg $0xFFFFFFFF  }
0xc7: {  	_ =	task.clear_ibuf [dreg:s7], $0x2FFFF;
	_ =	strace $0x9FFFFFFF  }
0xc8: {  	(tm) =	ssettm $0x7FFFFFFF  }
0xc9: {  	_ =	shalt  }
tec
execute0_lowered:
.L_overlay_start_1:
0x0: {  	(tag) =	ssettag $0x1  }
0x1: {  	s1 =	srdreg.scid;
	s0 =	stileid.u32  }
0x2: {  	s5 =	rddreg [dreg:$0x1];
	s4 =	sand.u32 $0x1, s1;
	s2 =	sshll.u32 s0, $0x1  }
0x3: {  	s1 =	rddreg [dreg:$0x0];
	s3 =	sor.u32 s4, s2;
	s2 =	simm.s32 $0x0  }
0x4: {  	s24 =	simm.s32 $0x980;
	[smem:$0x7FF] =	sst s2  }
0x5: {  	s25 =	simm.s32 $0xD80;
	_ =	strace $0x8000004A;
	[dreg:$0x5] =	wrdreg s24  }
0x6: {  	s26 =	simm.s32 $0x1580;
	[dreg:$0x6] =	wrdreg s25  }
0x7: {  	s0 =	simm.s32 $0x1980;
	[dreg:$0x7] =	wrdreg s26  }
0x8: {  	s7 =	simm.s32 $0x2D80;
	[dreg:$0x8] =	wrdreg s0  }
0x9: {  	s8 =	simm.s32 $0x3180;
	[dreg:$0xb] =	wrdreg s7  }
0xa: {  	s9 =	simm.s32 $0x3980;
	[dreg:$0xc] =	wrdreg s8  }
0xb: {  	s10 =	simm.s32 $0x3D80;
	[dreg:$0xd] =	wrdreg s9  }
0xc: {  	s11 =	simm.s32 $0x4580;
	[dreg:$0xe] =	wrdreg s10  }
0xd: {  	s12 =	simm.s32 $0x4980;
	[dreg:$0xf] =	wrdreg s11  }
0xe: {  	s13 =	simm.s32 $0x5180;
	[dreg:$0x10] =	wrdreg s12  }
0xf: {  	s14 =	simm.s32 $0x5580;
	[dreg:$0x11] =	wrdreg s13  }
0x10: {  	s15 =	simm.s32 $0x5D80;
	[dreg:$0x12] =	wrdreg s14  }
0x11: {  	s16 =	simm.s32 $0x6180;
	[dreg:$0x13] =	wrdreg s15  }
0x12: {  	s17 =	simm.s32 $0x6980;
	[dreg:$0x14] =	wrdreg s16  }
0x13: {  	s18 =	simm.s32 $0x6D80;
	[dreg:$0x15] =	wrdreg s17  }
0x14: {  	s19 =	simm.s32 $0x7580;
	[dreg:$0x16] =	wrdreg s18  }
0x15: {  	s20 =	simm.s32 $0x7980;
	[dreg:$0x17] =	wrdreg s19  }
0x16: {  	s21 =	simm.s32 $0x8180;
	[dreg:$0x18] =	wrdreg s20  }
0x17: {  	s22 =	simm.s32 $0x8580;
	[dreg:$0x19] =	wrdreg s21  }
0x18: {  	[dreg:$0x1a] =	wrdreg s22;
	s24 =	simm.s32 $0x9180  }
0x19: {  	s25 =	simm.s32 $0x9980;
	[dreg:$0x1c] =	wrdreg s24  }
0x1a: {  	s26 =	simm.s32 $0x9D80;
	[dreg:$0x1d] =	wrdreg s25  }
0x1b: {  	s0 =	simm.s32 $0xA580;
	[dreg:$0x1e] =	wrdreg s26  }
0x1c: {  	s7 =	simm.s32 $0xB580;
	[dreg:$0x1f] =	wrdreg s0  }
0x1d: {  	s8 =	simm.s32 $0xBD80;
	[smem:$0x7EB] =	sst s7  }
0x1e: {  	s9 =	simm.s32 $0xC180;
	[smem:$0x7EC] =	sst s8  }
0x1f: {  	s10 =	simm.s32 $0xC980;
	[smem:$0x7ED] =	sst s9  }
0x20: {  	s11 =	simm.s32 $0xCD80;
	[smem:$0x7EE] =	sst s10  }
0x21: {  	s12 =	simm.s32 $0xD580;
	[smem:$0x7EF] =	sst s11  }
0x22: {  	s28 =	simm.s32 $0x19980;
	s13 =	simm.s32 $0xD980;
	[smem:$0x7F0] =	sst s12  }
0x23: {  	s29 =	simm.s32 $0x1A180;
	s14 =	simm.s32 $0xE180;
	[smem:$0x7F1] =	sst s13  }
0x24: {  	s30 =	simm.s32 $0x1A580;
	s15 =	simm.s32 $0xE580;
	[smem:$0x7F2] =	sst s14  }
0x25: {  	s31 =	simm.s32 $0x1AD80;
	s16 =	simm.s32 $0xED80;
	[smem:$0x7F3] =	sst s15  }
0x26: {  	s4 =	ssub.s32 $0x2, s4;
	s17 =	simm.s32 $0xF180;
	[smem:$0x7F4] =	sst s16  }
0x27: {  	s6 =	smul.u32 $0x3600, s3;
	s18 =	simm.s32 $0xF980;
	[smem:$0x7F5] =	sst s17  }
0x28: {  	s3 =	smul.u32 $0x24, s3;
	s19 =	simm.s32 $0xFD80;
	[smem:$0x7F6] =	sst s18  }
0x29: {  	s20 =	simm.s32 $0x10580;
	s21 =	simm.s32 $0x10980;
	[smem:$0x7F7] =	sst s19  }
0x2a: {  	s22 =	sshrl.u32 s4, $0x1;
	s6 =	sadd.s32 s6, s1;
	[smem:$0x7F8] =	sst s20  }
0x2b: {  	s3 =	sadd.s32 s5, s3;
	s5 =	simm.s32 $0x2180;
	[smem:$0x7F9] =	sst s21  }
0x2c: {  	s24 =	simm.s32 $0x11580;
	s25 =	simm.s32 $0x11D80;
	s26 =	simm.s32 $0x12180  }
0x2d: {  	s7 =	simm.s32 $0x180;
	s9 =	simm.s32 $0x12D80;
	s10 =	simm.s32 $0x13580  }
0x2e: {  	s11 =	simm.s32 $0x13980;
	s12 =	simm.s32 $0x14180;
	[dreg:$0x3] =	wrdreg s3  }
0x2f: {  	s13 =	simm.s32 $0x14580;
	s14 =	simm.s32 $0x14D80;
	[dreg:$0x9] =	wrdreg s5  }
0x30: {  	s15 =	simm.s32 $0x15180;
	s16 =	simm.s32 $0x15980;
	[smem:$0x7FB] =	sst s24  }
0x31: {  	s17 =	simm.s32 $0x15D80;
	s18 =	simm.s32 $0x16580;
	[smem:$0x7FC] =	sst s25  }
0x32: {  	s19 =	simm.s32 $0x16980;
	s23 =	sadd.s32 $0x33000, s6;
	[smem:$0x7FD] =	sst s26  }
0x33: {  	s20 =	simm.s32 $0x17180;
	s6 =	simm.s32 $0x2580;
	[dreg:$0x4] =	wrdreg s23  }
0x34: {  	s21 =	simm.s32 $0x17580;
	s5 =	simm.s32 $0xA980;
	[dreg:$0xa] =	wrdreg s6  }
0x35: {  	s3 =	sadd.s32 $0xF000, s1;
	s23 =	simm.s32 $0x8D80;
	[smem:$0x7E9] =	sst s5  }
0x36: {  	s24 =	simm.s32 $0x18980;
	s6 =	simm.s32 $0xB180;
	[dreg:$0x1b] =	wrdreg s23  }
0x37: {  	s25 =	simm.s32 $0x18D80;
	s26 =	simm.s32 $0x19580;
	[smem:$0x7EA] =	sst s6  }
0x38: {  	v2 =	vlaneseq.u32;
	s23 =	simm.s32 $0x11180;
	s6 =	ssub.s32 s4, s22;
	s4 =	sadd.s32 $0xF100, s1  }
0x39: {  	vm0 =	vmmov $0xffff;
	vm1 =	vmmov $0xff;
	v1 =	vshrl.u32 v2, $0x3;
	s22 =	simm.s32 $0x17D80;
	s1 =	simm.s32 $0x1;
	[smem:$0x7FA] =	sst s23  }
0x3a: {  	v0 =	vand.u32 $0x7, v2;
	v2 =	vor.u32 $0x8, v2;
	v1 =	vmul.u32 $0x8, v1;
	s5 =	smax.u32 s6, $0x1;
	s6 =	simm.s32 $0x2;
	s23 =	simm.s32 $0x18180  }
.LBB2_1:
0x3b: {  	s0 =	rddreg [dreg:$0x3]  }
0x3c: {  	[tilespmem:s2], [sflag:$0x2] =	stream.linear.gather [hbm4b:s0+s2], $0x120, $0x38;
	[tilespmem:$0x1B180] =	vst v63  }
0x3d: {  	_ =	swait.ge [sflag:s6], $0x120  }
0x3e: {  	[sflag:s6] =	ssyncset.done $0x0  }
0x3f: {  	[sflag:s6] =	ssyncadd.s32 $0xFFFFFEE0  }
0x40: {  	v3 =	vld [tilespmem:$0x0];
	_ =	sdelay $0x4  }
0x41: {  	v4 =	vshrl.u32 v3, $0x3  }
0x42: {  	v4 =	vmul.u32 $0x18, v4  }
0x43: {  	v3 =	vand.u32 $0x7, v3  }
0x44: {  	v3 =	vor.u32 v3, v4  }
0x45: {  	v4 =	vperm.xlane v3, v0;
	_ =	sdelay $0x1  }
0x46: {  	v4 =	vadd.s32 v1, v4;
	_ =	sdelay $0x1  }
0x47: {  	v3 =	vperm.xlane v3, v2;
	_ =	sdelay $0x1  }
0x48: {  	v3 =	vadd.s32 v1, v3  }
0x49: {  	[tilespmem:s7], [sflag:$0x1] =	stream.indirect_vreg.gather [hbm4b:s3+s2], $0x80, v4, vm0, $0xb8;
	[tilespmem:$0x1B180] =	vst v63  }
0x4a: {  	s0 =	rddreg [dreg:$0x5]  }
0x4b: {  	[tilespmem:s0], [sflag:$0x1] =	stream.indirect_vreg.gather [hbm4b:s4+s2], $0x80, v4, vm1, $0xb8;
	[tilespmem:$0x1B180] =	vst v63  }
0x4c: {  	s8 =	rddreg [dreg:$0x6]  }
0x4d: {  	[tilespmem:s8], [sflag:$0x1] =	stream.indirect_vreg.gather [hbm4b:s3+s2], $0x80, v3, vm0, $0xb8;
	[tilespmem:$0x1B180] =	vst v63  }
0x4e: {  	s0 =	rddreg [dreg:$0x7]  }
0x4f: {  	[tilespmem:s0], [sflag:$0x1] =	stream.indirect_vreg.gather [hbm4b:s4+s2], $0x80, v3, vm1, $0xb8;
	[tilespmem:$0x1B180] =	vst v63  }
0x50: {  	v3 =	vld [tilespmem:$0x10];
	_ =	sdelay $0x4  }
0x51: {  	v47 =	vshrl.u32 v3, $0x3  }
0x52: {  	v4 =	vmul.u32 $0x18, v47  }
0x53: {  	v3 =	vand.u32 $0x7, v3  }
0x54: {  	v3 =	vor.u32 v3, v4  }
0x55: {  	v4 =	vperm.xlane v3, v0;
	_ =	sdelay $0x1  }
0x56: {  	v4 =	vadd.s32 v1, v4;
	_ =	sdelay $0x1  }
0x57: {  	v3 =	vperm.xlane v3, v2;
	_ =	sdelay $0x1  }
0x58: {  	s0 =	rddreg [dreg:$0x8];
	v3 =	vadd.s32 v1, v3  }
0x59: {  	[tilespmem:s0], [sflag:$0x1] =	stream.indirect_vreg.gather [hbm4b:s3+s2], $0x80, v4, vm0, $0xb8;
	[tilespmem:$0x1B180] =	vst v63  }
0x5a: {  	s8 =	rddreg [dreg:$0x9]  }
0x5b: {  	[tilespmem:s8], [sflag:$0x1] =	stream.indirect_vreg.gather [hbm4b:s4+s2], $0x80, v4, vm1, $0xb8;
	[tilespmem:$0x1B180] =	vst v63  }
0x5c: {  	s0 =	rddreg [dreg:$0xa]  }
0x5d: {  	[tilespmem:s0], [sflag:$0x1] =	stream.indirect_vreg.gather [hbm4b:s3+s2], $0x80, v3, vm0, $0xb8;
	[tilespmem:$0x1B180] =	vst v63  }
0x5e: {  	s8 =	rddreg [dreg:$0xb]  }
0x5f: {  	[tilespmem:s8], [sflag:$0x1] =	stream.indirect_vreg.gather [hbm4b:s4+s2], $0x80, v3, vm1, $0xb8;
	[tilespmem:$0x1B180] =	vst v63  }
0x60: {  	v3 =	vld [tilespmem:$0x20];
	_ =	sdelay $0x4  }
0x61: {  	v48 =	vshrl.u32 v3, $0x3  }
0x62: {  	v4 =	vmul.u32 $0x18, v48  }
0x63: {  	v3 =	vand.u32 $0x7, v3  }
0x64: {  	v3 =	vor.u32 v3, v4  }
0x65: {  	v4 =	vperm.xlane v3, v0;
	_ =	sdelay $0x1  }
0x66: {  	v4 =	vadd.s32 v1, v4;
	_ =	sdelay $0x1  }
0x67: {  	v3 =	vperm.xlane v3, v2;
	_ =	sdelay $0x1  }
0x68: {  	s0 =	rddreg [dreg:$0xc];
	v3 =	vadd.s32 v1, v3  }
0x69: {  	[tilespmem:s0], [sflag:$0x1] =	stream.indirect_vreg.gather [hbm4b:s3+s2], $0x80, v4, vm0, $0xb8;
	[tilespmem:$0x1B180] =	vst v63  }
0x6a: {  	s8 =	rddreg [dreg:$0xd]  }
0x6b: {  	[tilespmem:s8], [sflag:$0x1] =	stream.indirect_vreg.gather [hbm4b:s4+s2], $0x80, v4, vm1, $0xb8;
	[tilespmem:$0x1B180] =	vst v63  }
0x6c: {  	s0 =	rddreg [dreg:$0xe]  }
0x6d: {  	[tilespmem:s0], [sflag:$0x1] =	stream.indirect_vreg.gather [hbm4b:s3+s2], $0x80, v3, vm0, $0xb8;
	[tilespmem:$0x1B180] =	vst v63  }
0x6e: {  	s8 =	rddreg [dreg:$0xf]  }
0x6f: {  	[tilespmem:s8], [sflag:$0x1] =	stream.indirect_vreg.gather [hbm4b:s4+s2], $0x80, v3, vm1, $0xb8;
	[tilespmem:$0x1B180] =	vst v63  }
0x70: {  	v3 =	vld [tilespmem:$0x30];
	_ =	sdelay $0x4  }
0x71: {  	v49 =	vshrl.u32 v3, $0x3  }
0x72: {  	v4 =	vmul.u32 $0x18, v49  }
0x73: {  	v3 =	vand.u32 $0x7, v3  }
0x74: {  	v3 =	vor.u32 v3, v4  }
0x75: {  	v4 =	vperm.xlane v3, v0;
	_ =	sdelay $0x1  }
0x76: {  	v4 =	vadd.s32 v1, v4;
	_ =	sdelay $0x1  }
0x77: {  	v3 =	vperm.xlane v3, v2;
	_ =	sdelay $0x1  }
0x78: {  	s0 =	rddreg [dreg:$0x10];
	v3 =	vadd.s32 v1, v3  }
0x79: {  	[tilespmem:s0], [sflag:$0x1] =	stream.indirect_vreg.gather [hbm4b:s3+s2], $0x80, v4, vm0, $0xb8;
	[tilespmem:$0x1B180] =	vst v63  }
0x7a: {  	s8 =	rddreg [dreg:$0x11]  }
0x7b: {  	[tilespmem:s8], [sflag:$0x1] =	stream.indirect_vreg.gather [hbm4b:s4+s2], $0x80, v4, vm1, $0xb8;
	[tilespmem:$0x1B180] =	vst v63  }
0x7c: {  	s0 =	rddreg [dreg:$0x12]  }
0x7d: {  	[tilespmem:s0], [sflag:$0x1] =	stream.indirect_vreg.gather [hbm4b:s3+s2], $0x80, v3, vm0, $0xb8;
	[tilespmem:$0x1B180] =	vst v63  }
0x7e: {  	s8 =	rddreg [dreg:$0x13]  }
0x7f: {  	[tilespmem:s8], [sflag:$0x1] =	stream.indirect_vreg.gather [hbm4b:s4+s2], $0x80, v3, vm1, $0xb8;
	[tilespmem:$0x1B180] =	vst v63  }
0x80: {  	v3 =	vld [tilespmem:$0x40];
	_ =	sdelay $0x4  }
0x81: {  	v50 =	vshrl.u32 v3, $0x3  }
0x82: {  	v4 =	vmul.u32 $0x18, v50  }
0x83: {  	v3 =	vand.u32 $0x7, v3  }
0x84: {  	v3 =	vor.u32 v3, v4  }
0x85: {  	v4 =	vperm.xlane v3, v0;
	_ =	sdelay $0x1  }
0x86: {  	v4 =	vadd.s32 v1, v4;
	_ =	sdelay $0x1  }
0x87: {  	v3 =	vperm.xlane v3, v2;
	_ =	sdelay $0x1  }
0x88: {  	s0 =	rddreg [dreg:$0x14];
	v3 =	vadd.s32 v1, v3  }
0x89: {  	[tilespmem:s0], [sflag:$0x1] =	stream.indirect_vreg.gather [hbm4b:s3+s2], $0x80, v4, vm0, $0xb8;
	[tilespmem:$0x1B180] =	vst v63  }
0x8a: {  	s8 =	rddreg [dreg:$0x15]  }
0x8b: {  	[tilespmem:s8], [sflag:$0x1] =	stream.indirect_vreg.gather [hbm4b:s4+s2], $0x80, v4, vm1, $0xb8;
	[tilespmem:$0x1B180] =	vst v63  }
0x8c: {  	s0 =	rddreg [dreg:$0x16]  }
0x8d: {  	[tilespmem:s0], [sflag:$0x1] =	stream.indirect_vreg.gather [hbm4b:s3+s2], $0x80, v3, vm0, $0xb8;
	[tilespmem:$0x1B180] =	vst v63  }
0x8e: {  	s8 =	rddreg [dreg:$0x17]  }
0x8f: {  	[tilespmem:s8], [sflag:$0x1] =	stream.indirect_vreg.gather [hbm4b:s4+s2], $0x80, v3, vm1, $0xb8;
	[tilespmem:$0x1B180] =	vst v63  }
0x90: {  	v3 =	vld [tilespmem:$0x50];
	_ =	sdelay $0x4  }
0x91: {  	v51 =	vshrl.u32 v3, $0x3  }
0x92: {  	v4 =	vmul.u32 $0x18, v51  }
0x93: {  	v3 =	vand.u32 $0x7, v3  }
0x94: {  	v3 =	vor.u32 v3, v4  }
0x95: {  	v4 =	vperm.xlane v3, v0;
	_ =	sdelay $0x1  }
0x96: {  	v4 =	vadd.s32 v1, v4;
	_ =	sdelay $0x1  }
0x97: {  	v3 =	vperm.xlane v3, v2;
	_ =	sdelay $0x1  }
0x98: {  	s0 =	rddreg [dreg:$0x18];
	v3 =	vadd.s32 v1, v3  }
0x99: {  	[tilespmem:s0], [sflag:$0x1] =	stream.indirect_vreg.gather [hbm4b:s3+s2], $0x80, v4, vm0, $0xb8;
	[tilespmem:$0x1B180] =	vst v63  }
0x9a: {  	s8 =	rddreg [dreg:$0x19]  }
0x9b: {  	[tilespmem:s8], [sflag:$0x1] =	stream.indirect_vreg.gather [hbm4b:s4+s2], $0x80, v4, vm1, $0xb8;
	[tilespmem:$0x1B180] =	vst v63  }
0x9c: {  	s0 =	rddreg [dreg:$0x1a]  }
0x9d: {  	[tilespmem:s0], [sflag:$0x1] =	stream.indirect_vreg.gather [hbm4b:s3+s2], $0x80, v3, vm0, $0xb8;
	[tilespmem:$0x1B180] =	vst v63  }
0x9e: {  	s8 =	rddreg [dreg:$0x1b]  }
0x9f: {  	[tilespmem:s8], [sflag:$0x1] =	stream.indirect_vreg.gather [hbm4b:s4+s2], $0x80, v3, vm1, $0xb8;
	[tilespmem:$0x1B180] =	vst v63  }
0xa0: {  	v3 =	vld [tilespmem:$0x60];
	_ =	sdelay $0x4  }
0xa1: {  	v52 =	vshrl.u32 v3, $0x3  }
0xa2: {  	v4 =	vmul.u32 $0x18, v52  }
0xa3: {  	v3 =	vand.u32 $0x7, v3  }
0xa4: {  	v3 =	vor.u32 v3, v4  }
0xa5: {  	v4 =	vperm.xlane v3, v0;
	_ =	sdelay $0x1  }
0xa6: {  	v4 =	vadd.s32 v1, v4;
	_ =	sdelay $0x1  }
0xa7: {  	v3 =	vperm.xlane v3, v2;
	_ =	sdelay $0x1  }
0xa8: {  	s0 =	rddreg [dreg:$0x1c];
	v3 =	vadd.s32 v1, v3  }
0xa9: {  	[tilespmem:s0], [sflag:$0x1] =	stream.indirect_vreg.gather [hbm4b:s3+s2], $0x80, v4, vm0, $0xb8;
	[tilespmem:$0x1B180] =	vst v63  }
0xaa: {  	s8 =	rddreg [dreg:$0x1d]  }
0xab: {  	[tilespmem:s8], [sflag:$0x1] =	stream.indirect_vreg.gather [hbm4b:s4+s2], $0x80, v4, vm1, $0xb8;
	[tilespmem:$0x1B180] =	vst v63  }
0xac: {  	s0 =	rddreg [dreg:$0x1e]  }
0xad: {  	[tilespmem:s0], [sflag:$0x1] =	stream.indirect_vreg.gather [hbm4b:s3+s2], $0x80, v3, vm0, $0xb8;
	[tilespmem:$0x1B180] =	vst v63  }
0xae: {  	s8 =	rddreg [dreg:$0x1f]  }
0xaf: {  	[tilespmem:s8], [sflag:$0x1] =	stream.indirect_vreg.gather [hbm4b:s4+s2], $0x80, v3, vm1, $0xb8;
	[tilespmem:$0x1B180] =	vst v63  }
0xb0: {  	v3 =	vld [tilespmem:$0x70];
	_ =	sdelay $0x4  }
0xb1: {  	v53 =	vshrl.u32 v3, $0x3  }
0xb2: {  	v4 =	vmul.u32 $0x18, v53  }
0xb3: {  	v3 =	vand.u32 $0x7, v3  }
0xb4: {  	v3 =	vor.u32 v3, v4  }
0xb5: {  	v4 =	vperm.xlane v3, v0;
	_ =	sdelay $0x1  }
0xb6: {  	v4 =	vadd.s32 v1, v4;
	_ =	sdelay $0x1  }
0xb7: {  	s0 =	sld [smem:$0x7E9];
	v3 =	vperm.xlane v3, v2;
	_ =	sdelay $0x1  }
0xb8: {  	s8 =	sld [smem:$0x7EA];
	v3 =	vadd.s32 v1, v3  }
0xb9: {  	[tilespmem:s0], [sflag:$0x1] =	stream.indirect_vreg.gather [hbm4b:s3+s2], $0x80, v4, vm0, $0xb8;
	[tilespmem:$0x1B180] =	vst v63  }
0xba: {  	s0 =	sld [smem:$0x7EB]  }
0xbb: {  	[tilespmem:s8], [sflag:$0x1] =	stream.indirect_vreg.gather [hbm4b:s4+s2], $0x80, v4, vm1, $0xb8;
	[tilespmem:$0x1B180] =	vst v63  }
0xbc: {  	s8 =	sld [smem:$0x7EC]  }
0xbd: {  	[tilespmem:s0], [sflag:$0x1] =	stream.indirect_vreg.gather [hbm4b:s3+s2], $0x80, v3, vm0, $0xb8;
	[tilespmem:$0x1B180] =	vst v63  }
0xbe: {  	_ = 	snop  }
0xbf: {  	[tilespmem:s8], [sflag:$0x1] =	stream.indirect_vreg.gather [hbm4b:s4+s2], $0x80, v3, vm1, $0xb8;
	[tilespmem:$0x1B180] =	vst v63  }
0xc0: {  	v3 =	vld [tilespmem:$0x80];
	_ =	sdelay $0x4  }
0xc1: {  	v54 =	vshrl.u32 v3, $0x3  }
0xc2: {  	v4 =	vmul.u32 $0x18, v54  }
0xc3: {  	v3 =	vand.u32 $0x7, v3  }
0xc4: {  	v3 =	vor.u32 v3, v4  }
0xc5: {  	v4 =	vperm.xlane v3, v0;
	_ =	sdelay $0x1  }
0xc6: {  	v4 =	vadd.s32 v1, v4;
	_ =	sdelay $0x1  }
0xc7: {  	s0 =	sld [smem:$0x7ED];
	v3 =	vperm.xlane v3, v2;
	_ =	sdelay $0x1  }
0xc8: {  	s8 =	sld [smem:$0x7EE];
	v3 =	vadd.s32 v1, v3  }
0xc9: {  	[tilespmem:s0], [sflag:$0x1] =	stream.indirect_vreg.gather [hbm4b:s3+s2], $0x80, v4, vm0, $0xb8;
	[tilespmem:$0x1B180] =	vst v63  }
0xca: {  	s0 =	sld [smem:$0x7EF]  }
0xcb: {  	[tilespmem:s8], [sflag:$0x1] =	stream.indirect_vreg.gather [hbm4b:s4+s2], $0x80, v4, vm1, $0xb8;
	[tilespmem:$0x1B180] =	vst v63  }
0xcc: {  	s8 =	sld [smem:$0x7F0]  }
0xcd: {  	[tilespmem:s0], [sflag:$0x1] =	stream.indirect_vreg.gather [hbm4b:s3+s2], $0x80, v3, vm0, $0xb8;
	[tilespmem:$0x1B180] =	vst v63  }
0xce: {  	_ = 	snop  }
0xcf: {  	[tilespmem:s8], [sflag:$0x1] =	stream.indirect_vreg.gather [hbm4b:s4+s2], $0x80, v3, vm1, $0xb8;
	[tilespmem:$0x1B180] =	vst v63  }
0xd0: {  	v3 =	vld [tilespmem:$0x90];
	_ =	sdelay $0x4  }
0xd1: {  	v55 =	vshrl.u32 v3, $0x3  }
0xd2: {  	v4 =	vmul.u32 $0x18, v55  }
0xd3: {  	v3 =	vand.u32 $0x7, v3  }
0xd4: {  	v3 =	vor.u32 v3, v4  }
0xd5: {  	v4 =	vperm.xlane v3, v0;
	_ =	sdelay $0x1  }
0xd6: {  	v4 =	vadd.s32 v1, v4;
	_ =	sdelay $0x1  }
0xd7: {  	s0 =	sld [smem:$0x7F1];
	v3 =	vperm.xlane v3, v2;
	_ =	sdelay $0x1  }
0xd8: {  	s8 =	sld [smem:$0x7F2];
	v3 =	vadd.s32 v1, v3  }
0xd9: {  	[tilespmem:s0], [sflag:$0x1] =	stream.indirect_vreg.gather [hbm4b:s3+s2], $0x80, v4, vm0, $0xb8;
	[tilespmem:$0x1B180] =	vst v63  }
0xda: {  	s0 =	sld [smem:$0x7F3]  }
0xdb: {  	[tilespmem:s8], [sflag:$0x1] =	stream.indirect_vreg.gather [hbm4b:s4+s2], $0x80, v4, vm1, $0xb8;
	[tilespmem:$0x1B180] =	vst v63  }
0xdc: {  	s8 =	sld [smem:$0x7F4]  }
0xdd: {  	[tilespmem:s0], [sflag:$0x1] =	stream.indirect_vreg.gather [hbm4b:s3+s2], $0x80, v3, vm0, $0xb8;
	[tilespmem:$0x1B180] =	vst v63  }
0xde: {  	_ = 	snop  }
0xdf: {  	[tilespmem:s8], [sflag:$0x1] =	stream.indirect_vreg.gather [hbm4b:s4+s2], $0x80, v3, vm1, $0xb8;
	[tilespmem:$0x1B180] =	vst v63  }
0xe0: {  	v3 =	vld [tilespmem:$0xA0];
	_ =	sdelay $0x4  }
0xe1: {  	v56 =	vshrl.u32 v3, $0x3  }
0xe2: {  	v4 =	vmul.u32 $0x18, v56  }
0xe3: {  	v3 =	vand.u32 $0x7, v3  }
0xe4: {  	v3 =	vor.u32 v3, v4  }
0xe5: {  	v4 =	vperm.xlane v3, v0;
	_ =	sdelay $0x1  }
0xe6: {  	v4 =	vadd.s32 v1, v4;
	_ =	sdelay $0x1  }
0xe7: {  	s0 =	sld [smem:$0x7F5];
	v3 =	vperm.xlane v3, v2;
	_ =	sdelay $0x1  }
0xe8: {  	s8 =	sld [smem:$0x7F6];
	v3 =	vadd.s32 v1, v3  }
0xe9: {  	[tilespmem:s0], [sflag:$0x1] =	stream.indirect_vreg.gather [hbm4b:s3+s2], $0x80, v4, vm0, $0xb8;
	[tilespmem:$0x1B180] =	vst v63  }
0xea: {  	s0 =	sld [smem:$0x7F7]  }
0xeb: {  	[tilespmem:s8], [sflag:$0x1] =	stream.indirect_vreg.gather [hbm4b:s4+s2], $0x80, v4, vm1, $0xb8;
	[tilespmem:$0x1B180] =	vst v63  }
0xec: {  	s8 =	sld [smem:$0x7F8]  }
0xed: {  	[tilespmem:s0], [sflag:$0x1] =	stream.indirect_vreg.gather [hbm4b:s3+s2], $0x80, v3, vm0, $0xb8;
	[tilespmem:$0x1B180] =	vst v63  }
0xee: {  	_ = 	snop  }
0xef: {  	[tilespmem:s8], [sflag:$0x1] =	stream.indirect_vreg.gather [hbm4b:s4+s2], $0x80, v3, vm1, $0xb8;
	[tilespmem:$0x1B180] =	vst v63  }
0xf0: {  	v3 =	vld [tilespmem:$0xB0];
	_ =	sdelay $0x4  }
0xf1: {  	v57 =	vshrl.u32 v3, $0x3  }
0xf2: {  	v4 =	vmul.u32 $0x18, v57  }
0xf3: {  	v3 =	vand.u32 $0x7, v3  }
0xf4: {  	v3 =	vor.u32 v3, v4  }
0xf5: {  	v4 =	vperm.xlane v3, v0;
	_ =	sdelay $0x1  }
0xf6: {  	v4 =	vadd.s32 v1, v4;
	_ =	sdelay $0x1  }
0xf7: {  	s0 =	sld [smem:$0x7F9];
	v3 =	vperm.xlane v3, v2;
	_ =	sdelay $0x1  }
0xf8: {  	s8 =	sld [smem:$0x7FA];
	v3 =	vadd.s32 v1, v3  }
0xf9: {  	[tilespmem:s0], [sflag:$0x1] =	stream.indirect_vreg.gather [hbm4b:s3+s2], $0x80, v4, vm0, $0xb8;
	[tilespmem:$0x1B180] =	vst v63  }
0xfa: {  	s0 =	sld [smem:$0x7FB]  }
0xfb: {  	[tilespmem:s8], [sflag:$0x1] =	stream.indirect_vreg.gather [hbm4b:s4+s2], $0x80, v4, vm1, $0xb8;
	[tilespmem:$0x1B180] =	vst v63  }
0xfc: {  	s8 =	sld [smem:$0x7FC]  }
0xfd: {  	[tilespmem:s0], [sflag:$0x1] =	stream.indirect_vreg.gather [hbm4b:s3+s2], $0x80, v3, vm0, $0xb8;
	[tilespmem:$0x1B180] =	vst v63  }
0xfe: {  	_ = 	snop  }
0xff: {  	[tilespmem:s8], [sflag:$0x1] =	stream.indirect_vreg.gather [hbm4b:s4+s2], $0x80, v3, vm1, $0xb8;
	[tilespmem:$0x1B180] =	vst v63  }
0x100: {  	v3 =	vld [tilespmem:$0xC0];
	_ =	sdelay $0x4  }
0x101: {  	v58 =	vshrl.u32 v3, $0x3  }
0x102: {  	v4 =	vmul.u32 $0x18, v58  }
0x103: {  	v3 =	vand.u32 $0x7, v3  }
0x104: {  	v3 =	vor.u32 v3, v4  }
0x105: {  	v4 =	vperm.xlane v3, v0;
	_ =	sdelay $0x1  }
0x106: {  	v4 =	vadd.s32 v1, v4;
	_ =	sdelay $0x1  }
0x107: {  	s8 =	sld [smem:$0x7FD];
	v3 =	vperm.xlane v3, v2;
	_ =	sdelay $0x1  }
0x108: {  	v3 =	vadd.s32 v1, v3  }
0x109: {  	[tilespmem:s8], [sflag:$0x1] =	stream.indirect_vreg.gather [hbm4b:s3+s2], $0x80, v4, vm0, $0xb8;
	[tilespmem:$0x1B180] =	vst v63  }
0x10a: {  	s8 =	simm.s32 $0x12980  }
0x10b: {  	[tilespmem:s8], [sflag:$0x1] =	stream.indirect_vreg.gather [hbm4b:s4+s2], $0x80, v4, vm1, $0xb8;
	[tilespmem:$0x1B180] =	vst v63  }
0x10c: {  	_ = 	snop  }
0x10d: {  	[tilespmem:s9], [sflag:$0x1] =	stream.indirect_vreg.gather [hbm4b:s3+s2], $0x80, v3, vm0, $0xb8;
	[tilespmem:$0x1B180] =	vst v63  }
0x10e: {  	_ = 	snop  }
0x10f: {  	[tilespmem:s10], [sflag:$0x1] =	stream.indirect_vreg.gather [hbm4b:s4+s2], $0x80, v3, vm1, $0xb8;
	[tilespmem:$0x1B180] =	vst v63  }
0x110: {  	v3 =	vld [tilespmem:$0xD0];
	_ =	sdelay $0x4  }
0x111: {  	v59 =	vshrl.u32 v3, $0x3  }
0x112: {  	v4 =	vmul.u32 $0x18, v59  }
0x113: {  	v3 =	vand.u32 $0x7, v3  }
0x114: {  	v3 =	vor.u32 v3, v4  }
0x115: {  	v4 =	vperm.xlane v3, v0;
	_ =	sdelay $0x1  }
0x116: {  	v4 =	vadd.s32 v1, v4;
	_ =	sdelay $0x1  }
0x117: {  	v3 =	vperm.xlane v3, v2;
	_ =	sdelay $0x1  }
0x118: {  	v3 =	vadd.s32 v1, v3  }
0x119: {  	[tilespmem:s11], [sflag:$0x1] =	stream.indirect_vreg.gather [hbm4b:s3+s2], $0x80, v4, vm0, $0xb8;
	[tilespmem:$0x1B180] =	vst v63  }
0x11a: {  	_ = 	snop  }
0x11b: {  	[tilespmem:s12], [sflag:$0x1] =	stream.indirect_vreg.gather [hbm4b:s4+s2], $0x80, v4, vm1, $0xb8;
	[tilespmem:$0x1B180] =	vst v63  }
0x11c: {  	_ = 	snop  }
0x11d: {  	[tilespmem:s13], [sflag:$0x1] =	stream.indirect_vreg.gather [hbm4b:s3+s2], $0x80, v3, vm0, $0xb8;
	[tilespmem:$0x1B180] =	vst v63  }
0x11e: {  	_ = 	snop  }
0x11f: {  	[tilespmem:s14], [sflag:$0x1] =	stream.indirect_vreg.gather [hbm4b:s4+s2], $0x80, v3, vm1, $0xb8;
	[tilespmem:$0x1B180] =	vst v63  }
0x120: {  	v3 =	vld [tilespmem:$0xE0];
	_ =	sdelay $0x4  }
0x121: {  	v60 =	vshrl.u32 v3, $0x3  }
0x122: {  	v4 =	vmul.u32 $0x18, v60  }
0x123: {  	v3 =	vand.u32 $0x7, v3  }
0x124: {  	v3 =	vor.u32 v3, v4  }
0x125: {  	v4 =	vperm.xlane v3, v0;
	_ =	sdelay $0x1  }
0x126: {  	v4 =	vadd.s32 v1, v4;
	_ =	sdelay $0x1  }
0x127: {  	v3 =	vperm.xlane v3, v2;
	_ =	sdelay $0x1  }
0x128: {  	v3 =	vadd.s32 v1, v3  }
0x129: {  	[tilespmem:s15], [sflag:$0x1] =	stream.indirect_vreg.gather [hbm4b:s3+s2], $0x80, v4, vm0, $0xb8;
	[tilespmem:$0x1B180] =	vst v63  }
0x12a: {  	_ = 	snop  }
0x12b: {  	[tilespmem:s16], [sflag:$0x1] =	stream.indirect_vreg.gather [hbm4b:s4+s2], $0x80, v4, vm1, $0xb8;
	[tilespmem:$0x1B180] =	vst v63  }
0x12c: {  	_ = 	snop  }
0x12d: {  	[tilespmem:s17], [sflag:$0x1] =	stream.indirect_vreg.gather [hbm4b:s3+s2], $0x80, v3, vm0, $0xb8;
	[tilespmem:$0x1B180] =	vst v63  }
0x12e: {  	_ = 	snop  }
0x12f: {  	[tilespmem:s18], [sflag:$0x1] =	stream.indirect_vreg.gather [hbm4b:s4+s2], $0x80, v3, vm1, $0xb8;
	[tilespmem:$0x1B180] =	vst v63  }
0x130: {  	v3 =	vld [tilespmem:$0xF0];
	_ =	sdelay $0x4  }
0x131: {  	v61 =	vshrl.u32 v3, $0x3  }
0x132: {  	v4 =	vmul.u32 $0x18, v61  }
0x133: {  	v3 =	vand.u32 $0x7, v3  }
0x134: {  	v3 =	vor.u32 v3, v4  }
0x135: {  	v4 =	vperm.xlane v3, v0;
	_ =	sdelay $0x1  }
0x136: {  	v4 =	vadd.s32 v1, v4;
	_ =	sdelay $0x1  }
0x137: {  	v3 =	vperm.xlane v3, v2;
	_ =	sdelay $0x1  }
0x138: {  	v3 =	vadd.s32 v1, v3  }
0x139: {  	[tilespmem:s19], [sflag:$0x1] =	stream.indirect_vreg.gather [hbm4b:s3+s2], $0x80, v4, vm0, $0xb8;
	[tilespmem:$0x1B180] =	vst v63  }
0x13a: {  	_ = 	snop  }
0x13b: {  	[tilespmem:s20], [sflag:$0x1] =	stream.indirect_vreg.gather [hbm4b:s4+s2], $0x80, v4, vm1, $0xb8;
	[tilespmem:$0x1B180] =	vst v63  }
0x13c: {  	_ = 	snop  }
0x13d: {  	[tilespmem:s21], [sflag:$0x1] =	stream.indirect_vreg.gather [hbm4b:s3+s2], $0x80, v3, vm0, $0xb8;
	[tilespmem:$0x1B180] =	vst v63  }
0x13e: {  	_ = 	snop  }
0x13f: {  	[tilespmem:s22], [sflag:$0x1] =	stream.indirect_vreg.gather [hbm4b:s4+s2], $0x80, v3, vm1, $0xb8;
	[tilespmem:$0x1B180] =	vst v63  }
0x140: {  	v3 =	vld [tilespmem:$0x100];
	_ =	sdelay $0x4  }
0x141: {  	v62 =	vshrl.u32 v3, $0x3  }
0x142: {  	v4 =	vmul.u32 $0x18, v62  }
0x143: {  	v3 =	vand.u32 $0x7, v3  }
0x144: {  	v3 =	vor.u32 v3, v4  }
0x145: {  	v4 =	vperm.xlane v3, v0;
	_ =	sdelay $0x1  }
0x146: {  	v4 =	vadd.s32 v1, v4;
	_ =	sdelay $0x1  }
0x147: {  	v3 =	vperm.xlane v3, v2;
	_ =	sdelay $0x1  }
0x148: {  	v3 =	vadd.s32 v1, v3  }
0x149: {  	[tilespmem:s23], [sflag:$0x1] =	stream.indirect_vreg.gather [hbm4b:s3+s2], $0x80, v4, vm0, $0xb8;
	[tilespmem:$0x1B180] =	vst v63  }
0x14a: {  	_ = 	snop  }
0x14b: {  	[tilespmem:s24], [sflag:$0x1] =	stream.indirect_vreg.gather [hbm4b:s4+s2], $0x80, v4, vm1, $0xb8;
	[tilespmem:$0x1B180] =	vst v63  }
0x14c: {  	_ = 	snop  }
0x14d: {  	[tilespmem:s25], [sflag:$0x1] =	stream.indirect_vreg.gather [hbm4b:s3+s2], $0x80, v3, vm0, $0xb8;
	[tilespmem:$0x1B180] =	vst v63  }
0x14e: {  	_ = 	snop  }
0x14f: {  	[tilespmem:s26], [sflag:$0x1] =	stream.indirect_vreg.gather [hbm4b:s4+s2], $0x80, v3, vm1, $0xb8;
	[tilespmem:$0x1B180] =	vst v63  }
0x150: {  	v3 =	vld [tilespmem:$0x110];
	_ =	sdelay $0x4  }
0x151: {  	v63 =	vshrl.u32 v3, $0x3  }
0x152: {  	v4 =	vmul.u32 $0x18, v63  }
0x153: {  	v3 =	vand.u32 $0x7, v3  }
0x154: {  	v3 =	vor.u32 v3, v4  }
0x155: {  	v4 =	vperm.xlane v3, v0;
	_ =	sdelay $0x1  }
0x156: {  	v4 =	vadd.s32 v1, v4;
	_ =	sdelay $0x1  }
0x157: {  	v3 =	vperm.xlane v3, v2;
	_ =	sdelay $0x1  }
0x158: {  	v3 =	vadd.s32 v1, v3  }
0x159: {  	[tilespmem:s28], [sflag:$0x1] =	stream.indirect_vreg.gather [hbm4b:s3+s2], $0x80, v4, vm0, $0xb8;
	[tilespmem:$0x1B180] =	vst v63  }
0x15a: {  	_ = 	snop  }
0x15b: {  	[tilespmem:s29], [sflag:$0x1] =	stream.indirect_vreg.gather [hbm4b:s4+s2], $0x80, v4, vm1, $0xb8;
	[tilespmem:$0x1B180] =	vst v63  }
0x15c: {  	_ = 	snop  }
0x15d: {  	[tilespmem:s30], [sflag:$0x1] =	stream.indirect_vreg.gather [hbm4b:s3+s2], $0x80, v3, vm0, $0xb8;
	[tilespmem:$0x1B180] =	vst v63  }
0x15e: {  	_ = 	snop  }
0x15f: {  	[tilespmem:s31], [sflag:$0x1] =	stream.indirect_vreg.gather [hbm4b:s4+s2], $0x80, v3, vm1, $0xb8;
	[tilespmem:$0x1B180] =	vst v63  }
0x160: {  	_ =	swait.ge [sflag:s1], $0x9000  }
0x161: {  	[sflag:s1] =	ssyncset.done $0x0  }
0x162: {  	[sflag:s1] =	ssyncadd.s32 $0xFFFF7000  }
0x163: {  	_ =	swait.ge [sflag:s1], $0x9000  }
0x164: {  	[sflag:s1] =	ssyncset.done $0x0  }
0x165: {  	[sflag:s1] =	ssyncadd.s32 $0xFFFF7000  }
0x166: {  	_ =	swait.ge [sflag:s1], $0x9000  }
0x167: {  	p0 =	sne.s32 s5, $0x1;
	[sflag:s1] =	ssyncset.done $0x0  }
.Ltmp0:
0x168: {  	s8 =	rddreg [dreg:$0x4];
	[sflag:s1] =	ssyncadd.s32 $0xFFFF7000;
	(pc) =	sbr.rel @p0 .LBB2_1-.Ltmp0, $4  }
0x169: {  	[hbm4b:s8+s2] =	stream.linear.scatter [tilespmem:s7], [sflag:$0x2], $0x1B000, $0x38;
	[tilespmem:$0x1B180] =	vst v63  }
0x16a: {  	_ =	swait.ge [sflag:s6], $0x1B000  }
0x16b: {  	[sflag:s6] =	ssyncset.done $0x0  }
0x16c: {  	s5 =	sadd.s32 $0xFFFFFFFF, s5;
	[sflag:s6] =	ssyncadd.s32 $0xFFFE5000  }
0x16d: {  	_ =	sfence.sel $0x180000  }
0x16e: {  	[bflag:$0x0] =	sbarrier.arrive $0xFFFF  }
0x16f: {  	_ =	strace $0x9000004A  }
0x170: {  	s0 =	stileid.u32;
	[bflag:$0x2] =	sbarrier.arrive $0xFFFF  }
0x171: {  	p0 =	sne.s32 s0, $0x0;
	s0 =	rddreg [dreg:$0x2]  }
0x172: {  	s0 =	sadd.s32 @!p0 $0x100000, s0  }
0x173: {  	[sflag:s0] =	ssyncadd.tile.s32 @!p0 $0x1;
	_ =	shalt  }
.Lfunc_end2:
_tile_overlayer_lowered:
.L_overlay_start_2:
0x174: {  	(tag) =	ssettag $0x2  }
0x175: {  	s0 =	rddreg [dreg:$0x0];
	s2 =	stileid.u32  }
0x176: {  	s1 =	rddreg [dreg:$0x1];
	p0 =	sne.s32 s2, $0x0  }
0x177: {  	s3 =	rddreg [dreg:$0x2];
	[bflag:$0x3] =	sbarrier.arrive $0xFFFF;
	s2 =	simm.s32 @!p0 $0x1C02  }
0x178: {  	[timem:s3], [sflag:s2] =	dma.local @!p0 [hbm:s0], s1  }
0x179: {  	s0 =	simm.s32 @!p0 $0x2  }
0x17a: {  	_ =	swait.ge @!p0 [sflag:s0], s1  }
0x17b: {  	s1 =	ssub.s32 @!p0 $0x0, s1;
	[sflag:s0] =	ssyncset.done @!p0 $0x0  }
0x17c: {  	[sflag:s0] =	ssyncadd.s32 @!p0 s1  }
0x17d: {  	[bflag:$0x3] =	sbarrier.arrive $0xFFFF  }
0x17e: {  	_ =	shalt  }

// kernel: kernel.17.cloned.1.call-start
scs
__scs_entry_jumppad:
0x0: {  	(pc) =	sbr.rel $0x88, $3  }
0x1: {  	(tag) =	ssettag $0x0;
	lr =	simm.s32 $0x1  }
0x2: {  	[smem:$0x3F9F] =	sst lr;
	_ =	strace $0xD0000000  }
0x3: {  	_ = 	snop  }
0x4: {  	_ = 	snop  }
0x5: {  	_ = 	snop  }
0x6: {  	_ = 	snop  }
0x7: {  	_ = 	snop  }
__scs_overlays_trampoline_lowered:
0x8: {  	[smem:$0x3FAE] =	sst s0  }
0x9: {  	[smem:$0x3FAF] =	sst s1  }
0xa: {  	[smem:$0x3FB0] =	sst s2  }
0xb: {  	[smem:$0x3FB1] =	sst s3  }
0xc: {  	[smem:$0x3FB2] =	sst s4  }
0xd: {  	[smem:$0x3FB3] =	sst s5  }
0xe: {  	[smem:$0x3FB4] =	sst s6  }
0xf: {  	[smem:$0x3FB5] =	sst s7  }
0x10: {  	[smem:$0x3FB6] =	sst s8  }
0x11: {  	[smem:$0x3FB7] =	sst s9;
	s0 =	simm.s32 @!p0 $0x0  }
0x12: {  	s1 =	sld [smem:$0x3F9D];
	s0 =	simm.s32 @p0 $0x1  }
0x13: {  	[smem:$0x3FB8] =	sst s0;
	s0 =	simm.s32 @!p1 $0x0  }
0x14: {  	s2 =	sld [smem:$0x3F9C];
	s0 =	simm.s32 @p1 $0x1  }
0x15: {  	[smem:$0x3FB9] =	sst s0;
	s0 =	simm.s32 @!p2 $0x0  }
0x16: {  	s3 =	sld [smem:$0x3FDB];
	s0 =	simm.s32 @p2 $0x1  }
0x17: {  	s4 =	simm.s32 $0x1BF5;
	[smem:$0x3FBB] =	sst s0  }
0x18: {  	s0 =	sld [smem:$0x3F9E];
	_ =	swait.ge [sflag:s4], $0x0  }
0x19: {  	s7 =	sld [smem:$0x3F9F]  }
0x1a: {  	s8 =	sadd.s32 $0xFFFFE003, lr  }
0x1b: {  	s9 =	sadd.s32 $0xFFFFFEF7, lr;
	s5 =	simm.s32 $0xFFFFFFFF;
	p2 =	slt.u32 s8, $0xFFFFF086  }
0x1c: {  	p1 =	slt.u32 s9, $0xF7A;
	s5 =	simm.s32 @!p2 $0x0  }
0x1d: {  	s5 =	simm.s32 @p1 $0x1;
	p0 =	seq.s32 s7, s2  }
0x1e: {  	s7 =	smul.u32 @!p0 $0xF7A, s2;
	p2 =	seq.s32 @!p0 s5, $0x0  }
0x1f: {  	s9 =	smul.u32 $0xF7A, s1;
	s8 =	simm.s32 @!p0 $0x1BF5;
	p2 =	por !p2, p0  }
0x20: {  	[sflag:s8] =	ssyncset.s32 @!p0 $0xFFFFF086;
	s6 =	sadd.s32 @!p0 s3, s7;
	s7 =	simm.s32 @!p0 $0x108  }
0x21: {  	s3 =	sadd.s32 s3, s9;
	s6 =	sadd.s32 @!p0 $0x88, s6;
	s7 =	simm.s32 @p2 $0x1082  }
0x22: {  	[simem:s7], [sflag:s8] =	dma.local @!p0 [hbm:s6], $0xF7A  }
0x23: {  	s9 =	sor.u32 $0xD0000000, s2;
	s6 =	simm.s32 $0x108;
	_ =	swait.ge @!p0 [sflag:s8], $0x0  }
0x24: {  	s3 =	sadd.s32 $0x88, s3;
	s6 =	simm.s32 @!p1 $0x1082;
	[sflag:s4] =	ssyncset.s32 $0xFFFFF086  }
0x25: {  	[simem:s6], [sflag:s4] =	dma.local [hbm:s3], $0xF7A  }
0x26: {  	[smem:$0x3F9F] =	sst s1;
	(tag) =	ssettag s2;
	_ =	strace s9  }
0x27: {  	s1 =	sld [smem:$0x3FAF]  }
0x28: {  	s2 =	sld [smem:$0x3FB0]  }
0x29: {  	s4 =	sld [smem:$0x3FB2]  }
0x2a: {  	p0 =	seq.s32 s5, $0x0;
	s5 =	sld [smem:$0x3FB3]  }
0x2b: {  	s6 =	sld [smem:$0x3FB4]  }
0x2c: {  	s7 =	sld [smem:$0x3FB5]  }
0x2d: {  	s3 =	simm.s32 $0x108;
	s8 =	sld [smem:$0x3FB6]  }
0x2e: {  	s3 =	simm.s32 @!p0 $0x1082;
	s9 =	sld [smem:$0x3FB7]  }
0x2f: {  	lr =	sadd.s32 s0, s3;
	s0 =	sld [smem:$0x3FAE]  }
0x30: {  	s3 =	sld [smem:$0x3FB1]  }
0x31: {  	[smem:$0x3FBA] =	sst s10  }
0x32: {  	s10 =	sld [smem:$0x3FB8];
	_ =	sdelay $0x3  }
0x33: {  	p0 =	seq.s32 s10, $0x1;
	s10 =	sld [smem:$0x3FBA];
	_ =	sdelay $0x3  }
0x34: {  	[smem:$0x3FBA] =	sst s10  }
0x35: {  	s10 =	sld [smem:$0x3FB9];
	_ =	sdelay $0x3  }
0x36: {  	p1 =	seq.s32 s10, $0x1;
	s10 =	sld [smem:$0x3FBA];
	_ =	sdelay $0x3  }
0x37: {  	[smem:$0x3FBA] =	sst s10  }
0x38: {  	s10 =	sld [smem:$0x3FBB]  }
0x39: {  	_ = 	snop;
	(pc) =	sbr.ind lr, $3  }
0x3a: {  	_ = 	snop  }
0x3b: {  	_ = 	snop  }
0x3c: {  	p2 =	seq.s32 s10, $0x1;
	s10 =	sld [smem:$0x3FBA]  }
0x3d: {  	_ =	shalt  }
0x3e: {  	_ =	shalt  }
0x3f: {  	_ =	shalt  }
0x40: {  	_ =	shalt  }
0x41: {  	_ =	shalt  }
0x42: {  	_ =	shalt  }
0x43: {  	_ =	shalt  }
0x44: {  	_ =	shalt  }
0x45: {  	_ =	shalt  }
0x46: {  	_ =	shalt  }
0x47: {  	_ =	shalt  }
0x48: {  	_ =	shalt  }
0x49: {  	_ =	shalt  }
0x4a: {  	_ =	shalt  }
0x4b: {  	_ =	shalt  }
0x4c: {  	_ =	shalt  }
0x4d: {  	_ =	shalt  }
0x4e: {  	_ =	shalt  }
0x4f: {  	_ =	shalt  }
0x50: {  	_ =	shalt  }
0x51: {  	_ =	shalt  }
0x52: {  	_ =	shalt  }
0x53: {  	_ =	shalt  }
0x54: {  	_ =	shalt  }
0x55: {  	_ =	shalt  }
0x56: {  	_ =	shalt  }
0x57: {  	_ =	shalt  }
0x58: {  	_ =	shalt  }
0x59: {  	_ =	shalt  }
0x5a: {  	_ =	shalt  }
0x5b: {  	_ =	shalt  }
0x5c: {  	_ =	shalt  }
0x5d: {  	_ =	shalt  }
0x5e: {  	_ =	shalt  }
0x5f: {  	_ =	shalt  }
0x60: {  	_ =	shalt  }
0x61: {  	_ =	shalt  }
0x62: {  	_ =	shalt  }
0x63: {  	_ =	shalt  }
0x64: {  	_ =	shalt  }
0x65: {  	_ =	shalt  }
0x66: {  	_ =	shalt  }
0x67: {  	_ =	shalt  }
0x68: {  	_ =	shalt  }
0x69: {  	_ =	shalt  }
0x6a: {  	_ =	shalt  }
0x6b: {  	_ =	shalt  }
0x6c: {  	_ =	shalt  }
0x6d: {  	_ =	shalt  }
0x6e: {  	_ =	shalt  }
0x6f: {  	_ =	shalt  }
0x70: {  	_ =	shalt  }
0x71: {  	_ =	shalt  }
0x72: {  	_ =	shalt  }
0x73: {  	_ =	shalt  }
0x74: {  	_ =	shalt  }
0x75: {  	_ =	shalt  }
0x76: {  	_ =	shalt  }
0x77: {  	_ =	shalt  }
0x78: {  	_ =	shalt  }
0x79: {  	_ =	shalt  }
0x7a: {  	_ =	shalt  }
0x7b: {  	_ =	shalt  }
0x7c: {  	_ =	shalt  }
0x7d: {  	_ =	shalt  }
0x7e: {  	_ =	shalt  }
0x7f: {  	_ =	shalt  }
0x80: {  	_ =	shalt  }
0x81: {  	_ =	shalt  }
0x82: {  	_ =	shalt  }
0x83: {  	_ =	shalt  }
0x84: {  	_ =	shalt  }
0x85: {  	_ =	shalt  }
0x86: {  	_ =	shalt  }
0x87: {  	_ =	shalt  }
.Lfunc_end0:
.L_simem_size_0:
called_computation.2_lowered:
.L_overlay_start_0:
0x88: {  	s2 =	sld [smem:$0x3FD9]  }
0x89: {  	s3 =	sld [smem:$0x3FFE];
	_ =	sdelay $0x1  }
0x8a: {  	s1 =	srdreg.scid  }
0x8b: {  	s0 =	sand.u32 $0x1, s1  }
0x8c: {  	s14 =	sshll.u32 s0, $0xA;
	s2 =	sadd.s32 s3, s2  }
0x8d: {  	s2 =	sadd.s32 s2, s14  }
0x8e: {  	[smem:$0x3FC6] =	sst s2  }
0x8f: {  	_ = 	snop  }
0x90: {  	s2 =	sld [smem:$0x3FD0];
	_ =	sdelay $0x2  }
0x91: {  	s15 =	simm.s32 $0xA;
	s4 =	simm.s32 $0x10  }
0x92: {  	[smem:s4], [sflag:s15] =	dma.local [hbm:s2], $0x1  }
0x93: {  	_ =	swait.eq [sflag:s15], $0x1  }
0x94: {  	[sflag:s15] =	ssyncset.done $0x0  }
0x95: {  	[sflag:s15] =	ssyncadd.s32 $0xFFFFFFFF  }
0x96: {  	s16 =	sld [smem:$0x11];
	(tm) =	ssettm $0x1  }
0x97: {  	s17 =	sld [smem:$0x3FFB];
	_ =	sdelay $0x3  }
0x98: {  	_ =	strace s17  }
0x99: {  	s3 =	sld [smem:$0x3FFC];
	_ =	sdelay $0x3  }
0x9a: {  	_ =	strace s3  }
0x9b: {  	s3 =	sld [smem:$0x3FFD];
	_ =	sdelay $0x3  }
0x9c: {  	_ =	strace s3  }
0x9d: {  	_ =	strace $0x8FFFFFFF  }
0x9e: {  	s18 =	sld [smem:$0x3FDB];
	_ =	sdelay $0x1  }
0x9f: {  	s19 =	simm.s32 $_scs_section_size  }
0xa0: {  	s5 =	simm.s32 $_size__tile_overlayer_lowered;
	s6 =	simm.s32 $_tile_overlayer_lowered  }
0xa1: {  	s22 =	simm.s32 $0x1BFF;
	s21 =	sshll.u32 s6, $0x1;
	s3 =	sadd.s32 s19, s18  }
0xa2: {  	s7 =	simm.s32 $0x0;
	s20 =	sshll.u32 s5, $0x1;
	s5 =	sadd.s32 s21, s3  }
0xa3: {  	[timem:s7], [sflag:s22] =	dma.local [hbm:s5], s20  }
0xa4: {  	_ =	swait.ge [sflag:s22], s20  }
0xa5: {  	s4 =	ssub.s32 $0x0, s20;
	[sflag:s22] =	ssyncset.done $0x0  }
0xa6: {  	[sflag:s22] =	ssyncadd.s32 s4;
	_ =	sdelay $0x1  }
0xa7: {  	s23 =	simm.s32 $0x1B8B  }
0xa8: {  	_ =	swait.ge [sflag:s23], $0x1  }
0xa9: {  	[sflag:s23] =	ssyncset.done $0x0  }
0xaa: {  	s25 =	simm.s32 $0x1B8E;
	s24 =	sld [smem:$0x3FFE];
	[sflag:s23] =	ssyncadd.s32 $0xFFFFFFFF  }
0xab: {  	s26 =	simm.s32 $execute0_lowered;
	[smem:$0x3FD2] =	sst s25  }
0xac: {  	s5 =	sshll.u32 s26, $0x1;
	_ =	strace $0x8000004C;
	[dreg:$0x1] =	wrdreg $0xFFFFFFFF  }
0xad: {  	s28 =	simm.s32 $_size_execute0_lowered;
	s3 =	sadd.s32 s3, s5;
	[dreg:$0x0] =	wrdreg $0x0  }
0xae: {  	s5 =	sshll.u32 s28, $0x1;
	[dreg:$0x2] =	wrdreg s3  }
0xaf: {  	[dreg:$0x3] =	wrdreg s5  }
0xb0: {  	[dreg:$0x4] =	wrdreg $0xC0  }
0xb1: {  	_ =	task [dreg:s7], $0x5FFFF  }
0xb2: {  	[dreg:$0x1] =	wrdreg $0xFFFFFFFF  }
0xb3: {  	[dreg:$0x0] =	wrdreg $0x60  }
0xb4: {  	[dreg:$0x2] =	wrdreg s24  }
0xb5: {  	[dreg:$0x3] =	wrdreg s16  }
0xb6: {  	[dreg:$0x4] =	wrdreg $0x9  }
0xb7: {  	_ =	task.clear_ibuf [dreg:s7], $0x5FFFF;
	_ =	strace $0x9000004C  }
0xb8: {  	s29 =	simm.s32 $0x9;
	_ =	strace $0x8000004E  }
0xb9: {  	_ =	swait.ge [sflag:s29], $0x1  }
0xba: {  	[sflag:s29] =	ssyncadd.s32 $0xFFFFFFFF  }
0xbb: {  	_ =	strace $0x9000004E  }
0xbc: {  	_ =	sfence  }
0xbd: {  	s30 =	sld [smem:$0x0];
	_ =	sdelay $0x2  }
0xbe: {  	s31 =	sshll.u32 s1, $0xD;
	s1 =	sshrl.u32 s1, $0x2  }
0xbf: {  	s3 =	sand.u32 $0x4000, s31;
	s1 =	sadd.s32 s1, s30  }
0xc0: {  	s0 =	sor.u32 s3, s0;
	s1 =	sshll.u32 s1, $0x11  }
0xc1: {  	s0 =	sor.u32 s1, s0  }
0xc2: {  	s0 =	sadd.s32 $0x8F2B, s0  }
0xc3: {  	[sflag:s0] =	ssyncadd.remote.s32 $0x1  }
0xc4: {  	_ =	sfence.sel $0xFFFF  }
0xc5: {  	[dreg:$0x0] =	wrdreg $0xFFFFFFFF;
	(pc) =	sbr.abs _section_cstart, $3  }
0xc6: {  	[dreg:$0x1] =	wrdreg $0xFFFFFFFF  }
0xc7: {  	_ =	task.clear_ibuf [dreg:s7], $0x2FFFF;
	_ =	strace $0x9FFFFFFF  }
0xc8: {  	(tm) =	ssettm $0x7FFFFFFF  }
0xc9: {  	_ =	shalt  }
tec
execute0_lowered:
.L_overlay_start_1:
0x0: {  	(tag) =	ssettag $0x1  }
0x1: {  	s1 =	srdreg.scid;
	s0 =	stileid.u32  }
0x2: {  	s5 =	rddreg [dreg:$0x1];
	s4 =	sand.u32 $0x1, s1;
	s2 =	sshll.u32 s0, $0x1  }
0x3: {  	s1 =	rddreg [dreg:$0x0];
	s3 =	sor.u32 s4, s2;
	s2 =	simm.s32 $0x0  }
0x4: {  	s24 =	simm.s32 $0x980;
	[smem:$0x7FF] =	sst s2  }
0x5: {  	s25 =	simm.s32 $0xD80;
	_ =	strace $0x8000004D;
	[dreg:$0x5] =	wrdreg s24  }
0x6: {  	s26 =	simm.s32 $0x1580;
	[dreg:$0x6] =	wrdreg s25  }
0x7: {  	s0 =	simm.s32 $0x1980;
	[dreg:$0x7] =	wrdreg s26  }
0x8: {  	s7 =	simm.s32 $0x2D80;
	[dreg:$0x8] =	wrdreg s0  }
0x9: {  	s8 =	simm.s32 $0x3180;
	[dreg:$0xb] =	wrdreg s7  }
0xa: {  	s9 =	simm.s32 $0x3980;
	[dreg:$0xc] =	wrdreg s8  }
0xb: {  	s10 =	simm.s32 $0x3D80;
	[dreg:$0xd] =	wrdreg s9  }
0xc: {  	s11 =	simm.s32 $0x4580;
	[dreg:$0xe] =	wrdreg s10  }
0xd: {  	s12 =	simm.s32 $0x4980;
	[dreg:$0xf] =	wrdreg s11  }
0xe: {  	s13 =	simm.s32 $0x5180;
	[dreg:$0x10] =	wrdreg s12  }
0xf: {  	s14 =	simm.s32 $0x5580;
	[dreg:$0x11] =	wrdreg s13  }
0x10: {  	s15 =	simm.s32 $0x5D80;
	[dreg:$0x12] =	wrdreg s14  }
0x11: {  	s16 =	simm.s32 $0x6180;
	[dreg:$0x13] =	wrdreg s15  }
0x12: {  	s17 =	simm.s32 $0x6980;
	[dreg:$0x14] =	wrdreg s16  }
0x13: {  	s18 =	simm.s32 $0x6D80;
	[dreg:$0x15] =	wrdreg s17  }
0x14: {  	s19 =	simm.s32 $0x7580;
	[dreg:$0x16] =	wrdreg s18  }
0x15: {  	s20 =	simm.s32 $0x7980;
	[dreg:$0x17] =	wrdreg s19  }
0x16: {  	s21 =	simm.s32 $0x8180;
	[dreg:$0x18] =	wrdreg s20  }
0x17: {  	s22 =	simm.s32 $0x8580;
	[dreg:$0x19] =	wrdreg s21  }
0x18: {  	[dreg:$0x1a] =	wrdreg s22;
	s24 =	simm.s32 $0x9180  }
0x19: {  	s25 =	simm.s32 $0x9980;
	[dreg:$0x1c] =	wrdreg s24  }
0x1a: {  	s26 =	simm.s32 $0x9D80;
	[dreg:$0x1d] =	wrdreg s25  }
0x1b: {  	s0 =	simm.s32 $0xA580;
	[dreg:$0x1e] =	wrdreg s26  }
0x1c: {  	s7 =	simm.s32 $0xB580;
	[dreg:$0x1f] =	wrdreg s0  }
0x1d: {  	s8 =	simm.s32 $0xBD80;
	[smem:$0x7EB] =	sst s7  }
0x1e: {  	s9 =	simm.s32 $0xC180;
	[smem:$0x7EC] =	sst s8  }
0x1f: {  	s10 =	simm.s32 $0xC980;
	[smem:$0x7ED] =	sst s9  }
0x20: {  	s11 =	simm.s32 $0xCD80;
	[smem:$0x7EE] =	sst s10  }
0x21: {  	s12 =	simm.s32 $0xD580;
	[smem:$0x7EF] =	sst s11  }
0x22: {  	s28 =	simm.s32 $0x19980;
	s13 =	simm.s32 $0xD980;
	[smem:$0x7F0] =	sst s12  }
0x23: {  	s29 =	simm.s32 $0x1A180;
	s14 =	simm.s32 $0xE180;
	[smem:$0x7F1] =	sst s13  }
0x24: {  	s30 =	simm.s32 $0x1A580;
	s15 =	simm.s32 $0xE580;
	[smem:$0x7F2] =	sst s14  }
0x25: {  	s31 =	simm.s32 $0x1AD80;
	s16 =	simm.s32 $0xED80;
	[smem:$0x7F3] =	sst s15  }
0x26: {  	s4 =	ssub.s32 $0x2, s4;
	s17 =	simm.s32 $0xF180;
	[smem:$0x7F4] =	sst s16  }
0x27: {  	s6 =	smul.u32 $0x3600, s3;
	s18 =	simm.s32 $0xF980;
	[smem:$0x7F5] =	sst s17  }
0x28: {  	s3 =	smul.u32 $0x24, s3;
	s19 =	simm.s32 $0xFD80;
	[smem:$0x7F6] =	sst s18  }
0x29: {  	s20 =	simm.s32 $0x10580;
	s21 =	simm.s32 $0x10980;
	[smem:$0x7F7] =	sst s19  }
0x2a: {  	s22 =	sshrl.u32 s4, $0x1;
	s6 =	sadd.s32 s6, s1;
	[smem:$0x7F8] =	sst s20  }
0x2b: {  	s3 =	sadd.s32 s5, s3;
	s5 =	simm.s32 $0x2180;
	[smem:$0x7F9] =	sst s21  }
0x2c: {  	s24 =	simm.s32 $0x11580;
	s25 =	simm.s32 $0x11D80;
	s26 =	simm.s32 $0x12180  }
0x2d: {  	s7 =	simm.s32 $0x180;
	s9 =	simm.s32 $0x12D80;
	s10 =	simm.s32 $0x13580  }
0x2e: {  	s11 =	simm.s32 $0x13980;
	s12 =	simm.s32 $0x14180;
	[dreg:$0x3] =	wrdreg s3  }
0x2f: {  	s13 =	simm.s32 $0x14580;
	s14 =	simm.s32 $0x14D80;
	[dreg:$0x9] =	wrdreg s5  }
0x30: {  	s15 =	simm.s32 $0x15180;
	s16 =	simm.s32 $0x15980;
	[smem:$0x7FB] =	sst s24  }
0x31: {  	s17 =	simm.s32 $0x15D80;
	s18 =	simm.s32 $0x16580;
	[smem:$0x7FC] =	sst s25  }
0x32: {  	s19 =	simm.s32 $0x16980;
	s23 =	sadd.s32 $0x57000, s6;
	[smem:$0x7FD] =	sst s26  }
0x33: {  	s20 =	simm.s32 $0x17180;
	s6 =	simm.s32 $0x2580;
	[dreg:$0x4] =	wrdreg s23  }
0x34: {  	s21 =	simm.s32 $0x17580;
	s5 =	simm.s32 $0xA980;
	[dreg:$0xa] =	wrdreg s6  }
0x35: {  	s3 =	sadd.s32 $0x1B000, s1;
	s23 =	simm.s32 $0x8D80;
	[smem:$0x7E9] =	sst s5  }
0x36: {  	s24 =	simm.s32 $0x18980;
	s6 =	simm.s32 $0xB180;
	[dreg:$0x1b] =	wrdreg s23  }
0x37: {  	s25 =	simm.s32 $0x18D80;
	s26 =	simm.s32 $0x19580;
	[smem:$0x7EA] =	sst s6  }
0x38: {  	v2 =	vlaneseq.u32;
	s23 =	simm.s32 $0x11180;
	s6 =	ssub.s32 s4, s22;
	s4 =	sadd.s32 $0x1B100, s1  }
0x39: {  	vm0 =	vmmov $0xffff;
	vm1 =	vmmov $0xff;
	v1 =	vshrl.u32 v2, $0x3;
	s22 =	simm.s32 $0x17D80;
	s1 =	simm.s32 $0x1;
	[smem:$0x7FA] =	sst s23  }
0x3a: {  	v0 =	vand.u32 $0x7, v2;
	v2 =	vor.u32 $0x8, v2;
	v1 =	vmul.u32 $0x8, v1;
	s5 =	smax.u32 s6, $0x1;
	s6 =	simm.s32 $0x2;
	s23 =	simm.s32 $0x18180  }
.LBB2_1:
0x3b: {  	s0 =	rddreg [dreg:$0x3]  }
0x3c: {  	[tilespmem:s2], [sflag:$0x2] =	stream.linear.gather [hbm4b:s0+s2], $0x120, $0x38;
	[tilespmem:$0x1B180] =	vst v63  }
0x3d: {  	_ =	swait.ge [sflag:s6], $0x120  }
0x3e: {  	[sflag:s6] =	ssyncset.done $0x0  }
0x3f: {  	[sflag:s6] =	ssyncadd.s32 $0xFFFFFEE0  }
0x40: {  	v3 =	vld [tilespmem:$0x0];
	_ =	sdelay $0x4  }
0x41: {  	v4 =	vshrl.u32 v3, $0x3  }
0x42: {  	v4 =	vmul.u32 $0x18, v4  }
0x43: {  	v3 =	vand.u32 $0x7, v3  }
0x44: {  	v3 =	vor.u32 v3, v4  }
0x45: {  	v4 =	vperm.xlane v3, v0;
	_ =	sdelay $0x1  }
0x46: {  	v4 =	vadd.s32 v1, v4;
	_ =	sdelay $0x1  }
0x47: {  	v3 =	vperm.xlane v3, v2;
	_ =	sdelay $0x1  }
0x48: {  	v3 =	vadd.s32 v1, v3  }
0x49: {  	[tilespmem:s7], [sflag:$0x1] =	stream.indirect_vreg.gather [hbm4b:s3+s2], $0x80, v4, vm0, $0xb8;
	[tilespmem:$0x1B180] =	vst v63  }
0x4a: {  	s0 =	rddreg [dreg:$0x5]  }
0x4b: {  	[tilespmem:s0], [sflag:$0x1] =	stream.indirect_vreg.gather [hbm4b:s4+s2], $0x80, v4, vm1, $0xb8;
	[tilespmem:$0x1B180] =	vst v63  }
0x4c: {  	s8 =	rddreg [dreg:$0x6]  }
0x4d: {  	[tilespmem:s8], [sflag:$0x1] =	stream.indirect_vreg.gather [hbm4b:s3+s2], $0x80, v3, vm0, $0xb8;
	[tilespmem:$0x1B180] =	vst v63  }
0x4e: {  	s0 =	rddreg [dreg:$0x7]  }
0x4f: {  	[tilespmem:s0], [sflag:$0x1] =	stream.indirect_vreg.gather [hbm4b:s4+s2], $0x80, v3, vm1, $0xb8;
	[tilespmem:$0x1B180] =	vst v63  }
0x50: {  	v3 =	vld [tilespmem:$0x10];
	_ =	sdelay $0x4  }
0x51: {  	v47 =	vshrl.u32 v3, $0x3  }
0x52: {  	v4 =	vmul.u32 $0x18, v47  }
0x53: {  	v3 =	vand.u32 $0x7, v3  }
0x54: {  	v3 =	vor.u32 v3, v4  }
0x55: {  	v4 =	vperm.xlane v3, v0;
	_ =	sdelay $0x1  }
0x56: {  	v4 =	vadd.s32 v1, v4;
	_ =	sdelay $0x1  }
0x57: {  	v3 =	vperm.xlane v3, v2;
	_ =	sdelay $0x1  }
0x58: {  	s0 =	rddreg [dreg:$0x8];
	v3 =	vadd.s32 v1, v3  }
0x59: {  	[tilespmem:s0], [sflag:$0x1] =	stream.indirect_vreg.gather [hbm4b:s3+s2], $0x80, v4, vm0, $0xb8;
	[tilespmem:$0x1B180] =	vst v63  }
0x5a: {  	s8 =	rddreg [dreg:$0x9]  }
0x5b: {  	[tilespmem:s8], [sflag:$0x1] =	stream.indirect_vreg.gather [hbm4b:s4+s2], $0x80, v4, vm1, $0xb8;
	[tilespmem:$0x1B180] =	vst v63  }
0x5c: {  	s0 =	rddreg [dreg:$0xa]  }
0x5d: {  	[tilespmem:s0], [sflag:$0x1] =	stream.indirect_vreg.gather [hbm4b:s3+s2], $0x80, v3, vm0, $0xb8;
	[tilespmem:$0x1B180] =	vst v63  }
0x5e: {  	s8 =	rddreg [dreg:$0xb]  }
0x5f: {  	[tilespmem:s8], [sflag:$0x1] =	stream.indirect_vreg.gather [hbm4b:s4+s2], $0x80, v3, vm1, $0xb8;
	[tilespmem:$0x1B180] =	vst v63  }
0x60: {  	v3 =	vld [tilespmem:$0x20];
	_ =	sdelay $0x4  }
0x61: {  	v48 =	vshrl.u32 v3, $0x3  }
0x62: {  	v4 =	vmul.u32 $0x18, v48  }
0x63: {  	v3 =	vand.u32 $0x7, v3  }
0x64: {  	v3 =	vor.u32 v3, v4  }
0x65: {  	v4 =	vperm.xlane v3, v0;
	_ =	sdelay $0x1  }
0x66: {  	v4 =	vadd.s32 v1, v4;
	_ =	sdelay $0x1  }
0x67: {  	v3 =	vperm.xlane v3, v2;
	_ =	sdelay $0x1  }
0x68: {  	s0 =	rddreg [dreg:$0xc];
	v3 =	vadd.s32 v1, v3  }
0x69: {  	[tilespmem:s0], [sflag:$0x1] =	stream.indirect_vreg.gather [hbm4b:s3+s2], $0x80, v4, vm0, $0xb8;
	[tilespmem:$0x1B180] =	vst v63  }
0x6a: {  	s8 =	rddreg [dreg:$0xd]  }
0x6b: {  	[tilespmem:s8], [sflag:$0x1] =	stream.indirect_vreg.gather [hbm4b:s4+s2], $0x80, v4, vm1, $0xb8;
	[tilespmem:$0x1B180] =	vst v63  }
0x6c: {  	s0 =	rddreg [dreg:$0xe]  }
0x6d: {  	[tilespmem:s0], [sflag:$0x1] =	stream.indirect_vreg.gather [hbm4b:s3+s2], $0x80, v3, vm0, $0xb8;
	[tilespmem:$0x1B180] =	vst v63  }
0x6e: {  	s8 =	rddreg [dreg:$0xf]  }
0x6f: {  	[tilespmem:s8], [sflag:$0x1] =	stream.indirect_vreg.gather [hbm4b:s4+s2], $0x80, v3, vm1, $0xb8;
	[tilespmem:$0x1B180] =	vst v63  }
0x70: {  	v3 =	vld [tilespmem:$0x30];
	_ =	sdelay $0x4  }
0x71: {  	v49 =	vshrl.u32 v3, $0x3  }
0x72: {  	v4 =	vmul.u32 $0x18, v49  }
0x73: {  	v3 =	vand.u32 $0x7, v3  }
0x74: {  	v3 =	vor.u32 v3, v4  }
0x75: {  	v4 =	vperm.xlane v3, v0;
	_ =	sdelay $0x1  }
0x76: {  	v4 =	vadd.s32 v1, v4;
	_ =	sdelay $0x1  }
0x77: {  	v3 =	vperm.xlane v3, v2;
	_ =	sdelay $0x1  }
0x78: {  	s0 =	rddreg [dreg:$0x10];
	v3 =	vadd.s32 v1, v3  }
0x79: {  	[tilespmem:s0], [sflag:$0x1] =	stream.indirect_vreg.gather [hbm4b:s3+s2], $0x80, v4, vm0, $0xb8;
	[tilespmem:$0x1B180] =	vst v63  }
0x7a: {  	s8 =	rddreg [dreg:$0x11]  }
0x7b: {  	[tilespmem:s8], [sflag:$0x1] =	stream.indirect_vreg.gather [hbm4b:s4+s2], $0x80, v4, vm1, $0xb8;
	[tilespmem:$0x1B180] =	vst v63  }
0x7c: {  	s0 =	rddreg [dreg:$0x12]  }
0x7d: {  	[tilespmem:s0], [sflag:$0x1] =	stream.indirect_vreg.gather [hbm4b:s3+s2], $0x80, v3, vm0, $0xb8;
	[tilespmem:$0x1B180] =	vst v63  }
0x7e: {  	s8 =	rddreg [dreg:$0x13]  }
0x7f: {  	[tilespmem:s8], [sflag:$0x1] =	stream.indirect_vreg.gather [hbm4b:s4+s2], $0x80, v3, vm1, $0xb8;
	[tilespmem:$0x1B180] =	vst v63  }
0x80: {  	v3 =	vld [tilespmem:$0x40];
	_ =	sdelay $0x4  }
0x81: {  	v50 =	vshrl.u32 v3, $0x3  }
0x82: {  	v4 =	vmul.u32 $0x18, v50  }
0x83: {  	v3 =	vand.u32 $0x7, v3  }
0x84: {  	v3 =	vor.u32 v3, v4  }
0x85: {  	v4 =	vperm.xlane v3, v0;
	_ =	sdelay $0x1  }
0x86: {  	v4 =	vadd.s32 v1, v4;
	_ =	sdelay $0x1  }
0x87: {  	v3 =	vperm.xlane v3, v2;
	_ =	sdelay $0x1  }
0x88: {  	s0 =	rddreg [dreg:$0x14];
	v3 =	vadd.s32 v1, v3  }
0x89: {  	[tilespmem:s0], [sflag:$0x1] =	stream.indirect_vreg.gather [hbm4b:s3+s2], $0x80, v4, vm0, $0xb8;
	[tilespmem:$0x1B180] =	vst v63  }
0x8a: {  	s8 =	rddreg [dreg:$0x15]  }
0x8b: {  	[tilespmem:s8], [sflag:$0x1] =	stream.indirect_vreg.gather [hbm4b:s4+s2], $0x80, v4, vm1, $0xb8;
	[tilespmem:$0x1B180] =	vst v63  }
0x8c: {  	s0 =	rddreg [dreg:$0x16]  }
0x8d: {  	[tilespmem:s0], [sflag:$0x1] =	stream.indirect_vreg.gather [hbm4b:s3+s2], $0x80, v3, vm0, $0xb8;
	[tilespmem:$0x1B180] =	vst v63  }
0x8e: {  	s8 =	rddreg [dreg:$0x17]  }
0x8f: {  	[tilespmem:s8], [sflag:$0x1] =	stream.indirect_vreg.gather [hbm4b:s4+s2], $0x80, v3, vm1, $0xb8;
	[tilespmem:$0x1B180] =	vst v63  }
0x90: {  	v3 =	vld [tilespmem:$0x50];
	_ =	sdelay $0x4  }
0x91: {  	v51 =	vshrl.u32 v3, $0x3  }
0x92: {  	v4 =	vmul.u32 $0x18, v51  }
0x93: {  	v3 =	vand.u32 $0x7, v3  }
0x94: {  	v3 =	vor.u32 v3, v4  }
0x95: {  	v4 =	vperm.xlane v3, v0;
	_ =	sdelay $0x1  }
0x96: {  	v4 =	vadd.s32 v1, v4;
	_ =	sdelay $0x1  }
0x97: {  	v3 =	vperm.xlane v3, v2;
	_ =	sdelay $0x1  }
0x98: {  	s0 =	rddreg [dreg:$0x18];
	v3 =	vadd.s32 v1, v3  }
0x99: {  	[tilespmem:s0], [sflag:$0x1] =	stream.indirect_vreg.gather [hbm4b:s3+s2], $0x80, v4, vm0, $0xb8;
	[tilespmem:$0x1B180] =	vst v63  }
0x9a: {  	s8 =	rddreg [dreg:$0x19]  }
0x9b: {  	[tilespmem:s8], [sflag:$0x1] =	stream.indirect_vreg.gather [hbm4b:s4+s2], $0x80, v4, vm1, $0xb8;
	[tilespmem:$0x1B180] =	vst v63  }
0x9c: {  	s0 =	rddreg [dreg:$0x1a]  }
0x9d: {  	[tilespmem:s0], [sflag:$0x1] =	stream.indirect_vreg.gather [hbm4b:s3+s2], $0x80, v3, vm0, $0xb8;
	[tilespmem:$0x1B180] =	vst v63  }
0x9e: {  	s8 =	rddreg [dreg:$0x1b]  }
0x9f: {  	[tilespmem:s8], [sflag:$0x1] =	stream.indirect_vreg.gather [hbm4b:s4+s2], $0x80, v3, vm1, $0xb8;
	[tilespmem:$0x1B180] =	vst v63  }
0xa0: {  	v3 =	vld [tilespmem:$0x60];
	_ =	sdelay $0x4  }
0xa1: {  	v52 =	vshrl.u32 v3, $0x3  }
0xa2: {  	v4 =	vmul.u32 $0x18, v52  }
0xa3: {  	v3 =	vand.u32 $0x7, v3  }
0xa4: {  	v3 =	vor.u32 v3, v4  }
0xa5: {  	v4 =	vperm.xlane v3, v0;
	_ =	sdelay $0x1  }
0xa6: {  	v4 =	vadd.s32 v1, v4;
	_ =	sdelay $0x1  }
0xa7: {  	v3 =	vperm.xlane v3, v2;
	_ =	sdelay $0x1  }
0xa8: {  	s0 =	rddreg [dreg:$0x1c];
	v3 =	vadd.s32 v1, v3  }
0xa9: {  	[tilespmem:s0], [sflag:$0x1] =	stream.indirect_vreg.gather [hbm4b:s3+s2], $0x80, v4, vm0, $0xb8;
	[tilespmem:$0x1B180] =	vst v63  }
0xaa: {  	s8 =	rddreg [dreg:$0x1d]  }
0xab: {  	[tilespmem:s8], [sflag:$0x1] =	stream.indirect_vreg.gather [hbm4b:s4+s2], $0x80, v4, vm1, $0xb8;
	[tilespmem:$0x1B180] =	vst v63  }
0xac: {  	s0 =	rddreg [dreg:$0x1e]  }
0xad: {  	[tilespmem:s0], [sflag:$0x1] =	stream.indirect_vreg.gather [hbm4b:s3+s2], $0x80, v3, vm0, $0xb8;
	[tilespmem:$0x1B180] =	vst v63  }
0xae: {  	s8 =	rddreg [dreg:$0x1f]  }
0xaf: {  	[tilespmem:s8], [sflag:$0x1] =	stream.indirect_vreg.gather [hbm4b:s4+s2], $0x80, v3, vm1, $0xb8;
	[tilespmem:$0x1B180] =	vst v63  }
0xb0: {  	v3 =	vld [tilespmem:$0x70];
	_ =	sdelay $0x4  }
0xb1: {  	v53 =	vshrl.u32 v3, $0x3  }
0xb2: {  	v4 =	vmul.u32 $0x18, v53  }
0xb3: {  	v3 =	vand.u32 $0x7, v3  }
0xb4: {  	v3 =	vor.u32 v3, v4  }
0xb5: {  	v4 =	vperm.xlane v3, v0;
	_ =	sdelay $0x1  }
0xb6: {  	v4 =	vadd.s32 v1, v4;
	_ =	sdelay $0x1  }
0xb7: {  	s0 =	sld [smem:$0x7E9];
	v3 =	vperm.xlane v3, v2;
	_ =	sdelay $0x1  }
0xb8: {  	s8 =	sld [smem:$0x7EA];
	v3 =	vadd.s32 v1, v3  }
0xb9: {  	[tilespmem:s0], [sflag:$0x1] =	stream.indirect_vreg.gather [hbm4b:s3+s2], $0x80, v4, vm0, $0xb8;
	[tilespmem:$0x1B180] =	vst v63  }
0xba: {  	s0 =	sld [smem:$0x7EB]  }
0xbb: {  	[tilespmem:s8], [sflag:$0x1] =	stream.indirect_vreg.gather [hbm4b:s4+s2], $0x80, v4, vm1, $0xb8;
	[tilespmem:$0x1B180] =	vst v63  }
0xbc: {  	s8 =	sld [smem:$0x7EC]  }
0xbd: {  	[tilespmem:s0], [sflag:$0x1] =	stream.indirect_vreg.gather [hbm4b:s3+s2], $0x80, v3, vm0, $0xb8;
	[tilespmem:$0x1B180] =	vst v63  }
0xbe: {  	_ = 	snop  }
0xbf: {  	[tilespmem:s8], [sflag:$0x1] =	stream.indirect_vreg.gather [hbm4b:s4+s2], $0x80, v3, vm1, $0xb8;
	[tilespmem:$0x1B180] =	vst v63  }
0xc0: {  	v3 =	vld [tilespmem:$0x80];
	_ =	sdelay $0x4  }
0xc1: {  	v54 =	vshrl.u32 v3, $0x3  }
0xc2: {  	v4 =	vmul.u32 $0x18, v54  }
0xc3: {  	v3 =	vand.u32 $0x7, v3  }
0xc4: {  	v3 =	vor.u32 v3, v4  }
0xc5: {  	v4 =	vperm.xlane v3, v0;
	_ =	sdelay $0x1  }
0xc6: {  	v4 =	vadd.s32 v1, v4;
	_ =	sdelay $0x1  }
0xc7: {  	s0 =	sld [smem:$0x7ED];
	v3 =	vperm.xlane v3, v2;
	_ =	sdelay $0x1  }
0xc8: {  	s8 =	sld [smem:$0x7EE];
	v3 =	vadd.s32 v1, v3  }
0xc9: {  	[tilespmem:s0], [sflag:$0x1] =	stream.indirect_vreg.gather [hbm4b:s3+s2], $0x80, v4, vm0, $0xb8;
	[tilespmem:$0x1B180] =	vst v63  }
0xca: {  	s0 =	sld [smem:$0x7EF]  }
0xcb: {  	[tilespmem:s8], [sflag:$0x1] =	stream.indirect_vreg.gather [hbm4b:s4+s2], $0x80, v4, vm1, $0xb8;
	[tilespmem:$0x1B180] =	vst v63  }
0xcc: {  	s8 =	sld [smem:$0x7F0]  }
0xcd: {  	[tilespmem:s0], [sflag:$0x1] =	stream.indirect_vreg.gather [hbm4b:s3+s2], $0x80, v3, vm0, $0xb8;
	[tilespmem:$0x1B180] =	vst v63  }
0xce: {  	_ = 	snop  }
0xcf: {  	[tilespmem:s8], [sflag:$0x1] =	stream.indirect_vreg.gather [hbm4b:s4+s2], $0x80, v3, vm1, $0xb8;
	[tilespmem:$0x1B180] =	vst v63  }
0xd0: {  	v3 =	vld [tilespmem:$0x90];
	_ =	sdelay $0x4  }
0xd1: {  	v55 =	vshrl.u32 v3, $0x3  }
0xd2: {  	v4 =	vmul.u32 $0x18, v55  }
0xd3: {  	v3 =	vand.u32 $0x7, v3  }
0xd4: {  	v3 =	vor.u32 v3, v4  }
0xd5: {  	v4 =	vperm.xlane v3, v0;
	_ =	sdelay $0x1  }
0xd6: {  	v4 =	vadd.s32 v1, v4;
	_ =	sdelay $0x1  }
0xd7: {  	s0 =	sld [smem:$0x7F1];
	v3 =	vperm.xlane v3, v2;
	_ =	sdelay $0x1  }
0xd8: {  	s8 =	sld [smem:$0x7F2];
	v3 =	vadd.s32 v1, v3  }
0xd9: {  	[tilespmem:s0], [sflag:$0x1] =	stream.indirect_vreg.gather [hbm4b:s3+s2], $0x80, v4, vm0, $0xb8;
	[tilespmem:$0x1B180] =	vst v63  }
0xda: {  	s0 =	sld [smem:$0x7F3]  }
0xdb: {  	[tilespmem:s8], [sflag:$0x1] =	stream.indirect_vreg.gather [hbm4b:s4+s2], $0x80, v4, vm1, $0xb8;
	[tilespmem:$0x1B180] =	vst v63  }
0xdc: {  	s8 =	sld [smem:$0x7F4]  }
0xdd: {  	[tilespmem:s0], [sflag:$0x1] =	stream.indirect_vreg.gather [hbm4b:s3+s2], $0x80, v3, vm0, $0xb8;
	[tilespmem:$0x1B180] =	vst v63  }
0xde: {  	_ = 	snop  }
0xdf: {  	[tilespmem:s8], [sflag:$0x1] =	stream.indirect_vreg.gather [hbm4b:s4+s2], $0x80, v3, vm1, $0xb8;
	[tilespmem:$0x1B180] =	vst v63  }
0xe0: {  	v3 =	vld [tilespmem:$0xA0];
	_ =	sdelay $0x4  }
0xe1: {  	v56 =	vshrl.u32 v3, $0x3  }
0xe2: {  	v4 =	vmul.u32 $0x18, v56  }
0xe3: {  	v3 =	vand.u32 $0x7, v3  }
0xe4: {  	v3 =	vor.u32 v3, v4  }
0xe5: {  	v4 =	vperm.xlane v3, v0;
	_ =	sdelay $0x1  }
0xe6: {  	v4 =	vadd.s32 v1, v4;
	_ =	sdelay $0x1  }
0xe7: {  	s0 =	sld [smem:$0x7F5];
	v3 =	vperm.xlane v3, v2;
	_ =	sdelay $0x1  }
0xe8: {  	s8 =	sld [smem:$0x7F6];
	v3 =	vadd.s32 v1, v3  }
0xe9: {  	[tilespmem:s0], [sflag:$0x1] =	stream.indirect_vreg.gather [hbm4b:s3+s2], $0x80, v4, vm0, $0xb8;
	[tilespmem:$0x1B180] =	vst v63  }
0xea: {  	s0 =	sld [smem:$0x7F7]  }
0xeb: {  	[tilespmem:s8], [sflag:$0x1] =	stream.indirect_vreg.gather [hbm4b:s4+s2], $0x80, v4, vm1, $0xb8;
	[tilespmem:$0x1B180] =	vst v63  }
0xec: {  	s8 =	sld [smem:$0x7F8]  }
0xed: {  	[tilespmem:s0], [sflag:$0x1] =	stream.indirect_vreg.gather [hbm4b:s3+s2], $0x80, v3, vm0, $0xb8;
	[tilespmem:$0x1B180] =	vst v63  }
0xee: {  	_ = 	snop  }
0xef: {  	[tilespmem:s8], [sflag:$0x1] =	stream.indirect_vreg.gather [hbm4b:s4+s2], $0x80, v3, vm1, $0xb8;
	[tilespmem:$0x1B180] =	vst v63  }
0xf0: {  	v3 =	vld [tilespmem:$0xB0];
	_ =	sdelay $0x4  }
0xf1: {  	v57 =	vshrl.u32 v3, $0x3  }
0xf2: {  	v4 =	vmul.u32 $0x18, v57  }
0xf3: {  	v3 =	vand.u32 $0x7, v3  }
0xf4: {  	v3 =	vor.u32 v3, v4  }
0xf5: {  	v4 =	vperm.xlane v3, v0;
	_ =	sdelay $0x1  }
0xf6: {  	v4 =	vadd.s32 v1, v4;
	_ =	sdelay $0x1  }
0xf7: {  	s0 =	sld [smem:$0x7F9];
	v3 =	vperm.xlane v3, v2;
	_ =	sdelay $0x1  }
0xf8: {  	s8 =	sld [smem:$0x7FA];
	v3 =	vadd.s32 v1, v3  }
0xf9: {  	[tilespmem:s0], [sflag:$0x1] =	stream.indirect_vreg.gather [hbm4b:s3+s2], $0x80, v4, vm0, $0xb8;
	[tilespmem:$0x1B180] =	vst v63  }
0xfa: {  	s0 =	sld [smem:$0x7FB]  }
0xfb: {  	[tilespmem:s8], [sflag:$0x1] =	stream.indirect_vreg.gather [hbm4b:s4+s2], $0x80, v4, vm1, $0xb8;
	[tilespmem:$0x1B180] =	vst v63  }
0xfc: {  	s8 =	sld [smem:$0x7FC]  }
0xfd: {  	[tilespmem:s0], [sflag:$0x1] =	stream.indirect_vreg.gather [hbm4b:s3+s2], $0x80, v3, vm0, $0xb8;
	[tilespmem:$0x1B180] =	vst v63  }
0xfe: {  	_ = 	snop  }
0xff: {  	[tilespmem:s8], [sflag:$0x1] =	stream.indirect_vreg.gather [hbm4b:s4+s2], $0x80, v3, vm1, $0xb8;
	[tilespmem:$0x1B180] =	vst v63  }
0x100: {  	v3 =	vld [tilespmem:$0xC0];
	_ =	sdelay $0x4  }
0x101: {  	v58 =	vshrl.u32 v3, $0x3  }
0x102: {  	v4 =	vmul.u32 $0x18, v58  }
0x103: {  	v3 =	vand.u32 $0x7, v3  }
0x104: {  	v3 =	vor.u32 v3, v4  }
0x105: {  	v4 =	vperm.xlane v3, v0;
	_ =	sdelay $0x1  }
0x106: {  	v4 =	vadd.s32 v1, v4;
	_ =	sdelay $0x1  }
0x107: {  	s8 =	sld [smem:$0x7FD];
	v3 =	vperm.xlane v3, v2;
	_ =	sdelay $0x1  }
0x108: {  	v3 =	vadd.s32 v1, v3  }
0x109: {  	[tilespmem:s8], [sflag:$0x1] =	stream.indirect_vreg.gather [hbm4b:s3+s2], $0x80, v4, vm0, $0xb8;
	[tilespmem:$0x1B180] =	vst v63  }
0x10a: {  	s8 =	simm.s32 $0x12980  }
0x10b: {  	[tilespmem:s8], [sflag:$0x1] =	stream.indirect_vreg.gather [hbm4b:s4+s2], $0x80, v4, vm1, $0xb8;
	[tilespmem:$0x1B180] =	vst v63  }
0x10c: {  	_ = 	snop  }
0x10d: {  	[tilespmem:s9], [sflag:$0x1] =	stream.indirect_vreg.gather [hbm4b:s3+s2], $0x80, v3, vm0, $0xb8;
	[tilespmem:$0x1B180] =	vst v63  }
0x10e: {  	_ = 	snop  }
0x10f: {  	[tilespmem:s10], [sflag:$0x1] =	stream.indirect_vreg.gather [hbm4b:s4+s2], $0x80, v3, vm1, $0xb8;
	[tilespmem:$0x1B180] =	vst v63  }
0x110: {  	v3 =	vld [tilespmem:$0xD0];
	_ =	sdelay $0x4  }
0x111: {  	v59 =	vshrl.u32 v3, $0x3  }
0x112: {  	v4 =	vmul.u32 $0x18, v59  }
0x113: {  	v3 =	vand.u32 $0x7, v3  }
0x114: {  	v3 =	vor.u32 v3, v4  }
0x115: {  	v4 =	vperm.xlane v3, v0;
	_ =	sdelay $0x1  }
0x116: {  	v4 =	vadd.s32 v1, v4;
	_ =	sdelay $0x1  }
0x117: {  	v3 =	vperm.xlane v3, v2;
	_ =	sdelay $0x1  }
0x118: {  	v3 =	vadd.s32 v1, v3  }
0x119: {  	[tilespmem:s11], [sflag:$0x1] =	stream.indirect_vreg.gather [hbm4b:s3+s2], $0x80, v4, vm0, $0xb8;
	[tilespmem:$0x1B180] =	vst v63  }
0x11a: {  	_ = 	snop  }
0x11b: {  	[tilespmem:s12], [sflag:$0x1] =	stream.indirect_vreg.gather [hbm4b:s4+s2], $0x80, v4, vm1, $0xb8;
	[tilespmem:$0x1B180] =	vst v63  }
0x11c: {  	_ = 	snop  }
0x11d: {  	[tilespmem:s13], [sflag:$0x1] =	stream.indirect_vreg.gather [hbm4b:s3+s2], $0x80, v3, vm0, $0xb8;
	[tilespmem:$0x1B180] =	vst v63  }
0x11e: {  	_ = 	snop  }
0x11f: {  	[tilespmem:s14], [sflag:$0x1] =	stream.indirect_vreg.gather [hbm4b:s4+s2], $0x80, v3, vm1, $0xb8;
	[tilespmem:$0x1B180] =	vst v63  }
0x120: {  	v3 =	vld [tilespmem:$0xE0];
	_ =	sdelay $0x4  }
0x121: {  	v60 =	vshrl.u32 v3, $0x3  }
0x122: {  	v4 =	vmul.u32 $0x18, v60  }
0x123: {  	v3 =	vand.u32 $0x7, v3  }
0x124: {  	v3 =	vor.u32 v3, v4  }
0x125: {  	v4 =	vperm.xlane v3, v0;
	_ =	sdelay $0x1  }
0x126: {  	v4 =	vadd.s32 v1, v4;
	_ =	sdelay $0x1  }
0x127: {  	v3 =	vperm.xlane v3, v2;
	_ =	sdelay $0x1  }
0x128: {  	v3 =	vadd.s32 v1, v3  }
0x129: {  	[tilespmem:s15], [sflag:$0x1] =	stream.indirect_vreg.gather [hbm4b:s3+s2], $0x80, v4, vm0, $0xb8;
	[tilespmem:$0x1B180] =	vst v63  }
0x12a: {  	_ = 	snop  }
0x12b: {  	[tilespmem:s16], [sflag:$0x1] =	stream.indirect_vreg.gather [hbm4b:s4+s2], $0x80, v4, vm1, $0xb8;
	[tilespmem:$0x1B180] =	vst v63  }
0x12c: {  	_ = 	snop  }
0x12d: {  	[tilespmem:s17], [sflag:$0x1] =	stream.indirect_vreg.gather [hbm4b:s3+s2], $0x80, v3, vm0, $0xb8;
	[tilespmem:$0x1B180] =	vst v63  }
0x12e: {  	_ = 	snop  }
0x12f: {  	[tilespmem:s18], [sflag:$0x1] =	stream.indirect_vreg.gather [hbm4b:s4+s2], $0x80, v3, vm1, $0xb8;
	[tilespmem:$0x1B180] =	vst v63  }
0x130: {  	v3 =	vld [tilespmem:$0xF0];
	_ =	sdelay $0x4  }
0x131: {  	v61 =	vshrl.u32 v3, $0x3  }
0x132: {  	v4 =	vmul.u32 $0x18, v61  }
0x133: {  	v3 =	vand.u32 $0x7, v3  }
0x134: {  	v3 =	vor.u32 v3, v4  }
0x135: {  	v4 =	vperm.xlane v3, v0;
	_ =	sdelay $0x1  }
0x136: {  	v4 =	vadd.s32 v1, v4;
	_ =	sdelay $0x1  }
0x137: {  	v3 =	vperm.xlane v3, v2;
	_ =	sdelay $0x1  }
0x138: {  	v3 =	vadd.s32 v1, v3  }
0x139: {  	[tilespmem:s19], [sflag:$0x1] =	stream.indirect_vreg.gather [hbm4b:s3+s2], $0x80, v4, vm0, $0xb8;
	[tilespmem:$0x1B180] =	vst v63  }
0x13a: {  	_ = 	snop  }
0x13b: {  	[tilespmem:s20], [sflag:$0x1] =	stream.indirect_vreg.gather [hbm4b:s4+s2], $0x80, v4, vm1, $0xb8;
	[tilespmem:$0x1B180] =	vst v63  }
0x13c: {  	_ = 	snop  }
0x13d: {  	[tilespmem:s21], [sflag:$0x1] =	stream.indirect_vreg.gather [hbm4b:s3+s2], $0x80, v3, vm0, $0xb8;
	[tilespmem:$0x1B180] =	vst v63  }
0x13e: {  	_ = 	snop  }
0x13f: {  	[tilespmem:s22], [sflag:$0x1] =	stream.indirect_vreg.gather [hbm4b:s4+s2], $0x80, v3, vm1, $0xb8;
	[tilespmem:$0x1B180] =	vst v63  }
0x140: {  	v3 =	vld [tilespmem:$0x100];
	_ =	sdelay $0x4  }
0x141: {  	v62 =	vshrl.u32 v3, $0x3  }
0x142: {  	v4 =	vmul.u32 $0x18, v62  }
0x143: {  	v3 =	vand.u32 $0x7, v3  }
0x144: {  	v3 =	vor.u32 v3, v4  }
0x145: {  	v4 =	vperm.xlane v3, v0;
	_ =	sdelay $0x1  }
0x146: {  	v4 =	vadd.s32 v1, v4;
	_ =	sdelay $0x1  }
0x147: {  	v3 =	vperm.xlane v3, v2;
	_ =	sdelay $0x1  }
0x148: {  	v3 =	vadd.s32 v1, v3  }
0x149: {  	[tilespmem:s23], [sflag:$0x1] =	stream.indirect_vreg.gather [hbm4b:s3+s2], $0x80, v4, vm0, $0xb8;
	[tilespmem:$0x1B180] =	vst v63  }
0x14a: {  	_ = 	snop  }
0x14b: {  	[tilespmem:s24], [sflag:$0x1] =	stream.indirect_vreg.gather [hbm4b:s4+s2], $0x80, v4, vm1, $0xb8;
	[tilespmem:$0x1B180] =	vst v63  }
0x14c: {  	_ = 	snop  }
0x14d: {  	[tilespmem:s25], [sflag:$0x1] =	stream.indirect_vreg.gather [hbm4b:s3+s2], $0x80, v3, vm0, $0xb8;
	[tilespmem:$0x1B180] =	vst v63  }
0x14e: {  	_ = 	snop  }
0x14f: {  	[tilespmem:s26], [sflag:$0x1] =	stream.indirect_vreg.gather [hbm4b:s4+s2], $0x80, v3, vm1, $0xb8;
	[tilespmem:$0x1B180] =	vst v63  }
0x150: {  	v3 =	vld [tilespmem:$0x110];
	_ =	sdelay $0x4  }
0x151: {  	v63 =	vshrl.u32 v3, $0x3  }
0x152: {  	v4 =	vmul.u32 $0x18, v63  }
0x153: {  	v3 =	vand.u32 $0x7, v3  }
0x154: {  	v3 =	vor.u32 v3, v4  }
0x155: {  	v4 =	vperm.xlane v3, v0;
	_ =	sdelay $0x1  }
0x156: {  	v4 =	vadd.s32 v1, v4;
	_ =	sdelay $0x1  }
0x157: {  	v3 =	vperm.xlane v3, v2;
	_ =	sdelay $0x1  }
0x158: {  	v3 =	vadd.s32 v1, v3  }
0x159: {  	[tilespmem:s28], [sflag:$0x1] =	stream.indirect_vreg.gather [hbm4b:s3+s2], $0x80, v4, vm0, $0xb8;
	[tilespmem:$0x1B180] =	vst v63  }
0x15a: {  	_ = 	snop  }
0x15b: {  	[tilespmem:s29], [sflag:$0x1] =	stream.indirect_vreg.gather [hbm4b:s4+s2], $0x80, v4, vm1, $0xb8;
	[tilespmem:$0x1B180] =	vst v63  }
0x15c: {  	_ = 	snop  }
0x15d: {  	[tilespmem:s30], [sflag:$0x1] =	stream.indirect_vreg.gather [hbm4b:s3+s2], $0x80, v3, vm0, $0xb8;
	[tilespmem:$0x1B180] =	vst v63  }
0x15e: {  	_ = 	snop  }
0x15f: {  	[tilespmem:s31], [sflag:$0x1] =	stream.indirect_vreg.gather [hbm4b:s4+s2], $0x80, v3, vm1, $0xb8;
	[tilespmem:$0x1B180] =	vst v63  }
0x160: {  	_ =	swait.ge [sflag:s1], $0x9000  }
0x161: {  	[sflag:s1] =	ssyncset.done $0x0  }
0x162: {  	[sflag:s1] =	ssyncadd.s32 $0xFFFF7000  }
0x163: {  	_ =	swait.ge [sflag:s1], $0x9000  }
0x164: {  	[sflag:s1] =	ssyncset.done $0x0  }
0x165: {  	[sflag:s1] =	ssyncadd.s32 $0xFFFF7000  }
0x166: {  	_ =	swait.ge [sflag:s1], $0x9000  }
0x167: {  	p0 =	sne.s32 s5, $0x1;
	[sflag:s1] =	ssyncset.done $0x0  }
.Ltmp0:
0x168: {  	s8 =	rddreg [dreg:$0x4];
	[sflag:s1] =	ssyncadd.s32 $0xFFFF7000;
	(pc) =	sbr.rel @p0 .LBB2_1-.Ltmp0, $4  }
0x169: {  	[hbm4b:s8+s2] =	stream.linear.scatter [tilespmem:s7], [sflag:$0x2], $0x1B000, $0x38;
	[tilespmem:$0x1B180] =	vst v63  }
0x16a: {  	_ =	swait.ge [sflag:s6], $0x1B000  }
0x16b: {  	[sflag:s6] =	ssyncset.done $0x0  }
0x16c: {  	s5 =	sadd.s32 $0xFFFFFFFF, s5;
	[sflag:s6] =	ssyncadd.s32 $0xFFFE5000  }
0x16d: {  	_ =	sfence.sel $0x180000  }
0x16e: {  	[bflag:$0x0] =	sbarrier.arrive $0xFFFF  }
0x16f: {  	_ =	strace $0x9000004D  }
0x170: {  	s0 =	stileid.u32;
	[bflag:$0x2] =	sbarrier.arrive $0xFFFF  }
0x171: {  	p0 =	sne.s32 s0, $0x0;
	s0 =	rddreg [dreg:$0x2]  }
0x172: {  	s0 =	sadd.s32 @!p0 $0x100000, s0  }
0x173: {  	[sflag:s0] =	ssyncadd.tile.s32 @!p0 $0x1;
	_ =	shalt  }
.Lfunc_end2:
_tile_overlayer_lowered:
.L_overlay_start_2:
0x174: {  	(tag) =	ssettag $0x2  }
0x175: {  	s0 =	rddreg [dreg:$0x0];
	s2 =	stileid.u32  }
0x176: {  	s1 =	rddreg [dreg:$0x1];
	p0 =	sne.s32 s2, $0x0  }
0x177: {  	s3 =	rddreg [dreg:$0x2];
	[bflag:$0x3] =	sbarrier.arrive $0xFFFF;
	s2 =	simm.s32 @!p0 $0x1C02  }
0x178: {  	[timem:s3], [sflag:s2] =	dma.local @!p0 [hbm:s0], s1  }
0x179: {  	s0 =	simm.s32 @!p0 $0x2  }
0x17a: {  	_ =	swait.ge @!p0 [sflag:s0], s1  }
0x17b: {  	s1 =	ssub.s32 @!p0 $0x0, s1;
	[sflag:s0] =	ssyncset.done @!p0 $0x0  }
0x17c: {  	[sflag:s0] =	ssyncadd.s32 @!p0 s1  }
0x17d: {  	[bflag:$0x3] =	sbarrier.arrive $0xFFFF  }
0x17e: {  	_ =	shalt  }

// kernel: kernel.20.cloned.1.call-start
scs
__scs_entry_jumppad:
0x0: {  	(pc) =	sbr.rel $0x88, $3  }
0x1: {  	(tag) =	ssettag $0x0;
	lr =	simm.s32 $0x1  }
0x2: {  	[smem:$0x3F9F] =	sst lr;
	_ =	strace $0xD0000000  }
0x3: {  	_ = 	snop  }
0x4: {  	_ = 	snop  }
0x5: {  	_ = 	snop  }
0x6: {  	_ = 	snop  }
0x7: {  	_ = 	snop  }
__scs_overlays_trampoline_lowered:
0x8: {  	[smem:$0x3FAE] =	sst s0  }
0x9: {  	[smem:$0x3FAF] =	sst s1  }
0xa: {  	[smem:$0x3FB0] =	sst s2  }
0xb: {  	[smem:$0x3FB1] =	sst s3  }
0xc: {  	[smem:$0x3FB2] =	sst s4  }
0xd: {  	[smem:$0x3FB3] =	sst s5  }
0xe: {  	[smem:$0x3FB4] =	sst s6  }
0xf: {  	[smem:$0x3FB5] =	sst s7  }
0x10: {  	[smem:$0x3FB6] =	sst s8  }
0x11: {  	[smem:$0x3FB7] =	sst s9;
	s0 =	simm.s32 @!p0 $0x0  }
0x12: {  	s1 =	sld [smem:$0x3F9D];
	s0 =	simm.s32 @p0 $0x1  }
0x13: {  	[smem:$0x3FB8] =	sst s0;
	s0 =	simm.s32 @!p1 $0x0  }
0x14: {  	s2 =	sld [smem:$0x3F9C];
	s0 =	simm.s32 @p1 $0x1  }
0x15: {  	[smem:$0x3FB9] =	sst s0;
	s0 =	simm.s32 @!p2 $0x0  }
0x16: {  	s3 =	sld [smem:$0x3FDB];
	s0 =	simm.s32 @p2 $0x1  }
0x17: {  	s4 =	simm.s32 $0x1BF5;
	[smem:$0x3FBB] =	sst s0  }
0x18: {  	s0 =	sld [smem:$0x3F9E];
	_ =	swait.ge [sflag:s4], $0x0  }
0x19: {  	s7 =	sld [smem:$0x3F9F]  }
0x1a: {  	s8 =	sadd.s32 $0xFFFFE003, lr  }
0x1b: {  	s9 =	sadd.s32 $0xFFFFFEF7, lr;
	s5 =	simm.s32 $0xFFFFFFFF;
	p2 =	slt.u32 s8, $0xFFFFF086  }
0x1c: {  	p1 =	slt.u32 s9, $0xF7A;
	s5 =	simm.s32 @!p2 $0x0  }
0x1d: {  	s5 =	simm.s32 @p1 $0x1;
	p0 =	seq.s32 s7, s2  }
0x1e: {  	s7 =	smul.u32 @!p0 $0xF7A, s2;
	p2 =	seq.s32 @!p0 s5, $0x0  }
0x1f: {  	s9 =	smul.u32 $0xF7A, s1;
	s8 =	simm.s32 @!p0 $0x1BF5;
	p2 =	por !p2, p0  }
0x20: {  	[sflag:s8] =	ssyncset.s32 @!p0 $0xFFFFF086;
	s6 =	sadd.s32 @!p0 s3, s7;
	s7 =	simm.s32 @!p0 $0x108  }
0x21: {  	s3 =	sadd.s32 s3, s9;
	s6 =	sadd.s32 @!p0 $0x88, s6;
	s7 =	simm.s32 @p2 $0x1082  }
0x22: {  	[simem:s7], [sflag:s8] =	dma.local @!p0 [hbm:s6], $0xF7A  }
0x23: {  	s9 =	sor.u32 $0xD0000000, s2;
	s6 =	simm.s32 $0x108;
	_ =	swait.ge @!p0 [sflag:s8], $0x0  }
0x24: {  	s3 =	sadd.s32 $0x88, s3;
	s6 =	simm.s32 @!p1 $0x1082;
	[sflag:s4] =	ssyncset.s32 $0xFFFFF086  }
0x25: {  	[simem:s6], [sflag:s4] =	dma.local [hbm:s3], $0xF7A  }
0x26: {  	[smem:$0x3F9F] =	sst s1;
	(tag) =	ssettag s2;
	_ =	strace s9  }
0x27: {  	s1 =	sld [smem:$0x3FAF]  }
0x28: {  	s2 =	sld [smem:$0x3FB0]  }
0x29: {  	s4 =	sld [smem:$0x3FB2]  }
0x2a: {  	p0 =	seq.s32 s5, $0x0;
	s5 =	sld [smem:$0x3FB3]  }
0x2b: {  	s6 =	sld [smem:$0x3FB4]  }
0x2c: {  	s7 =	sld [smem:$0x3FB5]  }
0x2d: {  	s3 =	simm.s32 $0x108;
	s8 =	sld [smem:$0x3FB6]  }
0x2e: {  	s3 =	simm.s32 @!p0 $0x1082;
	s9 =	sld [smem:$0x3FB7]  }
0x2f: {  	lr =	sadd.s32 s0, s3;
	s0 =	sld [smem:$0x3FAE]  }
0x30: {  	s3 =	sld [smem:$0x3FB1]  }
0x31: {  	[smem:$0x3FBA] =	sst s10  }
0x32: {  	s10 =	sld [smem:$0x3FB8];
	_ =	sdelay $0x3  }
0x33: {  	p0 =	seq.s32 s10, $0x1;
	s10 =	sld [smem:$0x3FBA];
	_ =	sdelay $0x3  }
0x34: {  	[smem:$0x3FBA] =	sst s10  }
0x35: {  	s10 =	sld [smem:$0x3FB9];
	_ =	sdelay $0x3  }
0x36: {  	p1 =	seq.s32 s10, $0x1;
	s10 =	sld [smem:$0x3FBA];
	_ =	sdelay $0x3  }
0x37: {  	[smem:$0x3FBA] =	sst s10  }
0x38: {  	s10 =	sld [smem:$0x3FBB]  }
0x39: {  	_ = 	snop;
	(pc) =	sbr.ind lr, $3  }
0x3a: {  	_ = 	snop  }
0x3b: {  	_ = 	snop  }
0x3c: {  	p2 =	seq.s32 s10, $0x1;
	s10 =	sld [smem:$0x3FBA]  }
0x3d: {  	_ =	shalt  }
0x3e: {  	_ =	shalt  }
0x3f: {  	_ =	shalt  }
0x40: {  	_ =	shalt  }
0x41: {  	_ =	shalt  }
0x42: {  	_ =	shalt  }
0x43: {  	_ =	shalt  }
0x44: {  	_ =	shalt  }
0x45: {  	_ =	shalt  }
0x46: {  	_ =	shalt  }
0x47: {  	_ =	shalt  }
0x48: {  	_ =	shalt  }
0x49: {  	_ =	shalt  }
0x4a: {  	_ =	shalt  }
0x4b: {  	_ =	shalt  }
0x4c: {  	_ =	shalt  }
0x4d: {  	_ =	shalt  }
0x4e: {  	_ =	shalt  }
0x4f: {  	_ =	shalt  }
0x50: {  	_ =	shalt  }
0x51: {  	_ =	shalt  }
0x52: {  	_ =	shalt  }
0x53: {  	_ =	shalt  }
0x54: {  	_ =	shalt  }
0x55: {  	_ =	shalt  }
0x56: {  	_ =	shalt  }
0x57: {  	_ =	shalt  }
0x58: {  	_ =	shalt  }
0x59: {  	_ =	shalt  }
0x5a: {  	_ =	shalt  }
0x5b: {  	_ =	shalt  }
0x5c: {  	_ =	shalt  }
0x5d: {  	_ =	shalt  }
0x5e: {  	_ =	shalt  }
0x5f: {  	_ =	shalt  }
0x60: {  	_ =	shalt  }
0x61: {  	_ =	shalt  }
0x62: {  	_ =	shalt  }
0x63: {  	_ =	shalt  }
0x64: {  	_ =	shalt  }
0x65: {  	_ =	shalt  }
0x66: {  	_ =	shalt  }
0x67: {  	_ =	shalt  }
0x68: {  	_ =	shalt  }
0x69: {  	_ =	shalt  }
0x6a: {  	_ =	shalt  }
0x6b: {  	_ =	shalt  }
0x6c: {  	_ =	shalt  }
0x6d: {  	_ =	shalt  }
0x6e: {  	_ =	shalt  }
0x6f: {  	_ =	shalt  }
0x70: {  	_ =	shalt  }
0x71: {  	_ =	shalt  }
0x72: {  	_ =	shalt  }
0x73: {  	_ =	shalt  }
0x74: {  	_ =	shalt  }
0x75: {  	_ =	shalt  }
0x76: {  	_ =	shalt  }
0x77: {  	_ =	shalt  }
0x78: {  	_ =	shalt  }
0x79: {  	_ =	shalt  }
0x7a: {  	_ =	shalt  }
0x7b: {  	_ =	shalt  }
0x7c: {  	_ =	shalt  }
0x7d: {  	_ =	shalt  }
0x7e: {  	_ =	shalt  }
0x7f: {  	_ =	shalt  }
0x80: {  	_ =	shalt  }
0x81: {  	_ =	shalt  }
0x82: {  	_ =	shalt  }
0x83: {  	_ =	shalt  }
0x84: {  	_ =	shalt  }
0x85: {  	_ =	shalt  }
0x86: {  	_ =	shalt  }
0x87: {  	_ =	shalt  }
.Lfunc_end0:
.L_simem_size_0:
called_computation.3_lowered:
.L_overlay_start_0:
0x88: {  	s2 =	sld [smem:$0x3FD9]  }
0x89: {  	s3 =	sld [smem:$0x3FFE];
	_ =	sdelay $0x1  }
0x8a: {  	s1 =	srdreg.scid  }
0x8b: {  	s0 =	sand.u32 $0x1, s1  }
0x8c: {  	s16 =	sshll.u32 s0, $0xA;
	s2 =	sadd.s32 s3, s2  }
0x8d: {  	s2 =	sadd.s32 s2, s16  }
0x8e: {  	[smem:$0x3FC6] =	sst s2  }
0x8f: {  	_ = 	snop  }
0x90: {  	(tm) =	ssettm $0x1  }
0x91: {  	s17 =	sld [smem:$0x3FFB];
	_ =	sdelay $0x3  }
0x92: {  	_ =	strace s17  }
0x93: {  	s2 =	sld [smem:$0x3FFC];
	_ =	sdelay $0x3  }
0x94: {  	_ =	strace s2  }
0x95: {  	s2 =	sld [smem:$0x3FFD];
	_ =	sdelay $0x3  }
0x96: {  	_ =	strace s2  }
0x97: {  	_ =	strace $0x8FFFFFFF  }
0x98: {  	s18 =	sld [smem:$0x3FDB];
	_ =	sdelay $0x1  }
0x99: {  	s19 =	simm.s32 $_scs_section_size  }
0x9a: {  	s4 =	simm.s32 $_size__tile_overlayer_lowered;
	s5 =	simm.s32 $_tile_overlayer_lowered  }
0x9b: {  	s22 =	simm.s32 $0x1BFF;
	s21 =	sshll.u32 s5, $0x1;
	s2 =	sadd.s32 s19, s18  }
0x9c: {  	s6 =	simm.s32 $0x0;
	s20 =	sshll.u32 s4, $0x1;
	s4 =	sadd.s32 s21, s2  }
0x9d: {  	[timem:s6], [sflag:s22] =	dma.local [hbm:s4], s20  }
0x9e: {  	_ =	swait.ge [sflag:s22], s20  }
0x9f: {  	s3 =	ssub.s32 $0x0, s20;
	[sflag:s22] =	ssyncset.done $0x0  }
0xa0: {  	[sflag:s22] =	ssyncadd.s32 s3;
	_ =	sdelay $0x1  }
0xa1: {  	s23 =	simm.s32 $0x1B8B  }
0xa2: {  	_ =	swait.ge [sflag:s23], $0x1  }
0xa3: {  	[sflag:s23] =	ssyncset.done $0x0  }
0xa4: {  	s25 =	simm.s32 $0x1B8E;
	s24 =	sld [smem:$0x3FFE];
	[sflag:s23] =	ssyncadd.s32 $0xFFFFFFFF  }
0xa5: {  	s26 =	simm.s32 $execute0_lowered;
	[smem:$0x3FD2] =	sst s25  }
0xa6: {  	s4 =	sshll.u32 s26, $0x1;
	_ =	strace $0x8000004F;
	[dreg:$0x1] =	wrdreg $0xFFFFFFFF  }
0xa7: {  	s28 =	simm.s32 $_size_execute0_lowered;
	s2 =	sadd.s32 s2, s4;
	[dreg:$0x0] =	wrdreg $0x0  }
0xa8: {  	s4 =	sshll.u32 s28, $0x1;
	[dreg:$0x2] =	wrdreg s2  }
0xa9: {  	[dreg:$0x3] =	wrdreg s4  }
0xaa: {  	[dreg:$0x4] =	wrdreg $0xC0  }
0xab: {  	_ =	task [dreg:s6], $0x5FFFF  }
0xac: {  	[dreg:$0x1] =	wrdreg $0xFFFFFFFF  }
0xad: {  	[dreg:$0x0] =	wrdreg $0x60  }
0xae: {  	[dreg:$0x2] =	wrdreg s24  }
0xaf: {  	[dreg:$0x3] =	wrdreg $0x9  }
0xb0: {  	_ =	task.clear_ibuf [dreg:s6], $0x4FFFF;
	_ =	strace $0x9000004F  }
0xb1: {  	s29 =	simm.s32 $0x9;
	_ =	strace $0x80000051  }
0xb2: {  	_ =	swait.ge [sflag:s29], $0x1  }
0xb3: {  	[sflag:s29] =	ssyncadd.s32 $0xFFFFFFFF  }
0xb4: {  	_ =	strace $0x90000051  }
0xb5: {  	_ =	sfence  }
0xb6: {  	s30 =	sld [smem:$0x0];
	_ =	sdelay $0x2  }
0xb7: {  	s31 =	sshll.u32 s1, $0xD;
	s1 =	sshrl.u32 s1, $0x2  }
0xb8: {  	s3 =	sand.u32 $0x4000, s31;
	s1 =	sadd.s32 s1, s30  }
0xb9: {  	s0 =	sor.u32 s3, s0;
	s1 =	sshll.u32 s1, $0x11  }
0xba: {  	s0 =	sor.u32 s1, s0  }
0xbb: {  	s0 =	sadd.s32 $0x8F2B, s0  }
0xbc: {  	[sflag:s0] =	ssyncadd.remote.s32 $0x1  }
0xbd: {  	_ =	sfence.sel $0xFFFF  }
0xbe: {  	[dreg:$0x0] =	wrdreg $0xFFFFFFFF;
	(pc) =	sbr.abs _section_cstart, $3  }
0xbf: {  	[dreg:$0x1] =	wrdreg $0xFFFFFFFF  }
0xc0: {  	_ =	task.clear_ibuf [dreg:s6], $0x2FFFF;
	_ =	strace $0x9FFFFFFF  }
0xc1: {  	(tm) =	ssettm $0x7FFFFFFF  }
tec
execute0_lowered:
.L_overlay_start_1:
0x0: {  	(tag) =	ssettag $0x1  }
0x1: {  	s1 =	srdreg.scid  }
0x2: {  	s2 =	simm.s32 $0x0;
	s4 =	sand.u32 $0x1, s1;
	s1 =	rddreg [dreg:$0x0]  }
0x3: {  	s0 =	stileid.u32;
	s25 =	simm.s32 $0x980;
	[smem:$0x7FF] =	sst s2  }
0x4: {  	s26 =	simm.s32 $0xD80;
	_ =	strace $0x80000050;
	[dreg:$0x4] =	wrdreg s25  }
0x5: {  	s24 =	sshll.u32 s0, $0x1;
	s0 =	simm.s32 $0x1580;
	[dreg:$0x5] =	wrdreg s26  }
0x6: {  	s6 =	simm.s32 $0x2180;
	[dreg:$0x6] =	wrdreg s0  }
0x7: {  	s7 =	simm.s32 $0x2580;
	[dreg:$0x8] =	wrdreg s6  }
0x8: {  	s8 =	simm.s32 $0x2D80;
	[dreg:$0x9] =	wrdreg s7  }
0x9: {  	s9 =	simm.s32 $0x3180;
	[dreg:$0xa] =	wrdreg s8  }
0xa: {  	s10 =	simm.s32 $0x3980;
	[dreg:$0xb] =	wrdreg s9  }
0xb: {  	s11 =	simm.s32 $0x3D80;
	[dreg:$0xc] =	wrdreg s10  }
0xc: {  	s12 =	simm.s32 $0x4580;
	[dreg:$0xd] =	wrdreg s11  }
0xd: {  	s13 =	simm.s32 $0x4980;
	[dreg:$0xe] =	wrdreg s12  }
0xe: {  	s14 =	simm.s32 $0x5180;
	[dreg:$0xf] =	wrdreg s13  }
0xf: {  	s15 =	simm.s32 $0x5580;
	[dreg:$0x10] =	wrdreg s14  }
0x10: {  	s16 =	simm.s32 $0x5D80;
	[dreg:$0x11] =	wrdreg s15  }
0x11: {  	s17 =	simm.s32 $0x6180;
	[dreg:$0x12] =	wrdreg s16  }
0x12: {  	s18 =	simm.s32 $0x6980;
	[dreg:$0x13] =	wrdreg s17  }
0x13: {  	s19 =	simm.s32 $0x6D80;
	[dreg:$0x14] =	wrdreg s18  }
0x14: {  	s20 =	simm.s32 $0x7580;
	[dreg:$0x15] =	wrdreg s19  }
0x15: {  	s21 =	simm.s32 $0x7980;
	[dreg:$0x16] =	wrdreg s20  }
0x16: {  	s22 =	simm.s32 $0x8180;
	[dreg:$0x17] =	wrdreg s21  }
0x17: {  	s23 =	simm.s32 $0x8580;
	[dreg:$0x18] =	wrdreg s22  }
0x18: {  	s3 =	sor.u32 s4, s24;
	[dreg:$0x19] =	wrdreg s23;
	s24 =	simm.s32 $0x8D80  }
0x19: {  	s25 =	simm.s32 $0x9180;
	[dreg:$0x1a] =	wrdreg s24  }
0x1a: {  	s26 =	simm.s32 $0x9980;
	[dreg:$0x1b] =	wrdreg s25  }
0x1b: {  	s0 =	simm.s32 $0x9D80;
	[dreg:$0x1c] =	wrdreg s26  }
0x1c: {  	s6 =	simm.s32 $0xA980;
	[dreg:$0x1d] =	wrdreg s0  }
0x1d: {  	s7 =	simm.s32 $0xB180;
	[dreg:$0x1f] =	wrdreg s6  }
0x1e: {  	s8 =	simm.s32 $0xB580;
	[smem:$0x7EA] =	sst s7  }
0x1f: {  	s9 =	simm.s32 $0xBD80;
	[smem:$0x7EB] =	sst s8  }
0x20: {  	s10 =	simm.s32 $0xC180;
	[smem:$0x7EC] =	sst s9  }
0x21: {  	s11 =	simm.s32 $0xC980;
	[smem:$0x7ED] =	sst s10  }
0x22: {  	s12 =	simm.s32 $0xCD80;
	[smem:$0x7EE] =	sst s11  }
0x23: {  	s13 =	simm.s32 $0xD580;
	[smem:$0x7EF] =	sst s12  }
0x24: {  	s14 =	simm.s32 $0xD980;
	[smem:$0x7F0] =	sst s13  }
0x25: {  	s15 =	simm.s32 $0xE180;
	[smem:$0x7F1] =	sst s14  }
0x26: {  	s28 =	simm.s32 $0x19980;
	s16 =	simm.s32 $0xE580;
	[smem:$0x7F2] =	sst s15  }
0x27: {  	s29 =	simm.s32 $0x1A180;
	s17 =	simm.s32 $0xED80;
	[smem:$0x7F3] =	sst s16  }
0x28: {  	s30 =	simm.s32 $0x1A580;
	s18 =	simm.s32 $0xF180;
	[smem:$0x7F4] =	sst s17  }
0x29: {  	s31 =	simm.s32 $0x1AD80;
	s19 =	simm.s32 $0xF980;
	[smem:$0x7F5] =	sst s18  }
0x2a: {  	s20 =	simm.s32 $0xFD80;
	s21 =	simm.s32 $0x10580;
	[smem:$0x7F6] =	sst s19  }
0x2b: {  	s4 =	ssub.s32 $0x2, s4;
	s22 =	simm.s32 $0x10980;
	[smem:$0x7F7] =	sst s20  }
0x2c: {  	s23 =	simm.s32 $0x11180;
	s5 =	smul.u32 $0x24, s3;
	[smem:$0x7F8] =	sst s21  }
0x2d: {  	s3 =	smul.u32 $0x3600, s3;
	s6 =	sshrl.u32 s4, $0x1;
	[smem:$0x7F9] =	sst s22  }
0x2e: {  	[smem:$0x7FA] =	sst s23;
	s24 =	simm.s32 $0x11580;
	s25 =	simm.s32 $0x11D80  }
0x2f: {  	s26 =	simm.s32 $0x12180;
	s7 =	simm.s32 $0x180;
	s9 =	simm.s32 $0x12D80  }
0x30: {  	s10 =	simm.s32 $0x13580;
	s11 =	simm.s32 $0x13980;
	s12 =	simm.s32 $0x14180  }
0x31: {  	s13 =	simm.s32 $0x14580;
	s14 =	simm.s32 $0x14D80;
	s15 =	simm.s32 $0x15180  }
0x32: {  	s16 =	simm.s32 $0x15980;
	s17 =	simm.s32 $0x15D80;
	s18 =	simm.s32 $0x16580  }
0x33: {  	s19 =	simm.s32 $0x16980;
	s20 =	simm.s32 $0x17180;
	s21 =	simm.s32 $0x17580  }
0x34: {  	s22 =	simm.s32 $0x17D80;
	s23 =	simm.s32 $0x18180;
	[smem:$0x7FB] =	sst s24  }
0x35: {  	s6 =	ssub.s32 s4, s6;
	s4 =	sadd.s32 $0x27100, s1;
	[smem:$0x7FC] =	sst s25  }
0x36: {  	[smem:$0x7FD] =	sst s26;
	s24 =	simm.s32 $0x18980;
	s5 =	sadd.s32 s5, s1  }
0x37: {  	s25 =	simm.s32 $0x18D80;
	s3 =	sadd.s32 s3, s1;
	s5 =	sadd.s32 $0x3000, s5  }
0x38: {  	s26 =	simm.s32 $0x19580;
	s3 =	sadd.s32 $0xC3000, s3;
	[dreg:$0x2] =	wrdreg s5  }
0x39: {  	v2 =	vlaneseq.u32;
	[dreg:$0x3] =	wrdreg s3;
	s5 =	simm.s32 $0x1980;
	s3 =	sadd.s32 $0x27000, s1  }
0x3a: {  	vm0 =	vmmov $0xffff;
	vm1 =	vmmov $0xff;
	v1 =	vshrl.u32 v2, $0x3;
	s1 =	simm.s32 $0x1;
	[dreg:$0x7] =	wrdreg s5;
	s5 =	simm.s32 $0xA580  }
0x3b: {  	v0 =	vand.u32 $0x7, v2;
	v2 =	vor.u32 $0x8, v2;
	v1 =	vmul.u32 $0x8, v1;
	[dreg:$0x1e] =	wrdreg s5;
	s5 =	smax.u32 s6, $0x1;
	s6 =	simm.s32 $0x2  }
.LBB2_1:
0x3c: {  	s0 =	rddreg [dreg:$0x2]  }
0x3d: {  	[tilespmem:s2], [sflag:$0x2] =	stream.linear.gather [hbm4b:s0+s2], $0x120, $0x38;
	[tilespmem:$0x1B180] =	vst v63  }
0x3e: {  	_ =	swait.ge [sflag:s6], $0x120  }
0x3f: {  	[sflag:s6] =	ssyncset.done $0x0  }
0x40: {  	[sflag:s6] =	ssyncadd.s32 $0xFFFFFEE0  }
0x41: {  	v3 =	vld [tilespmem:$0x0];
	_ =	sdelay $0x4  }
0x42: {  	v4 =	vshrl.u32 v3, $0x3  }
0x43: {  	v4 =	vmul.u32 $0x18, v4  }
0x44: {  	v3 =	vand.u32 $0x7, v3  }
0x45: {  	v3 =	vor.u32 v3, v4  }
0x46: {  	v4 =	vperm.xlane v3, v0;
	_ =	sdelay $0x1  }
0x47: {  	v4 =	vadd.s32 v1, v4;
	_ =	sdelay $0x1  }
0x48: {  	v3 =	vperm.xlane v3, v2;
	_ =	sdelay $0x1  }
0x49: {  	v3 =	vadd.s32 v1, v3  }
0x4a: {  	[tilespmem:s7], [sflag:$0x1] =	stream.indirect_vreg.gather [hbm4b:s3+s2], $0x80, v4, vm0, $0xb8;
	[tilespmem:$0x1B180] =	vst v63  }
0x4b: {  	s0 =	rddreg [dreg:$0x4]  }
0x4c: {  	[tilespmem:s0], [sflag:$0x1] =	stream.indirect_vreg.gather [hbm4b:s4+s2], $0x80, v4, vm1, $0xb8;
	[tilespmem:$0x1B180] =	vst v63  }
0x4d: {  	s8 =	rddreg [dreg:$0x5]  }
0x4e: {  	[tilespmem:s8], [sflag:$0x1] =	stream.indirect_vreg.gather [hbm4b:s3+s2], $0x80, v3, vm0, $0xb8;
	[tilespmem:$0x1B180] =	vst v63  }
0x4f: {  	s0 =	rddreg [dreg:$0x6]  }
0x50: {  	[tilespmem:s0], [sflag:$0x1] =	stream.indirect_vreg.gather [hbm4b:s4+s2], $0x80, v3, vm1, $0xb8;
	[tilespmem:$0x1B180] =	vst v63  }
0x51: {  	v3 =	vld [tilespmem:$0x10];
	_ =	sdelay $0x4  }
0x52: {  	v47 =	vshrl.u32 v3, $0x3  }
0x53: {  	v4 =	vmul.u32 $0x18, v47  }
0x54: {  	v3 =	vand.u32 $0x7, v3  }
0x55: {  	v3 =	vor.u32 v3, v4  }
0x56: {  	v4 =	vperm.xlane v3, v0;
	_ =	sdelay $0x1  }
0x57: {  	v4 =	vadd.s32 v1, v4;
	_ =	sdelay $0x1  }
0x58: {  	v3 =	vperm.xlane v3, v2;
	_ =	sdelay $0x1  }
0x59: {  	s0 =	rddreg [dreg:$0x7];
	v3 =	vadd.s32 v1, v3  }
0x5a: {  	[tilespmem:s0], [sflag:$0x1] =	stream.indirect_vreg.gather [hbm4b:s3+s2], $0x80, v4, vm0, $0xb8;
	[tilespmem:$0x1B180] =	vst v63  }
0x5b: {  	s8 =	rddreg [dreg:$0x8]  }
0x5c: {  	[tilespmem:s8], [sflag:$0x1] =	stream.indirect_vreg.gather [hbm4b:s4+s2], $0x80, v4, vm1, $0xb8;
	[tilespmem:$0x1B180] =	vst v63  }
0x5d: {  	s0 =	rddreg [dreg:$0x9]  }
0x5e: {  	[tilespmem:s0], [sflag:$0x1] =	stream.indirect_vreg.gather [hbm4b:s3+s2], $0x80, v3, vm0, $0xb8;
	[tilespmem:$0x1B180] =	vst v63  }
0x5f: {  	s8 =	rddreg [dreg:$0xa]  }
0x60: {  	[tilespmem:s8], [sflag:$0x1] =	stream.indirect_vreg.gather [hbm4b:s4+s2], $0x80, v3, vm1, $0xb8;
	[tilespmem:$0x1B180] =	vst v63  }
0x61: {  	v3 =	vld [tilespmem:$0x20];
	_ =	sdelay $0x4  }
0x62: {  	v48 =	vshrl.u32 v3, $0x3  }
0x63: {  	v4 =	vmul.u32 $0x18, v48  }
0x64: {  	v3 =	vand.u32 $0x7, v3  }
0x65: {  	v3 =	vor.u32 v3, v4  }
0x66: {  	v4 =	vperm.xlane v3, v0;
	_ =	sdelay $0x1  }
0x67: {  	v4 =	vadd.s32 v1, v4;
	_ =	sdelay $0x1  }
0x68: {  	v3 =	vperm.xlane v3, v2;
	_ =	sdelay $0x1  }
0x69: {  	s0 =	rddreg [dreg:$0xb];
	v3 =	vadd.s32 v1, v3  }
0x6a: {  	[tilespmem:s0], [sflag:$0x1] =	stream.indirect_vreg.gather [hbm4b:s3+s2], $0x80, v4, vm0, $0xb8;
	[tilespmem:$0x1B180] =	vst v63  }
0x6b: {  	s8 =	rddreg [dreg:$0xc]  }
0x6c: {  	[tilespmem:s8], [sflag:$0x1] =	stream.indirect_vreg.gather [hbm4b:s4+s2], $0x80, v4, vm1, $0xb8;
	[tilespmem:$0x1B180] =	vst v63  }
0x6d: {  	s0 =	rddreg [dreg:$0xd]  }
0x6e: {  	[tilespmem:s0], [sflag:$0x1] =	stream.indirect_vreg.gather [hbm4b:s3+s2], $0x80, v3, vm0, $0xb8;
	[tilespmem:$0x1B180] =	vst v63  }
0x6f: {  	s8 =	rddreg [dreg:$0xe]  }
0x70: {  	[tilespmem:s8], [sflag:$0x1] =	stream.indirect_vreg.gather [hbm4b:s4+s2], $0x80, v3, vm1, $0xb8;
	[tilespmem:$0x1B180] =	vst v63  }
0x71: {  	v3 =	vld [tilespmem:$0x30];
	_ =	sdelay $0x4  }
0x72: {  	v49 =	vshrl.u32 v3, $0x3  }
0x73: {  	v4 =	vmul.u32 $0x18, v49  }
0x74: {  	v3 =	vand.u32 $0x7, v3  }
0x75: {  	v3 =	vor.u32 v3, v4  }
0x76: {  	v4 =	vperm.xlane v3, v0;
	_ =	sdelay $0x1  }
0x77: {  	v4 =	vadd.s32 v1, v4;
	_ =	sdelay $0x1  }
0x78: {  	v3 =	vperm.xlane v3, v2;
	_ =	sdelay $0x1  }
0x79: {  	s0 =	rddreg [dreg:$0xf];
	v3 =	vadd.s32 v1, v3  }
0x7a: {  	[tilespmem:s0], [sflag:$0x1] =	stream.indirect_vreg.gather [hbm4b:s3+s2], $0x80, v4, vm0, $0xb8;
	[tilespmem:$0x1B180] =	vst v63  }
0x7b: {  	s8 =	rddreg [dreg:$0x10]  }
0x7c: {  	[tilespmem:s8], [sflag:$0x1] =	stream.indirect_vreg.gather [hbm4b:s4+s2], $0x80, v4, vm1, $0xb8;
	[tilespmem:$0x1B180] =	vst v63  }
0x7d: {  	s0 =	rddreg [dreg:$0x11]  }
0x7e: {  	[tilespmem:s0], [sflag:$0x1] =	stream.indirect_vreg.gather [hbm4b:s3+s2], $0x80, v3, vm0, $0xb8;
	[tilespmem:$0x1B180] =	vst v63  }
0x7f: {  	s8 =	rddreg [dreg:$0x12]  }
0x80: {  	[tilespmem:s8], [sflag:$0x1] =	stream.indirect_vreg.gather [hbm4b:s4+s2], $0x80, v3, vm1, $0xb8;
	[tilespmem:$0x1B180] =	vst v63  }
0x81: {  	v3 =	vld [tilespmem:$0x40];
	_ =	sdelay $0x4  }
0x82: {  	v50 =	vshrl.u32 v3, $0x3  }
0x83: {  	v4 =	vmul.u32 $0x18, v50  }
0x84: {  	v3 =	vand.u32 $0x7, v3  }
0x85: {  	v3 =	vor.u32 v3, v4  }
0x86: {  	v4 =	vperm.xlane v3, v0;
	_ =	sdelay $0x1  }
0x87: {  	v4 =	vadd.s32 v1, v4;
	_ =	sdelay $0x1  }
0x88: {  	v3 =	vperm.xlane v3, v2;
	_ =	sdelay $0x1  }
0x89: {  	s0 =	rddreg [dreg:$0x13];
	v3 =	vadd.s32 v1, v3  }
0x8a: {  	[tilespmem:s0], [sflag:$0x1] =	stream.indirect_vreg.gather [hbm4b:s3+s2], $0x80, v4, vm0, $0xb8;
	[tilespmem:$0x1B180] =	vst v63  }
0x8b: {  	s8 =	rddreg [dreg:$0x14]  }
0x8c: {  	[tilespmem:s8], [sflag:$0x1] =	stream.indirect_vreg.gather [hbm4b:s4+s2], $0x80, v4, vm1, $0xb8;
	[tilespmem:$0x1B180] =	vst v63  }
0x8d: {  	s0 =	rddreg [dreg:$0x15]  }
0x8e: {  	[tilespmem:s0], [sflag:$0x1] =	stream.indirect_vreg.gather [hbm4b:s3+s2], $0x80, v3, vm0, $0xb8;
	[tilespmem:$0x1B180] =	vst v63  }
0x8f: {  	s8 =	rddreg [dreg:$0x16]  }
0x90: {  	[tilespmem:s8], [sflag:$0x1] =	stream.indirect_vreg.gather [hbm4b:s4+s2], $0x80, v3, vm1, $0xb8;
	[tilespmem:$0x1B180] =	vst v63  }
0x91: {  	v3 =	vld [tilespmem:$0x50];
	_ =	sdelay $0x4  }
0x92: {  	v51 =	vshrl.u32 v3, $0x3  }
0x93: {  	v4 =	vmul.u32 $0x18, v51  }
0x94: {  	v3 =	vand.u32 $0x7, v3  }
0x95: {  	v3 =	vor.u32 v3, v4  }
0x96: {  	v4 =	vperm.xlane v3, v0;
	_ =	sdelay $0x1  }
0x97: {  	v4 =	vadd.s32 v1, v4;
	_ =	sdelay $0x1  }
0x98: {  	v3 =	vperm.xlane v3, v2;
	_ =	sdelay $0x1  }
0x99: {  	s0 =	rddreg [dreg:$0x17];
	v3 =	vadd.s32 v1, v3  }
0x9a: {  	[tilespmem:s0], [sflag:$0x1] =	stream.indirect_vreg.gather [hbm4b:s3+s2], $0x80, v4, vm0, $0xb8;
	[tilespmem:$0x1B180] =	vst v63  }
0x9b: {  	s8 =	rddreg [dreg:$0x18]  }
0x9c: {  	[tilespmem:s8], [sflag:$0x1] =	stream.indirect_vreg.gather [hbm4b:s4+s2], $0x80, v4, vm1, $0xb8;
	[tilespmem:$0x1B180] =	vst v63  }
0x9d: {  	s0 =	rddreg [dreg:$0x19]  }
0x9e: {  	[tilespmem:s0], [sflag:$0x1] =	stream.indirect_vreg.gather [hbm4b:s3+s2], $0x80, v3, vm0, $0xb8;
	[tilespmem:$0x1B180] =	vst v63  }
0x9f: {  	s8 =	rddreg [dreg:$0x1a]  }
0xa0: {  	[tilespmem:s8], [sflag:$0x1] =	stream.indirect_vreg.gather [hbm4b:s4+s2], $0x80, v3, vm1, $0xb8;
	[tilespmem:$0x1B180] =	vst v63  }
0xa1: {  	v3 =	vld [tilespmem:$0x60];
	_ =	sdelay $0x4  }
0xa2: {  	v52 =	vshrl.u32 v3, $0x3  }
0xa3: {  	v4 =	vmul.u32 $0x18, v52  }
0xa4: {  	v3 =	vand.u32 $0x7, v3  }
0xa5: {  	v3 =	vor.u32 v3, v4  }
0xa6: {  	v4 =	vperm.xlane v3, v0;
	_ =	sdelay $0x1  }
0xa7: {  	v4 =	vadd.s32 v1, v4;
	_ =	sdelay $0x1  }
0xa8: {  	v3 =	vperm.xlane v3, v2;
	_ =	sdelay $0x1  }
0xa9: {  	s0 =	rddreg [dreg:$0x1b];
	v3 =	vadd.s32 v1, v3  }
0xaa: {  	[tilespmem:s0], [sflag:$0x1] =	stream.indirect_vreg.gather [hbm4b:s3+s2], $0x80, v4, vm0, $0xb8;
	[tilespmem:$0x1B180] =	vst v63  }
0xab: {  	s8 =	rddreg [dreg:$0x1c]  }
0xac: {  	[tilespmem:s8], [sflag:$0x1] =	stream.indirect_vreg.gather [hbm4b:s4+s2], $0x80, v4, vm1, $0xb8;
	[tilespmem:$0x1B180] =	vst v63  }
0xad: {  	s0 =	rddreg [dreg:$0x1d]  }
0xae: {  	[tilespmem:s0], [sflag:$0x1] =	stream.indirect_vreg.gather [hbm4b:s3+s2], $0x80, v3, vm0, $0xb8;
	[tilespmem:$0x1B180] =	vst v63  }
0xaf: {  	s8 =	rddreg [dreg:$0x1e]  }
0xb0: {  	[tilespmem:s8], [sflag:$0x1] =	stream.indirect_vreg.gather [hbm4b:s4+s2], $0x80, v3, vm1, $0xb8;
	[tilespmem:$0x1B180] =	vst v63  }
0xb1: {  	v3 =	vld [tilespmem:$0x70];
	_ =	sdelay $0x4  }
0xb2: {  	v53 =	vshrl.u32 v3, $0x3  }
0xb3: {  	v4 =	vmul.u32 $0x18, v53  }
0xb4: {  	v3 =	vand.u32 $0x7, v3  }
0xb5: {  	v3 =	vor.u32 v3, v4  }
0xb6: {  	v4 =	vperm.xlane v3, v0;
	_ =	sdelay $0x1  }
0xb7: {  	v4 =	vadd.s32 v1, v4;
	_ =	sdelay $0x1  }
0xb8: {  	v3 =	vperm.xlane v3, v2  }
0xb9: {  	s0 =	rddreg [dreg:$0x1f]  }
0xba: {  	s8 =	sld [smem:$0x7EA];
	v3 =	vadd.s32 v1, v3  }
0xbb: {  	[tilespmem:s0], [sflag:$0x1] =	stream.indirect_vreg.gather [hbm4b:s3+s2], $0x80, v4, vm0, $0xb8;
	[tilespmem:$0x1B180] =	vst v63  }
0xbc: {  	s0 =	sld [smem:$0x7EB]  }
0xbd: {  	[tilespmem:s8], [sflag:$0x1] =	stream.indirect_vreg.gather [hbm4b:s4+s2], $0x80, v4, vm1, $0xb8;
	[tilespmem:$0x1B180] =	vst v63  }
0xbe: {  	s8 =	sld [smem:$0x7EC]  }
0xbf: {  	[tilespmem:s0], [sflag:$0x1] =	stream.indirect_vreg.gather [hbm4b:s3+s2], $0x80, v3, vm0, $0xb8;
	[tilespmem:$0x1B180] =	vst v63  }
0xc0: {  	_ = 	snop  }
0xc1: {  	[tilespmem:s8], [sflag:$0x1] =	stream.indirect_vreg.gather [hbm4b:s4+s2], $0x80, v3, vm1, $0xb8;
	[tilespmem:$0x1B180] =	vst v63  }
0xc2: {  	v3 =	vld [tilespmem:$0x80];
	_ =	sdelay $0x4  }
0xc3: {  	v54 =	vshrl.u32 v3, $0x3  }
0xc4: {  	v4 =	vmul.u32 $0x18, v54  }
0xc5: {  	v3 =	vand.u32 $0x7, v3  }
0xc6: {  	v3 =	vor.u32 v3, v4  }
0xc7: {  	v4 =	vperm.xlane v3, v0;
	_ =	sdelay $0x1  }
0xc8: {  	v4 =	vadd.s32 v1, v4;
	_ =	sdelay $0x1  }
0xc9: {  	s0 =	sld [smem:$0x7ED];
	v3 =	vperm.xlane v3, v2;
	_ =	sdelay $0x1  }
0xca: {  	s8 =	sld [smem:$0x7EE];
	v3 =	vadd.s32 v1, v3  }
0xcb: {  	[tilespmem:s0], [sflag:$0x1] =	stream.indirect_vreg.gather [hbm4b:s3+s2], $0x80, v4, vm0, $0xb8;
	[tilespmem:$0x1B180] =	vst v63  }
0xcc: {  	s0 =	sld [smem:$0x7EF]  }
0xcd: {  	[tilespmem:s8], [sflag:$0x1] =	stream.indirect_vreg.gather [hbm4b:s4+s2], $0x80, v4, vm1, $0xb8;
	[tilespmem:$0x1B180] =	vst v63  }
0xce: {  	s8 =	sld [smem:$0x7F0]  }
0xcf: {  	[tilespmem:s0], [sflag:$0x1] =	stream.indirect_vreg.gather [hbm4b:s3+s2], $0x80, v3, vm0, $0xb8;
	[tilespmem:$0x1B180] =	vst v63  }
0xd0: {  	_ = 	snop  }
0xd1: {  	[tilespmem:s8], [sflag:$0x1] =	stream.indirect_vreg.gather [hbm4b:s4+s2], $0x80, v3, vm1, $0xb8;
	[tilespmem:$0x1B180] =	vst v63  }
0xd2: {  	v3 =	vld [tilespmem:$0x90];
	_ =	sdelay $0x4  }
0xd3: {  	v55 =	vshrl.u32 v3, $0x3  }
0xd4: {  	v4 =	vmul.u32 $0x18, v55  }
0xd5: {  	v3 =	vand.u32 $0x7, v3  }
0xd6: {  	v3 =	vor.u32 v3, v4  }
0xd7: {  	v4 =	vperm.xlane v3, v0;
	_ =	sdelay $0x1  }
0xd8: {  	v4 =	vadd.s32 v1, v4;
	_ =	sdelay $0x1  }
0xd9: {  	s0 =	sld [smem:$0x7F1];
	v3 =	vperm.xlane v3, v2;
	_ =	sdelay $0x1  }
0xda: {  	s8 =	sld [smem:$0x7F2];
	v3 =	vadd.s32 v1, v3  }
0xdb: {  	[tilespmem:s0], [sflag:$0x1] =	stream.indirect_vreg.gather [hbm4b:s3+s2], $0x80, v4, vm0, $0xb8;
	[tilespmem:$0x1B180] =	vst v63  }
0xdc: {  	s0 =	sld [smem:$0x7F3]  }
0xdd: {  	[tilespmem:s8], [sflag:$0x1] =	stream.indirect_vreg.gather [hbm4b:s4+s2], $0x80, v4, vm1, $0xb8;
	[tilespmem:$0x1B180] =	vst v63  }
0xde: {  	s8 =	sld [smem:$0x7F4]  }
0xdf: {  	[tilespmem:s0], [sflag:$0x1] =	stream.indirect_vreg.gather [hbm4b:s3+s2], $0x80, v3, vm0, $0xb8;
	[tilespmem:$0x1B180] =	vst v63  }
0xe0: {  	_ = 	snop  }
0xe1: {  	[tilespmem:s8], [sflag:$0x1] =	stream.indirect_vreg.gather [hbm4b:s4+s2], $0x80, v3, vm1, $0xb8;
	[tilespmem:$0x1B180] =	vst v63  }
0xe2: {  	v3 =	vld [tilespmem:$0xA0];
	_ =	sdelay $0x4  }
0xe3: {  	v56 =	vshrl.u32 v3, $0x3  }
0xe4: {  	v4 =	vmul.u32 $0x18, v56  }
0xe5: {  	v3 =	vand.u32 $0x7, v3  }
0xe6: {  	v3 =	vor.u32 v3, v4  }
0xe7: {  	v4 =	vperm.xlane v3, v0;
	_ =	sdelay $0x1  }
0xe8: {  	v4 =	vadd.s32 v1, v4;
	_ =	sdelay $0x1  }
0xe9: {  	s0 =	sld [smem:$0x7F5];
	v3 =	vperm.xlane v3, v2;
	_ =	sdelay $0x1  }
0xea: {  	s8 =	sld [smem:$0x7F6];
	v3 =	vadd.s32 v1, v3  }
0xeb: {  	[tilespmem:s0], [sflag:$0x1] =	stream.indirect_vreg.gather [hbm4b:s3+s2], $0x80, v4, vm0, $0xb8;
	[tilespmem:$0x1B180] =	vst v63  }
0xec: {  	s0 =	sld [smem:$0x7F7]  }
0xed: {  	[tilespmem:s8], [sflag:$0x1] =	stream.indirect_vreg.gather [hbm4b:s4+s2], $0x80, v4, vm1, $0xb8;
	[tilespmem:$0x1B180] =	vst v63  }
0xee: {  	s8 =	sld [smem:$0x7F8]  }
0xef: {  	[tilespmem:s0], [sflag:$0x1] =	stream.indirect_vreg.gather [hbm4b:s3+s2], $0x80, v3, vm0, $0xb8;
	[tilespmem:$0x1B180] =	vst v63  }
0xf0: {  	_ = 	snop  }
0xf1: {  	[tilespmem:s8], [sflag:$0x1] =	stream.indirect_vreg.gather [hbm4b:s4+s2], $0x80, v3, vm1, $0xb8;
	[tilespmem:$0x1B180] =	vst v63  }
0xf2: {  	v3 =	vld [tilespmem:$0xB0];
	_ =	sdelay $0x4  }
0xf3: {  	v57 =	vshrl.u32 v3, $0x3  }
0xf4: {  	v4 =	vmul.u32 $0x18, v57  }
0xf5: {  	v3 =	vand.u32 $0x7, v3  }
0xf6: {  	v3 =	vor.u32 v3, v4  }
0xf7: {  	v4 =	vperm.xlane v3, v0;
	_ =	sdelay $0x1  }
0xf8: {  	v4 =	vadd.s32 v1, v4;
	_ =	sdelay $0x1  }
0xf9: {  	s0 =	sld [smem:$0x7F9];
	v3 =	vperm.xlane v3, v2;
	_ =	sdelay $0x1  }
0xfa: {  	s8 =	sld [smem:$0x7FA];
	v3 =	vadd.s32 v1, v3  }
0xfb: {  	[tilespmem:s0], [sflag:$0x1] =	stream.indirect_vreg.gather [hbm4b:s3+s2], $0x80, v4, vm0, $0xb8;
	[tilespmem:$0x1B180] =	vst v63  }
0xfc: {  	s0 =	sld [smem:$0x7FB]  }
0xfd: {  	[tilespmem:s8], [sflag:$0x1] =	stream.indirect_vreg.gather [hbm4b:s4+s2], $0x80, v4, vm1, $0xb8;
	[tilespmem:$0x1B180] =	vst v63  }
0xfe: {  	s8 =	sld [smem:$0x7FC]  }
0xff: {  	[tilespmem:s0], [sflag:$0x1] =	stream.indirect_vreg.gather [hbm4b:s3+s2], $0x80, v3, vm0, $0xb8;
	[tilespmem:$0x1B180] =	vst v63  }
0x100: {  	_ = 	snop  }
0x101: {  	[tilespmem:s8], [sflag:$0x1] =	stream.indirect_vreg.gather [hbm4b:s4+s2], $0x80, v3, vm1, $0xb8;
	[tilespmem:$0x1B180] =	vst v63  }
0x102: {  	v3 =	vld [tilespmem:$0xC0];
	_ =	sdelay $0x4  }
0x103: {  	v58 =	vshrl.u32 v3, $0x3  }
0x104: {  	v4 =	vmul.u32 $0x18, v58  }
0x105: {  	v3 =	vand.u32 $0x7, v3  }
0x106: {  	v3 =	vor.u32 v3, v4  }
0x107: {  	v4 =	vperm.xlane v3, v0;
	_ =	sdelay $0x1  }
0x108: {  	v4 =	vadd.s32 v1, v4;
	_ =	sdelay $0x1  }
0x109: {  	s8 =	sld [smem:$0x7FD];
	v3 =	vperm.xlane v3, v2;
	_ =	sdelay $0x1  }
0x10a: {  	v3 =	vadd.s32 v1, v3  }
0x10b: {  	[tilespmem:s8], [sflag:$0x1] =	stream.indirect_vreg.gather [hbm4b:s3+s2], $0x80, v4, vm0, $0xb8;
	[tilespmem:$0x1B180] =	vst v63  }
0x10c: {  	s8 =	simm.s32 $0x12980  }
0x10d: {  	[tilespmem:s8], [sflag:$0x1] =	stream.indirect_vreg.gather [hbm4b:s4+s2], $0x80, v4, vm1, $0xb8;
	[tilespmem:$0x1B180] =	vst v63  }
0x10e: {  	_ = 	snop  }
0x10f: {  	[tilespmem:s9], [sflag:$0x1] =	stream.indirect_vreg.gather [hbm4b:s3+s2], $0x80, v3, vm0, $0xb8;
	[tilespmem:$0x1B180] =	vst v63  }
0x110: {  	_ = 	snop  }
0x111: {  	[tilespmem:s10], [sflag:$0x1] =	stream.indirect_vreg.gather [hbm4b:s4+s2], $0x80, v3, vm1, $0xb8;
	[tilespmem:$0x1B180] =	vst v63  }
0x112: {  	v3 =	vld [tilespmem:$0xD0];
	_ =	sdelay $0x4  }
0x113: {  	v59 =	vshrl.u32 v3, $0x3  }
0x114: {  	v4 =	vmul.u32 $0x18, v59  }
0x115: {  	v3 =	vand.u32 $0x7, v3  }
0x116: {  	v3 =	vor.u32 v3, v4  }
0x117: {  	v4 =	vperm.xlane v3, v0;
	_ =	sdelay $0x1  }
0x118: {  	v4 =	vadd.s32 v1, v4;
	_ =	sdelay $0x1  }
0x119: {  	v3 =	vperm.xlane v3, v2;
	_ =	sdelay $0x1  }
0x11a: {  	v3 =	vadd.s32 v1, v3  }
0x11b: {  	[tilespmem:s11], [sflag:$0x1] =	stream.indirect_vreg.gather [hbm4b:s3+s2], $0x80, v4, vm0, $0xb8;
	[tilespmem:$0x1B180] =	vst v63  }
0x11c: {  	_ = 	snop  }
0x11d: {  	[tilespmem:s12], [sflag:$0x1] =	stream.indirect_vreg.gather [hbm4b:s4+s2], $0x80, v4, vm1, $0xb8;
	[tilespmem:$0x1B180] =	vst v63  }
0x11e: {  	_ = 	snop  }
0x11f: {  	[tilespmem:s13], [sflag:$0x1] =	stream.indirect_vreg.gather [hbm4b:s3+s2], $0x80, v3, vm0, $0xb8;
	[tilespmem:$0x1B180] =	vst v63  }
0x120: {  	_ = 	snop  }
0x121: {  	[tilespmem:s14], [sflag:$0x1] =	stream.indirect_vreg.gather [hbm4b:s4+s2], $0x80, v3, vm1, $0xb8;
	[tilespmem:$0x1B180] =	vst v63  }
0x122: {  	v3 =	vld [tilespmem:$0xE0];
	_ =	sdelay $0x4  }
0x123: {  	v60 =	vshrl.u32 v3, $0x3  }
0x124: {  	v4 =	vmul.u32 $0x18, v60  }
0x125: {  	v3 =	vand.u32 $0x7, v3  }
0x126: {  	v3 =	vor.u32 v3, v4  }
0x127: {  	v4 =	vperm.xlane v3, v0;
	_ =	sdelay $0x1  }
0x128: {  	v4 =	vadd.s32 v1, v4;
	_ =	sdelay $0x1  }
0x129: {  	v3 =	vperm.xlane v3, v2;
	_ =	sdelay $0x1  }
0x12a: {  	v3 =	vadd.s32 v1, v3  }
0x12b: {  	[tilespmem:s15], [sflag:$0x1] =	stream.indirect_vreg.gather [hbm4b:s3+s2], $0x80, v4, vm0, $0xb8;
	[tilespmem:$0x1B180] =	vst v63  }
0x12c: {  	_ = 	snop  }
0x12d: {  	[tilespmem:s16], [sflag:$0x1] =	stream.indirect_vreg.gather [hbm4b:s4+s2], $0x80, v4, vm1, $0xb8;
	[tilespmem:$0x1B180] =	vst v63  }
0x12e: {  	_ = 	snop  }
0x12f: {  	[tilespmem:s17], [sflag:$0x1] =	stream.indirect_vreg.gather [hbm4b:s3+s2], $0x80, v3, vm0, $0xb8;
	[tilespmem:$0x1B180] =	vst v63  }
0x130: {  	_ = 	snop  }
0x131: {  	[tilespmem:s18], [sflag:$0x1] =	stream.indirect_vreg.gather [hbm4b:s4+s2], $0x80, v3, vm1, $0xb8;
	[tilespmem:$0x1B180] =	vst v63  }
0x132: {  	v3 =	vld [tilespmem:$0xF0];
	_ =	sdelay $0x4  }
0x133: {  	v61 =	vshrl.u32 v3, $0x3  }
0x134: {  	v4 =	vmul.u32 $0x18, v61  }
0x135: {  	v3 =	vand.u32 $0x7, v3  }
0x136: {  	v3 =	vor.u32 v3, v4  }
0x137: {  	v4 =	vperm.xlane v3, v0;
	_ =	sdelay $0x1  }
0x138: {  	v4 =	vadd.s32 v1, v4;
	_ =	sdelay $0x1  }
0x139: {  	v3 =	vperm.xlane v3, v2;
	_ =	sdelay $0x1  }
0x13a: {  	v3 =	vadd.s32 v1, v3  }
0x13b: {  	[tilespmem:s19], [sflag:$0x1] =	stream.indirect_vreg.gather [hbm4b:s3+s2], $0x80, v4, vm0, $0xb8;
	[tilespmem:$0x1B180] =	vst v63  }
0x13c: {  	_ = 	snop  }
0x13d: {  	[tilespmem:s20], [sflag:$0x1] =	stream.indirect_vreg.gather [hbm4b:s4+s2], $0x80, v4, vm1, $0xb8;
	[tilespmem:$0x1B180] =	vst v63  }
0x13e: {  	_ = 	snop  }
0x13f: {  	[tilespmem:s21], [sflag:$0x1] =	stream.indirect_vreg.gather [hbm4b:s3+s2], $0x80, v3, vm0, $0xb8;
	[tilespmem:$0x1B180] =	vst v63  }
0x140: {  	_ = 	snop  }
0x141: {  	[tilespmem:s22], [sflag:$0x1] =	stream.indirect_vreg.gather [hbm4b:s4+s2], $0x80, v3, vm1, $0xb8;
	[tilespmem:$0x1B180] =	vst v63  }
0x142: {  	v3 =	vld [tilespmem:$0x100];
	_ =	sdelay $0x4  }
0x143: {  	v62 =	vshrl.u32 v3, $0x3  }
0x144: {  	v4 =	vmul.u32 $0x18, v62  }
0x145: {  	v3 =	vand.u32 $0x7, v3  }
0x146: {  	v3 =	vor.u32 v3, v4  }
0x147: {  	v4 =	vperm.xlane v3, v0;
	_ =	sdelay $0x1  }
0x148: {  	v4 =	vadd.s32 v1, v4;
	_ =	sdelay $0x1  }
0x149: {  	v3 =	vperm.xlane v3, v2;
	_ =	sdelay $0x1  }
0x14a: {  	v3 =	vadd.s32 v1, v3  }
0x14b: {  	[tilespmem:s23], [sflag:$0x1] =	stream.indirect_vreg.gather [hbm4b:s3+s2], $0x80, v4, vm0, $0xb8;
	[tilespmem:$0x1B180] =	vst v63  }
0x14c: {  	_ = 	snop  }
0x14d: {  	[tilespmem:s24], [sflag:$0x1] =	stream.indirect_vreg.gather [hbm4b:s4+s2], $0x80, v4, vm1, $0xb8;
	[tilespmem:$0x1B180] =	vst v63  }
0x14e: {  	_ = 	snop  }
0x14f: {  	[tilespmem:s25], [sflag:$0x1] =	stream.indirect_vreg.gather [hbm4b:s3+s2], $0x80, v3, vm0, $0xb8;
	[tilespmem:$0x1B180] =	vst v63  }
0x150: {  	_ = 	snop  }
0x151: {  	[tilespmem:s26], [sflag:$0x1] =	stream.indirect_vreg.gather [hbm4b:s4+s2], $0x80, v3, vm1, $0xb8;
	[tilespmem:$0x1B180] =	vst v63  }
0x152: {  	v3 =	vld [tilespmem:$0x110];
	_ =	sdelay $0x4  }
0x153: {  	v63 =	vshrl.u32 v3, $0x3  }
0x154: {  	v4 =	vmul.u32 $0x18, v63  }
0x155: {  	v3 =	vand.u32 $0x7, v3  }
0x156: {  	v3 =	vor.u32 v3, v4  }
0x157: {  	v4 =	vperm.xlane v3, v0;
	_ =	sdelay $0x1  }
0x158: {  	v4 =	vadd.s32 v1, v4;
	_ =	sdelay $0x1  }
0x159: {  	v3 =	vperm.xlane v3, v2;
	_ =	sdelay $0x1  }
0x15a: {  	v3 =	vadd.s32 v1, v3  }
0x15b: {  	[tilespmem:s28], [sflag:$0x1] =	stream.indirect_vreg.gather [hbm4b:s3+s2], $0x80, v4, vm0, $0xb8;
	[tilespmem:$0x1B180] =	vst v63  }
0x15c: {  	_ = 	snop  }
0x15d: {  	[tilespmem:s29], [sflag:$0x1] =	stream.indirect_vreg.gather [hbm4b:s4+s2], $0x80, v4, vm1, $0xb8;
	[tilespmem:$0x1B180] =	vst v63  }
0x15e: {  	_ = 	snop  }
0x15f: {  	[tilespmem:s30], [sflag:$0x1] =	stream.indirect_vreg.gather [hbm4b:s3+s2], $0x80, v3, vm0, $0xb8;
	[tilespmem:$0x1B180] =	vst v63  }
0x160: {  	_ = 	snop  }
0x161: {  	[tilespmem:s31], [sflag:$0x1] =	stream.indirect_vreg.gather [hbm4b:s4+s2], $0x80, v3, vm1, $0xb8;
	[tilespmem:$0x1B180] =	vst v63  }
0x162: {  	_ =	swait.ge [sflag:s1], $0x9000  }
0x163: {  	[sflag:s1] =	ssyncset.done $0x0  }
0x164: {  	[sflag:s1] =	ssyncadd.s32 $0xFFFF7000  }
0x165: {  	_ =	swait.ge [sflag:s1], $0x9000  }
0x166: {  	[sflag:s1] =	ssyncset.done $0x0  }
0x167: {  	[sflag:s1] =	ssyncadd.s32 $0xFFFF7000  }
0x168: {  	_ =	swait.ge [sflag:s1], $0x9000  }
0x169: {  	p0 =	sne.s32 s5, $0x1;
	[sflag:s1] =	ssyncset.done $0x0  }
.Ltmp0:
0x16a: {  	s8 =	rddreg [dreg:$0x3];
	[sflag:s1] =	ssyncadd.s32 $0xFFFF7000;
	(pc) =	sbr.rel @p0 .LBB2_1-.Ltmp0, $4  }
0x16b: {  	[hbm4b:s8+s2] =	stream.linear.scatter [tilespmem:s7], [sflag:$0x2], $0x1B000, $0x38;
	[tilespmem:$0x1B180] =	vst v63  }
0x16c: {  	_ =	swait.ge [sflag:s6], $0x1B000  }
0x16d: {  	[sflag:s6] =	ssyncset.done $0x0  }
0x16e: {  	s5 =	sadd.s32 $0xFFFFFFFF, s5;
	[sflag:s6] =	ssyncadd.s32 $0xFFFE5000  }
0x16f: {  	_ =	sfence.sel $0x180000  }
0x170: {  	[bflag:$0x0] =	sbarrier.arrive $0xFFFF  }
0x171: {  	_ =	strace $0x90000050  }
0x172: {  	s0 =	stileid.u32;
	[bflag:$0x2] =	sbarrier.arrive $0xFFFF  }
0x173: {  	p0 =	sne.s32 s0, $0x0;
	s0 =	rddreg [dreg:$0x1]  }
0x174: {  	s0 =	sadd.s32 @!p0 $0x100000, s0  }
0x175: {  	[sflag:s0] =	ssyncadd.tile.s32 @!p0 $0x1;
	_ =	shalt  }
.Lfunc_end2:
_tile_overlayer_lowered:
.L_overlay_start_2:
0x176: {  	(tag) =	ssettag $0x2  }
0x177: {  	s0 =	rddreg [dreg:$0x0];
	s2 =	stileid.u32  }
0x178: {  	s1 =	rddreg [dreg:$0x1];
	p0 =	sne.s32 s2, $0x0  }
0x179: {  	s3 =	rddreg [dreg:$0x2];
	[bflag:$0x3] =	sbarrier.arrive $0xFFFF;
	s2 =	simm.s32 @!p0 $0x1C02  }
0x17a: {  	[timem:s3], [sflag:s2] =	dma.local @!p0 [hbm:s0], s1  }
0x17b: {  	s0 =	simm.s32 @!p0 $0x2  }
0x17c: {  	_ =	swait.ge @!p0 [sflag:s0], s1  }
0x17d: {  	s1 =	ssub.s32 @!p0 $0x0, s1;
	[sflag:s0] =	ssyncset.done @!p0 $0x0  }
0x17e: {  	[sflag:s0] =	ssyncadd.s32 @!p0 s1  }
0x17f: {  	[bflag:$0x3] =	sbarrier.arrive $0xFFFF  }
0x180: {  	_ =	shalt  }

</sc_bundles>
